<compile_context>
chip_gen: v7x
topology: tpu7x:2x2x1
jax: 0.10.2.dev20260603
libtpu: 0.0.44.dev20260713+nightly
codegen_flags: <defaults>
</compile_context>

<pallas_src>
import functools

import jax
import jax.numpy as jnp
from jax import lax
from jax.experimental import pallas as pl
from jax.experimental.pallas import tpu as pltpu
from jax.experimental.pallas import tpu_sc as plsc

_NUM_CORES = 2
_NUM_SUBCORES = 16
_INFLIGHT = 20
_GROUP = 2
_CP = 8
_SLAB = 65536
_RB = 2048


def _project(tT, wT, inv_s, *, interpret=False):
    D, V = tT.shape
    C = wT.shape[0]
    nk = 128 // _CP
    jblocks = _SLAB // _RB
    vblocks = -(-V // _RB)

    def body(*refs):
        t_refs, w_ref, o_ref = refs[:nk], refs[nk], refs[nk + 1]
        w = w_ref[...] * inv_s
        zpad = jnp.zeros((_CP - C, _RB), jnp.float32)
        pts = []
        for k in range(nk):
            pt = jnp.dot(w, t_refs[k][...], preferred_element_type=jnp.float32)
            pts.append(pt)
            pts.append(zpad)
        o_ref[...] = jnp.concatenate(pts, axis=0).T

    def t_spec(k):
        return pl.BlockSpec(
            (D, _RB),
            lambda j, k=k: (0, jnp.minimum(k * jblocks + j, vblocks - 1)),
        )

    return pl.pallas_call(
        body,
        grid=(jblocks,),
        in_specs=[t_spec(k) for k in range(nk)]
        + [pl.BlockSpec((C, D), lambda j: (0, 0))],
        out_specs=pl.BlockSpec((_RB, nk * _CP), lambda j: (j, 0)),
        out_shape=jax.ShapeDtypeStruct((_SLAB, nk * _CP), jnp.float32),
        interpret=interpret,
    )(*([tT] * nk), wT)


def _stage(x2, S, B, *, interpret=False):
    nw = _NUM_CORES * _NUM_SUBCORES
    bpw = B // nw
    g = _GROUP
    ng = S // g
    assert x2.shape == (ng, g * B)

    mesh = plsc.VectorSubcoreMesh(
        core_axis_name="c",
        subcore_axis_name="s",
        num_cores=_NUM_CORES,
        num_subcores=_NUM_SUBCORES,
    )

    @functools.partial(
        pl.kernel,
        out_type=jax.ShapeDtypeStruct((nw, ng, g * bpw), jnp.int32),
        mesh=mesh,
        interpret=interpret,
        compiler_params=pltpu.CompilerParams(use_tc_tiling_on_sc=False),
        scratch_types=[
            pltpu.VMEM((ng, g * bpw), jnp.int32),
        ],
    )
    def stage(x_hbm, xr_hbm, xv):
        wid = lax.axis_index("s") * _NUM_CORES + lax.axis_index("c")
        base = wid * bpw
        for h in range(g):
            pltpu.sync_copy(
                x_hbm.at[:, pl.ds(h * B + base, bpw)],
                xv.at[:, pl.ds(h * bpw, bpw)],
            )

        def trow(t, _):
            for j in range(g * bpw // 16):
                vv = xv[t, pl.ds(j * 16, 16)]
                xv[t, pl.ds(j * 16, 16)] = (vv & (_SLAB - 1)) * (
                    128 // _CP
                ) + (vv >> 16)
            return 0

        lax.fori_loop(0, ng, trow, 0)
        pltpu.sync_copy(xv, xr_hbm.at[wid])

    return stage(x2)


def _pool(xr, p3, btile, S, B, *, interpret=False):
    nw = _NUM_CORES * _NUM_SUBCORES
    bpw = B // nw
    k = _INFLIGHT
    g = _GROUP
    ng = S // g
    assert xr.shape == (nw, ng, g * bpw)
    assert B % nw == 0 and ng % k == 0 and btile.shape == (g * bpw, _CP)

    mesh = plsc.VectorSubcoreMesh(
        core_axis_name="c",
        subcore_axis_name="s",
        num_cores=_NUM_CORES,
        num_subcores=_NUM_SUBCORES,
    )

    @functools.partial(
        pl.kernel,
        out_type=jax.ShapeDtypeStruct((B, _CP), jnp.float32),
        mesh=mesh,
        interpret=interpret,
        compiler_params=pltpu.CompilerParams(use_tc_tiling_on_sc=False),
        scratch_types=[
            pltpu.VMEM((ng, g * bpw), jnp.int32),
            pltpu.VMEM((g * bpw, _CP), jnp.float32),
            pltpu.VMEM_SHARED((_NUM_SUBCORES * B // nw, _CP), jnp.float32),
            pltpu.VMEM((bpw,), jnp.int32),
            pltpu.SemaphoreType.DMA,
        ],
    )
    def pool(xr_hbm, p3_hbm, btile_hbm, out_hbm, xv, acc, fold, idxv, sem):
        wid = lax.axis_index("s") * _NUM_CORES + lax.axis_index("c")
        base = wid * bpw
        pltpu.sync_copy(xr_hbm.at[wid], xv)
        pltpu.sync_copy(btile_hbm, acc)

        p8 = p3_hbm

        for j in range(k):
            pltpu.async_copy(p8.at[xv.at[j]], acc, sem, add=True)

        def chunk(c, _):
            g0 = c * k
            for j in range(k):
                pltpu.async_copy(p8.at[xv.at[g0 + k + j]], acc, sem, add=True)
            for _j in range(k):
                pltpu.make_async_copy(p8.at[xv.at[0]], acc, sem).wait()
            return 0

        lax.fori_loop(0, ng // k - 1, chunk, 0)
        for _j in range(k):
            pltpu.make_async_copy(p8.at[xv.at[0]], acc, sem).wait()
        sid = lax.axis_index("s")
        sbase = sid * bpw

        def ib(j, _):
            idxv[pl.ds(j * 16, 16)] = (
                lax.iota(jnp.int32, 16) + (sbase + j * 16)
            )
            return 0

        lax.fori_loop(0, bpw // 16, ib, 0)
        pltpu.sync_copy(acc.at[pl.ds(0, bpw)], fold.at[pl.ds(sbase, bpw)])
        for h in range(1, g):
            pltpu.sync_copy(
                acc.at[pl.ds(h * bpw, bpw)], fold.at[idxv], add=True
            )
        pltpu.sync_copy(
            fold.at[pl.ds(sbase, bpw)], out_hbm.at[pl.ds(base, bpw)]
        )

    return pool(xr, p3, btile)


def kernel(x, table, W, b):
    S, B = x.shape
    D, C = W.shape
    bpw = B // (_NUM_CORES * _NUM_SUBCORES)
    b8 = jnp.zeros((_CP,), jnp.float32).at[:C].set(b)
    btile = jnp.concatenate(
        [jnp.tile(b8, (bpw, 1)), jnp.zeros(((_GROUP - 1) * bpw, _CP))]
    )
    xr = _stage(x.reshape(S // _GROUP, _GROUP * B), S, B)
    p3 = _project(table.T, W.T, 1.0 / S)
    out8 = _pool(xr, p3.reshape(_SLAB * (128 // _CP), _CP), btile, S, B)
    return out8[:, :C]

# --- scband reference (transcript-rebuilt; emitter-appended) ---
"""Pipeline reference for scband-fasttext-30477087932820 (READ-ONLY COPY).

The authoritative reference and input builder live on the scoring server;
editing this copy changes nothing except your own understanding.
"""

import jax, jax.numpy as jnp
import numpy as np

VOCAB = 1000000
DIM = 64
NUM_CLASSES = 5
PAD_IDX = 0
SEQ = 200
BATCH = 4096

def setup_inputs(seed: int = 0) -> dict:
    key = jax.random.key(seed)
    k1, k2, k3 = jax.random.split(key, 3)
    x = jax.random.randint(k1, (SEQ, BATCH), 0, VOCAB, dtype=jnp.int32)
    table = jax.random.normal(k2, (VOCAB, DIM), dtype=jnp.float32) * 0.1
    table = table.at[PAD_IDX].set(0.0)  # padding_idx row is zero
    W = jax.random.normal(k3, (DIM, NUM_CLASSES), dtype=jnp.float32) * 0.02
    b = jnp.zeros((NUM_CLASSES,), dtype=jnp.float32)
    return {"x": x, "table": table, "W": W, "b": b}

def reference(x, table, W, b):
    # nn.Embedding lookup: [S, B] -> [S, B, D]
    embedded = jnp.take(table, x, axis=0)
    # permute(1, 0, 2): [B, S, D]
    embedded = jnp.transpose(embedded, (1, 0, 2))
    # F.avg_pool2d(kernel=(S,1)) then squeeze(1) == mean over seq dim
    pooled = jnp.mean(embedded, axis=1)  # [B, D]
    # fc
    out = pooled @ W + b  # [B, NUM_CLASSES]
    return out

if __name__ == "__main__":
    import jax
    _d = setup_inputs()
    print(jax.jit(kernel)(*tuple(_d.values())))

</pallas_src>

<mosaic_0001>
#map = affine_map<(d0, d1) -> (0, 0)>
#map1 = affine_map<(d0, d1) -> (0, 0, 0)>
module attributes {stable_mosaic.version = 14 : i64} {
  func.func @stage(%arg0: i32, %arg1: i32, %arg2: memref<100x8192xi32, #tpu.memory_space<hbm>>, %arg3: memref<32x100x256xi32, #tpu.memory_space<hbm>>, %arg4: memref<100x256xi32, #tpu.memory_space<vmem>>) attributes {dimension_semantics = [#tpu.dimension_semantics<core_parallel>, #tpu.dimension_semantics<subcore_parallel>], iteration_bounds = array<i64: 2, 16>, scalar_prefetch = 0 : i64, scratch_operands = 1 : i64, tpu.core_type = #tpu.core_type<sc_vector_subcore>, window_params = [{transform_indices = #map}, {transform_indices = #map1}]} {
    %mul3A = arith.constant 2 : i32
    %mul3A_0 = arith.muli %arg1, %mul3A : i32
    %add3A = arith.addi %mul3A_0, %arg0 : i32
    %mul3A_1 = arith.constant 128 : i32
    %mul3A_2 = arith.muli %add3A, %mul3A_1 : i32
    %add3A_3 = arith.constant 0 : i32
    %add3A_4 = arith.addi %add3A_3, %mul3A_2 : i32
    "tpu.region"() ({
      %run_scoped3A = tpu.sem_alloc : memref<!tpu.dma_semaphore, #tpu.memory_space<semaphore_mem>>
      %dma_start3A = arith.constant 0 : i32
      %dma_start3A_13 = arith.constant 0 : i32
      %dma_start3A_14 = tpu.memref_slice %arg4[%dma_start3A, %dma_start3A_13] : memref<100x256xi32, #tpu.memory_space<vmem>> -> memref<100x128xi32, #tpu.memory_space<vmem>>
      %dma_start3A_15 = arith.constant 0 : i32
      %dma_start3A_16 = tpu.memref_slice %arg2[%dma_start3A_15, %add3A_4] : memref<100x8192xi32, #tpu.memory_space<hbm>> -> memref<100x128xi32, #tpu.memory_space<hbm>>
      %dma_start3A_17 = arith.constant 0 : i32
      %dma_start3A_18 = arith.constant 0 : i32
      %dma_start3A_19 = tpu.memref_slice %arg4[%dma_start3A_17, %dma_start3A_18] : memref<100x256xi32, #tpu.memory_space<vmem>> -> memref<100x128xi32, #tpu.memory_space<vmem>>
      %dma_start3A_20 = arith.constant 0 : i32
      %dma_start3A_21 = tpu.memref_slice %arg2[%dma_start3A_20, %add3A_4] : memref<100x8192xi32, #tpu.memory_space<hbm>> -> memref<100x128xi32, #tpu.memory_space<hbm>>
      tpu.enqueue_dma source(%dma_start3A_21 : memref<100x128xi32, #tpu.memory_space<hbm>>) target(%dma_start3A_19 : memref<100x128xi32, #tpu.memory_space<vmem>>) target_semaphore(%run_scoped3A : memref<!tpu.dma_semaphore, #tpu.memory_space<semaphore_mem>>)
      %dma_wait3A = arith.constant 0 : i32
      %dma_wait3A_22 = arith.constant 0 : i32
      %dma_wait3A_23 = tpu.memref_slice %arg4[%dma_wait3A, %dma_wait3A_22] : memref<100x256xi32, #tpu.memory_space<vmem>> -> memref<100x128xi32, #tpu.memory_space<vmem>>
      %dma_wait3A_24 = arith.constant 0 : i32
      %dma_wait3A_25 = tpu.memref_slice %arg2[%dma_wait3A_24, %add3A_4] : memref<100x8192xi32, #tpu.memory_space<hbm>> -> memref<100x128xi32, #tpu.memory_space<hbm>>
      %dma_wait3A_26 = arith.constant 0 : i32
      %dma_wait3A_27 = arith.constant 0 : i32
      %dma_wait3A_28 = tpu.memref_slice %arg4[%dma_wait3A_26, %dma_wait3A_27] : memref<100x256xi32, #tpu.memory_space<vmem>> -> memref<100x128xi32, #tpu.memory_space<vmem>>
      %dma_wait3A_29 = arith.constant 0 : i32
      %dma_wait3A_30 = tpu.memref_slice %arg2[%dma_wait3A_29, %add3A_4] : memref<100x8192xi32, #tpu.memory_space<hbm>> -> memref<100x128xi32, #tpu.memory_space<hbm>>
      tpu.wait_dma2 semaphore(%run_scoped3A : memref<!tpu.dma_semaphore, #tpu.memory_space<semaphore_mem>>) src(%dma_wait3A_30 : memref<100x128xi32, #tpu.memory_space<hbm>>) dst(%dma_wait3A_28 : memref<100x128xi32, #tpu.memory_space<vmem>>)
      tpu.yield
    }) : () -> ()
    %add3A_5 = arith.constant 4096 : i32
    %add3A_6 = arith.addi %add3A_5, %mul3A_2 : i32
    "tpu.region"() ({
      %run_scoped3A = tpu.sem_alloc : memref<!tpu.dma_semaphore, #tpu.memory_space<semaphore_mem>>
      %dma_start3A = arith.constant 0 : i32
      %dma_start3A_13 = arith.constant 128 : i32
      %dma_start3A_14 = tpu.memref_slice %arg4[%dma_start3A, %dma_start3A_13] : memref<100x256xi32, #tpu.memory_space<vmem>> -> memref<100x128xi32, #tpu.memory_space<vmem>>
      %dma_start3A_15 = arith.constant 0 : i32
      %dma_start3A_16 = tpu.memref_slice %arg2[%dma_start3A_15, %add3A_6] : memref<100x8192xi32, #tpu.memory_space<hbm>> -> memref<100x128xi32, #tpu.memory_space<hbm>>
      %dma_start3A_17 = arith.constant 0 : i32
      %dma_start3A_18 = arith.constant 128 : i32
      %dma_start3A_19 = tpu.memref_slice %arg4[%dma_start3A_17, %dma_start3A_18] : memref<100x256xi32, #tpu.memory_space<vmem>> -> memref<100x128xi32, #tpu.memory_space<vmem>>
      %dma_start3A_20 = arith.constant 0 : i32
      %dma_start3A_21 = tpu.memref_slice %arg2[%dma_start3A_20, %add3A_6] : memref<100x8192xi32, #tpu.memory_space<hbm>> -> memref<100x128xi32, #tpu.memory_space<hbm>>
      tpu.enqueue_dma source(%dma_start3A_21 : memref<100x128xi32, #tpu.memory_space<hbm>>) target(%dma_start3A_19 : memref<100x128xi32, #tpu.memory_space<vmem>>) target_semaphore(%run_scoped3A : memref<!tpu.dma_semaphore, #tpu.memory_space<semaphore_mem>>)
      %dma_wait3A = arith.constant 0 : i32
      %dma_wait3A_22 = arith.constant 128 : i32
      %dma_wait3A_23 = tpu.memref_slice %arg4[%dma_wait3A, %dma_wait3A_22] : memref<100x256xi32, #tpu.memory_space<vmem>> -> memref<100x128xi32, #tpu.memory_space<vmem>>
      %dma_wait3A_24 = arith.constant 0 : i32
      %dma_wait3A_25 = tpu.memref_slice %arg2[%dma_wait3A_24, %add3A_6] : memref<100x8192xi32, #tpu.memory_space<hbm>> -> memref<100x128xi32, #tpu.memory_space<hbm>>
      %dma_wait3A_26 = arith.constant 0 : i32
      %dma_wait3A_27 = arith.constant 128 : i32
      %dma_wait3A_28 = tpu.memref_slice %arg4[%dma_wait3A_26, %dma_wait3A_27] : memref<100x256xi32, #tpu.memory_space<vmem>> -> memref<100x128xi32, #tpu.memory_space<vmem>>
      %dma_wait3A_29 = arith.constant 0 : i32
      %dma_wait3A_30 = tpu.memref_slice %arg2[%dma_wait3A_29, %add3A_6] : memref<100x8192xi32, #tpu.memory_space<hbm>> -> memref<100x128xi32, #tpu.memory_space<hbm>>
      tpu.wait_dma2 semaphore(%run_scoped3A : memref<!tpu.dma_semaphore, #tpu.memory_space<semaphore_mem>>) src(%dma_wait3A_30 : memref<100x128xi32, #tpu.memory_space<hbm>>) dst(%dma_wait3A_28 : memref<100x128xi32, #tpu.memory_space<vmem>>)
      tpu.yield
    }) : () -> ()
    %scan3A = arith.constant 0 : i32
    %scan3A_7 = arith.constant 0 : i32
    %scan3A_8 = arith.constant 100 : i32
    %scan3A_9 = arith.addi %scan3A_7, %scan3A_8 : i32
    %scan3A_10 = arith.constant 1 : i32
    %scan3A_11 = scf.for %scan3A_13 = %scan3A_7 to %scan3A_9 step %scan3A_10 iter_args(%scan3A_14 = %scan3A) -> (i32)  : i32 {
      %get3A = arith.index_cast %scan3A_13 : i32 to index
      %get3A_15 = arith.constant 0 : index
      %get3A_16 = tpu.vector_load %arg4[%get3A, %get3A_15] {strides = array<i32>} : memref<100x256xi32, #tpu.memory_space<vmem>>, vector<1x16xi32>,
      %get3A_17 = vector.shape_cast %get3A_16 : vector<1x16xi32> to vector<16xi32>
      %and3A = arith.constant 65535 : i32
      %and3A_18 = vector.broadcast %and3A : i32 to vector<16xi32>
      %and3A_19 = arith.andi %get3A_17, %and3A_18 : vector<16xi32>
      %mul3A_20 = arith.constant 16 : i32
      %mul3A_21 = vector.broadcast %mul3A_20 : i32 to vector<16xi32>
      %mul3A_22 = arith.muli %and3A_19, %mul3A_21 : vector<16xi32>
      %shift_right_arithmetic3A = arith.constant 16 : i32
      %shift_right_arithmetic3A_23 = vector.broadcast %shift_right_arithmetic3A : i32 to vector<16xi32>
      %shift_right_arithmetic3A_24 = arith.shrsi %get3A_17, %shift_right_arithmetic3A_23 : vector<16xi32>
      %add3A_25 = arith.addi %mul3A_22, %shift_right_arithmetic3A_24 : vector<16xi32>
      %swap3A = arith.index_cast %scan3A_13 : i32 to index
      %swap3A_26 = arith.constant 0 : index
      %swap3A_27 = tpu.vector_load %arg4[%swap3A, %swap3A_26] {strides = array<i32>} : memref<100x256xi32, #tpu.memory_space<vmem>>, vector<1x16xi32>,
      %swap3A_28 = vector.shape_cast %swap3A_27 : vector<1x16xi32> to vector<16xi32>
      %swap3A_29 = vector.shape_cast %add3A_25 : vector<16xi32> to vector<1x16xi32>
      tpu.vector_store %arg4[%swap3A, %swap3A_26], %swap3A_29 {strides = array<i32>} : memref<100x256xi32, #tpu.memory_space<vmem>>, vector<1x16xi32>,
      %get3A_30 = arith.index_cast %scan3A_13 : i32 to index
      %get3A_31 = arith.constant 16 : index
      %get3A_32 = tpu.vector_load %arg4[%get3A_30, %get3A_31] {strides = array<i32>} : memref<100x256xi32, #tpu.memory_space<vmem>>, vector<1x16xi32>,
      %get3A_33 = vector.shape_cast %get3A_32 : vector<1x16xi32> to vector<16xi32>
      %and3A_34 = arith.constant 65535 : i32
      %and3A_35 = vector.broadcast %and3A_34 : i32 to vector<16xi32>
      %and3A_36 = arith.andi %get3A_33, %and3A_35 : vector<16xi32>
      %mul3A_37 = arith.constant 16 : i32
      %mul3A_38 = vector.broadcast %mul3A_37 : i32 to vector<16xi32>
      %mul3A_39 = arith.muli %and3A_36, %mul3A_38 : vector<16xi32>
      %shift_right_arithmetic3A_40 = arith.constant 16 : i32
      %shift_right_arithmetic3A_41 = vector.broadcast %shift_right_arithmetic3A_40 : i32 to vector<16xi32>
      %shift_right_arithmetic3A_42 = arith.shrsi %get3A_33, %shift_right_arithmetic3A_41 : vector<16xi32>
      %add3A_43 = arith.addi %mul3A_39, %shift_right_arithmetic3A_42 : vector<16xi32>
      %swap3A_44 = arith.index_cast %scan3A_13 : i32 to index
      %swap3A_45 = arith.constant 16 : index
      %swap3A_46 = tpu.vector_load %arg4[%swap3A_44, %swap3A_45] {strides = array<i32>} : memref<100x256xi32, #tpu.memory_space<vmem>>, vector<1x16xi32>,
      %swap3A_47 = vector.shape_cast %swap3A_46 : vector<1x16xi32> to vector<16xi32>
      %swap3A_48 = vector.shape_cast %add3A_43 : vector<16xi32> to vector<1x16xi32>
      tpu.vector_store %arg4[%swap3A_44, %swap3A_45], %swap3A_48 {strides = array<i32>} : memref<100x256xi32, #tpu.memory_space<vmem>>, vector<1x16xi32>,
      %get3A_49 = arith.index_cast %scan3A_13 : i32 to index
      %get3A_50 = arith.constant 32 : index
      %get3A_51 = tpu.vector_load %arg4[%get3A_49, %get3A_50] {strides = array<i32>} : memref<100x256xi32, #tpu.memory_space<vmem>>, vector<1x16xi32>,
      %get3A_52 = vector.shape_cast %get3A_51 : vector<1x16xi32> to vector<16xi32>
      %and3A_53 = arith.constant 65535 : i32
      %and3A_54 = vector.broadcast %and3A_53 : i32 to vector<16xi32>
      %and3A_55 = arith.andi %get3A_52, %and3A_54 : vector<16xi32>
      %mul3A_56 = arith.constant 16 : i32
      %mul3A_57 = vector.broadcast %mul3A_56 : i32 to vector<16xi32>
      %mul3A_58 = arith.muli %and3A_55, %mul3A_57 : vector<16xi32>
      %shift_right_arithmetic3A_59 = arith.constant 16 : i32
      %shift_right_arithmetic3A_60 = vector.broadcast %shift_right_arithmetic3A_59 : i32 to vector<16xi32>
      %shift_right_arithmetic3A_61 = arith.shrsi %get3A_52, %shift_right_arithmetic3A_60 : vector<16xi32>
      %add3A_62 = arith.addi %mul3A_58, %shift_right_arithmetic3A_61 : vector<16xi32>
      %swap3A_63 = arith.index_cast %scan3A_13 : i32 to index
      %swap3A_64 = arith.constant 32 : index
      %swap3A_65 = tpu.vector_load %arg4[%swap3A_63, %swap3A_64] {strides = array<i32>} : memref<100x256xi32, #tpu.memory_space<vmem>>, vector<1x16xi32>,
      %swap3A_66 = vector.shape_cast %swap3A_65 : vector<1x16xi32> to vector<16xi32>
      %swap3A_67 = vector.shape_cast %add3A_62 : vector<16xi32> to vector<1x16xi32>
      tpu.vector_store %arg4[%swap3A_63, %swap3A_64], %swap3A_67 {strides = array<i32>} : memref<100x256xi32, #tpu.memory_space<vmem>>, vector<1x16xi32>,
      %get3A_68 = arith.index_cast %scan3A_13 : i32 to index
      %get3A_69 = arith.constant 48 : index
      %get3A_70 = tpu.vector_load %arg4[%get3A_68, %get3A_69] {strides = array<i32>} : memref<100x256xi32, #tpu.memory_space<vmem>>, vector<1x16xi32>,
      %get3A_71 = vector.shape_cast %get3A_70 : vector<1x16xi32> to vector<16xi32>
      %and3A_72 = arith.constant 65535 : i32
      %and3A_73 = vector.broadcast %and3A_72 : i32 to vector<16xi32>
      %and3A_74 = arith.andi %get3A_71, %and3A_73 : vector<16xi32>
      %mul3A_75 = arith.constant 16 : i32
      %mul3A_76 = vector.broadcast %mul3A_75 : i32 to vector<16xi32>
      %mul3A_77 = arith.muli %and3A_74, %mul3A_76 : vector<16xi32>
      %shift_right_arithmetic3A_78 = arith.constant 16 : i32
      %shift_right_arithmetic3A_79 = vector.broadcast %shift_right_arithmetic3A_78 : i32 to vector<16xi32>
      %shift_right_arithmetic3A_80 = arith.shrsi %get3A_71, %shift_right_arithmetic3A_79 : vector<16xi32>
      %add3A_81 = arith.addi %mul3A_77, %shift_right_arithmetic3A_80 : vector<16xi32>
      %swap3A_82 = arith.index_cast %scan3A_13 : i32 to index
      %swap3A_83 = arith.constant 48 : index
      %swap3A_84 = tpu.vector_load %arg4[%swap3A_82, %swap3A_83] {strides = array<i32>} : memref<100x256xi32, #tpu.memory_space<vmem>>, vector<1x16xi32>,
      %swap3A_85 = vector.shape_cast %swap3A_84 : vector<1x16xi32> to vector<16xi32>
      %swap3A_86 = vector.shape_cast %add3A_81 : vector<16xi32> to vector<1x16xi32>
      tpu.vector_store %arg4[%swap3A_82, %swap3A_83], %swap3A_86 {strides = array<i32>} : memref<100x256xi32, #tpu.memory_space<vmem>>, vector<1x16xi32>,
      %get3A_87 = arith.index_cast %scan3A_13 : i32 to index
      %get3A_88 = arith.constant 64 : index
      %get3A_89 = tpu.vector_load %arg4[%get3A_87, %get3A_88] {strides = array<i32>} : memref<100x256xi32, #tpu.memory_space<vmem>>, vector<1x16xi32>,
      %get3A_90 = vector.shape_cast %get3A_89 : vector<1x16xi32> to vector<16xi32>
      %and3A_91 = arith.constant 65535 : i32
      %and3A_92 = vector.broadcast %and3A_91 : i32 to vector<16xi32>
      %and3A_93 = arith.andi %get3A_90, %and3A_92 : vector<16xi32>
      %mul3A_94 = arith.constant 16 : i32
      %mul3A_95 = vector.broadcast %mul3A_94 : i32 to vector<16xi32>
      %mul3A_96 = arith.muli %and3A_93, %mul3A_95 : vector<16xi32>
      %shift_right_arithmetic3A_97 = arith.constant 16 : i32
      %shift_right_arithmetic3A_98 = vector.broadcast %shift_right_arithmetic3A_97 : i32 to vector<16xi32>
      %shift_right_arithmetic3A_99 = arith.shrsi %get3A_90, %shift_right_arithmetic3A_98 : vector<16xi32>
      %add3A_100 = arith.addi %mul3A_96, %shift_right_arithmetic3A_99 : vector<16xi32>
      %swap3A_101 = arith.index_cast %scan3A_13 : i32 to index
      %swap3A_102 = arith.constant 64 : index
      %swap3A_103 = tpu.vector_load %arg4[%swap3A_101, %swap3A_102] {strides = array<i32>} : memref<100x256xi32, #tpu.memory_space<vmem>>, vector<1x16xi32>,
      %swap3A_104 = vector.shape_cast %swap3A_103 : vector<1x16xi32> to vector<16xi32>
      %swap3A_105 = vector.shape_cast %add3A_100 : vector<16xi32> to vector<1x16xi32>
      tpu.vector_store %arg4[%swap3A_101, %swap3A_102], %swap3A_105 {strides = array<i32>} : memref<100x256xi32, #tpu.memory_space<vmem>>, vector<1x16xi32>,
      %get3A_106 = arith.index_cast %scan3A_13 : i32 to index
      %get3A_107 = arith.constant 80 : index
      %get3A_108 = tpu.vector_load %arg4[%get3A_106, %get3A_107] {strides = array<i32>} : memref<100x256xi32, #tpu.memory_space<vmem>>, vector<1x16xi32>,
      %get3A_109 = vector.shape_cast %get3A_108 : vector<1x16xi32> to vector<16xi32>
      %and3A_110 = arith.constant 65535 : i32
      %and3A_111 = vector.broadcast %and3A_110 : i32 to vector<16xi32>
      %and3A_112 = arith.andi %get3A_109, %and3A_111 : vector<16xi32>
      %mul3A_113 = arith.constant 16 : i32
      %mul3A_114 = vector.broadcast %mul3A_113 : i32 to vector<16xi32>
      %mul3A_115 = arith.muli %and3A_112, %mul3A_114 : vector<16xi32>
      %shift_right_arithmetic3A_116 = arith.constant 16 : i32
      %shift_right_arithmetic3A_117 = vector.broadcast %shift_right_arithmetic3A_116 : i32 to vector<16xi32>
      %shift_right_arithmetic3A_118 = arith.shrsi %get3A_109, %shift_right_arithmetic3A_117 : vector<16xi32>
      %add3A_119 = arith.addi %mul3A_115, %shift_right_arithmetic3A_118 : vector<16xi32>
      %swap3A_120 = arith.index_cast %scan3A_13 : i32 to index
      %swap3A_121 = arith.constant 80 : index
      %swap3A_122 = tpu.vector_load %arg4[%swap3A_120, %swap3A_121] {strides = array<i32>} : memref<100x256xi32, #tpu.memory_space<vmem>>, vector<1x16xi32>,
      %swap3A_123 = vector.shape_cast %swap3A_122 : vector<1x16xi32> to vector<16xi32>
      %swap3A_124 = vector.shape_cast %add3A_119 : vector<16xi32> to vector<1x16xi32>
      tpu.vector_store %arg4[%swap3A_120, %swap3A_121], %swap3A_124 {strides = array<i32>} : memref<100x256xi32, #tpu.memory_space<vmem>>, vector<1x16xi32>,
      %get3A_125 = arith.index_cast %scan3A_13 : i32 to index
      %get3A_126 = arith.constant 96 : index
      %get3A_127 = tpu.vector_load %arg4[%get3A_125, %get3A_126] {strides = array<i32>} : memref<100x256xi32, #tpu.memory_space<vmem>>, vector<1x16xi32>,
      %get3A_128 = vector.shape_cast %get3A_127 : vector<1x16xi32> to vector<16xi32>
      %and3A_129 = arith.constant 65535 : i32
      %and3A_130 = vector.broadcast %and3A_129 : i32 to vector<16xi32>
      %and3A_131 = arith.andi %get3A_128, %and3A_130 : vector<16xi32>
      %mul3A_132 = arith.constant 16 : i32
      %mul3A_133 = vector.broadcast %mul3A_132 : i32 to vector<16xi32>
      %mul3A_134 = arith.muli %and3A_131, %mul3A_133 : vector<16xi32>
      %shift_right_arithmetic3A_135 = arith.constant 16 : i32
      %shift_right_arithmetic3A_136 = vector.broadcast %shift_right_arithmetic3A_135 : i32 to vector<16xi32>
      %shift_right_arithmetic3A_137 = arith.shrsi %get3A_128, %shift_right_arithmetic3A_136 : vector<16xi32>
      %add3A_138 = arith.addi %mul3A_134, %shift_right_arithmetic3A_137 : vector<16xi32>
      %swap3A_139 = arith.index_cast %scan3A_13 : i32 to index
      %swap3A_140 = arith.constant 96 : index
      %swap3A_141 = tpu.vector_load %arg4[%swap3A_139, %swap3A_140] {strides = array<i32>} : memref<100x256xi32, #tpu.memory_space<vmem>>, vector<1x16xi32>,
      %swap3A_142 = vector.shape_cast %swap3A_141 : vector<1x16xi32> to vector<16xi32>
      %swap3A_143 = vector.shape_cast %add3A_138 : vector<16xi32> to vector<1x16xi32>
      tpu.vector_store %arg4[%swap3A_139, %swap3A_140], %swap3A_143 {strides = array<i32>} : memref<100x256xi32, #tpu.memory_space<vmem>>, vector<1x16xi32>,
      %get3A_144 = arith.index_cast %scan3A_13 : i32 to index
      %get3A_145 = arith.constant 112 : index
      %get3A_146 = tpu.vector_load %arg4[%get3A_144, %get3A_145] {strides = array<i32>} : memref<100x256xi32, #tpu.memory_space<vmem>>, vector<1x16xi32>,
      %get3A_147 = vector.shape_cast %get3A_146 : vector<1x16xi32> to vector<16xi32>
      %and3A_148 = arith.constant 65535 : i32
      %and3A_149 = vector.broadcast %and3A_148 : i32 to vector<16xi32>
      %and3A_150 = arith.andi %get3A_147, %and3A_149 : vector<16xi32>
      %mul3A_151 = arith.constant 16 : i32
      %mul3A_152 = vector.broadcast %mul3A_151 : i32 to vector<16xi32>
      %mul3A_153 = arith.muli %and3A_150, %mul3A_152 : vector<16xi32>
      %shift_right_arithmetic3A_154 = arith.constant 16 : i32
      %shift_right_arithmetic3A_155 = vector.broadcast %shift_right_arithmetic3A_154 : i32 to vector<16xi32>
      %shift_right_arithmetic3A_156 = arith.shrsi %get3A_147, %shift_right_arithmetic3A_155 : vector<16xi32>
      %add3A_157 = arith.addi %mul3A_153, %shift_right_arithmetic3A_156 : vector<16xi32>
      %swap3A_158 = arith.index_cast %scan3A_13 : i32 to index
      %swap3A_159 = arith.constant 112 : index
      %swap3A_160 = tpu.vector_load %arg4[%swap3A_158, %swap3A_159] {strides = array<i32>} : memref<100x256xi32, #tpu.memory_space<vmem>>, vector<1x16xi32>,
      %swap3A_161 = vector.shape_cast %swap3A_160 : vector<1x16xi32> to vector<16xi32>
      %swap3A_162 = vector.shape_cast %add3A_157 : vector<16xi32> to vector<1x16xi32>
      tpu.vector_store %arg4[%swap3A_158, %swap3A_159], %swap3A_162 {strides = array<i32>} : memref<100x256xi32, #tpu.memory_space<vmem>>, vector<1x16xi32>,
      %get3A_163 = arith.index_cast %scan3A_13 : i32 to index
      %get3A_164 = arith.constant 128 : index
      %get3A_165 = tpu.vector_load %arg4[%get3A_163, %get3A_164] {strides = array<i32>} : memref<100x256xi32, #tpu.memory_space<vmem>>, vector<1x16xi32>,
      %get3A_166 = vector.shape_cast %get3A_165 : vector<1x16xi32> to vector<16xi32>
      %and3A_167 = arith.constant 65535 : i32
      %and3A_168 = vector.broadcast %and3A_167 : i32 to vector<16xi32>
      %and3A_169 = arith.andi %get3A_166, %and3A_168 : vector<16xi32>
      %mul3A_170 = arith.constant 16 : i32
      %mul3A_171 = vector.broadcast %mul3A_170 : i32 to vector<16xi32>
      %mul3A_172 = arith.muli %and3A_169, %mul3A_171 : vector<16xi32>
      %shift_right_arithmetic3A_173 = arith.constant 16 : i32
      %shift_right_arithmetic3A_174 = vector.broadcast %shift_right_arithmetic3A_173 : i32 to vector<16xi32>
      %shift_right_arithmetic3A_175 = arith.shrsi %get3A_166, %shift_right_arithmetic3A_174 : vector<16xi32>
      %add3A_176 = arith.addi %mul3A_172, %shift_right_arithmetic3A_175 : vector<16xi32>
      %swap3A_177 = arith.index_cast %scan3A_13 : i32 to index
      %swap3A_178 = arith.constant 128 : index
      %swap3A_179 = tpu.vector_load %arg4[%swap3A_177, %swap3A_178] {strides = array<i32>} : memref<100x256xi32, #tpu.memory_space<vmem>>, vector<1x16xi32>,
      %swap3A_180 = vector.shape_cast %swap3A_179 : vector<1x16xi32> to vector<16xi32>
      %swap3A_181 = vector.shape_cast %add3A_176 : vector<16xi32> to vector<1x16xi32>
      tpu.vector_store %arg4[%swap3A_177, %swap3A_178], %swap3A_181 {strides = array<i32>} : memref<100x256xi32, #tpu.memory_space<vmem>>, vector<1x16xi32>,
      %get3A_182 = arith.index_cast %scan3A_13 : i32 to index
      %get3A_183 = arith.constant 144 : index
      %get3A_184 = tpu.vector_load %arg4[%get3A_182, %get3A_183] {strides = array<i32>} : memref<100x256xi32, #tpu.memory_space<vmem>>, vector<1x16xi32>,
      %get3A_185 = vector.shape_cast %get3A_184 : vector<1x16xi32> to vector<16xi32>
      %and3A_186 = arith.constant 65535 : i32
      %and3A_187 = vector.broadcast %and3A_186 : i32 to vector<16xi32>
      %and3A_188 = arith.andi %get3A_185, %and3A_187 : vector<16xi32>
      %mul3A_189 = arith.constant 16 : i32
      %mul3A_190 = vector.broadcast %mul3A_189 : i32 to vector<16xi32>
      %mul3A_191 = arith.muli %and3A_188, %mul3A_190 : vector<16xi32>
      %shift_right_arithmetic3A_192 = arith.constant 16 : i32
      %shift_right_arithmetic3A_193 = vector.broadcast %shift_right_arithmetic3A_192 : i32 to vector<16xi32>
      %shift_right_arithmetic3A_194 = arith.shrsi %get3A_185, %shift_right_arithmetic3A_193 : vector<16xi32>
      %add3A_195 = arith.addi %mul3A_191, %shift_right_arithmetic3A_194 : vector<16xi32>
      %swap3A_196 = arith.index_cast %scan3A_13 : i32 to index
      %swap3A_197 = arith.constant 144 : index
      %swap3A_198 = tpu.vector_load %arg4[%swap3A_196, %swap3A_197] {strides = array<i32>} : memref<100x256xi32, #tpu.memory_space<vmem>>, vector<1x16xi32>,
      %swap3A_199 = vector.shape_cast %swap3A_198 : vector<1x16xi32> to vector<16xi32>
      %swap3A_200 = vector.shape_cast %add3A_195 : vector<16xi32> to vector<1x16xi32>
      tpu.vector_store %arg4[%swap3A_196, %swap3A_197], %swap3A_200 {strides = array<i32>} : memref<100x256xi32, #tpu.memory_space<vmem>>, vector<1x16xi32>,
      %get3A_201 = arith.index_cast %scan3A_13 : i32 to index
      %get3A_202 = arith.constant 160 : index
      %get3A_203 = tpu.vector_load %arg4[%get3A_201, %get3A_202] {strides = array<i32>} : memref<100x256xi32, #tpu.memory_space<vmem>>, vector<1x16xi32>,
      %get3A_204 = vector.shape_cast %get3A_203 : vector<1x16xi32> to vector<16xi32>
      %and3A_205 = arith.constant 65535 : i32
      %and3A_206 = vector.broadcast %and3A_205 : i32 to vector<16xi32>
      %and3A_207 = arith.andi %get3A_204, %and3A_206 : vector<16xi32>
      %mul3A_208 = arith.constant 16 : i32
      %mul3A_209 = vector.broadcast %mul3A_208 : i32 to vector<16xi32>
      %mul3A_210 = arith.muli %and3A_207, %mul3A_209 : vector<16xi32>
      %shift_right_arithmetic3A_211 = arith.constant 16 : i32
      %shift_right_arithmetic3A_212 = vector.broadcast %shift_right_arithmetic3A_211 : i32 to vector<16xi32>
      %shift_right_arithmetic3A_213 = arith.shrsi %get3A_204, %shift_right_arithmetic3A_212 : vector<16xi32>
      %add3A_214 = arith.addi %mul3A_210, %shift_right_arithmetic3A_213 : vector<16xi32>
      %swap3A_215 = arith.index_cast %scan3A_13 : i32 to index
      %swap3A_216 = arith.constant 160 : index
      %swap3A_217 = tpu.vector_load %arg4[%swap3A_215, %swap3A_216] {strides = array<i32>} : memref<100x256xi32, #tpu.memory_space<vmem>>, vector<1x16xi32>,
      %swap3A_218 = vector.shape_cast %swap3A_217 : vector<1x16xi32> to vector<16xi32>
      %swap3A_219 = vector.shape_cast %add3A_214 : vector<16xi32> to vector<1x16xi32>
      tpu.vector_store %arg4[%swap3A_215, %swap3A_216], %swap3A_219 {strides = array<i32>} : memref<100x256xi32, #tpu.memory_space<vmem>>, vector<1x16xi32>,
      %get3A_220 = arith.index_cast %scan3A_13 : i32 to index
      %get3A_221 = arith.constant 176 : index
      %get3A_222 = tpu.vector_load %arg4[%get3A_220, %get3A_221] {strides = array<i32>} : memref<100x256xi32, #tpu.memory_space<vmem>>, vector<1x16xi32>,
      %get3A_223 = vector.shape_cast %get3A_222 : vector<1x16xi32> to vector<16xi32>
      %and3A_224 = arith.constant 65535 : i32
      %and3A_225 = vector.broadcast %and3A_224 : i32 to vector<16xi32>
      %and3A_226 = arith.andi %get3A_223, %and3A_225 : vector<16xi32>
      %mul3A_227 = arith.constant 16 : i32
      %mul3A_228 = vector.broadcast %mul3A_227 : i32 to vector<16xi32>
      %mul3A_229 = arith.muli %and3A_226, %mul3A_228 : vector<16xi32>
      %shift_right_arithmetic3A_230 = arith.constant 16 : i32
      %shift_right_arithmetic3A_231 = vector.broadcast %shift_right_arithmetic3A_230 : i32 to vector<16xi32>
      %shift_right_arithmetic3A_232 = arith.shrsi %get3A_223, %shift_right_arithmetic3A_231 : vector<16xi32>
      %add3A_233 = arith.addi %mul3A_229, %shift_right_arithmetic3A_232 : vector<16xi32>
      %swap3A_234 = arith.index_cast %scan3A_13 : i32 to index
      %swap3A_235 = arith.constant 176 : index
      %swap3A_236 = tpu.vector_load %arg4[%swap3A_234, %swap3A_235] {strides = array<i32>} : memref<100x256xi32, #tpu.memory_space<vmem>>, vector<1x16xi32>,
      %swap3A_237 = vector.shape_cast %swap3A_236 : vector<1x16xi32> to vector<16xi32>
      %swap3A_238 = vector.shape_cast %add3A_233 : vector<16xi32> to vector<1x16xi32>
      tpu.vector_store %arg4[%swap3A_234, %swap3A_235], %swap3A_238 {strides = array<i32>} : memref<100x256xi32, #tpu.memory_space<vmem>>, vector<1x16xi32>,
      %get3A_239 = arith.index_cast %scan3A_13 : i32 to index
      %get3A_240 = arith.constant 192 : index
      %get3A_241 = tpu.vector_load %arg4[%get3A_239, %get3A_240] {strides = array<i32>} : memref<100x256xi32, #tpu.memory_space<vmem>>, vector<1x16xi32>,
      %get3A_242 = vector.shape_cast %get3A_241 : vector<1x16xi32> to vector<16xi32>
      %and3A_243 = arith.constant 65535 : i32
      %and3A_244 = vector.broadcast %and3A_243 : i32 to vector<16xi32>
      %and3A_245 = arith.andi %get3A_242, %and3A_244 : vector<16xi32>
      %mul3A_246 = arith.constant 16 : i32
      %mul3A_247 = vector.broadcast %mul3A_246 : i32 to vector<16xi32>
      %mul3A_248 = arith.muli %and3A_245, %mul3A_247 : vector<16xi32>
      %shift_right_arithmetic3A_249 = arith.constant 16 : i32
      %shift_right_arithmetic3A_250 = vector.broadcast %shift_right_arithmetic3A_249 : i32 to vector<16xi32>
      %shift_right_arithmetic3A_251 = arith.shrsi %get3A_242, %shift_right_arithmetic3A_250 : vector<16xi32>
      %add3A_252 = arith.addi %mul3A_248, %shift_right_arithmetic3A_251 : vector<16xi32>
      %swap3A_253 = arith.index_cast %scan3A_13 : i32 to index
      %swap3A_254 = arith.constant 192 : index
      %swap3A_255 = tpu.vector_load %arg4[%swap3A_253, %swap3A_254] {strides = array<i32>} : memref<100x256xi32, #tpu.memory_space<vmem>>, vector<1x16xi32>,
      %swap3A_256 = vector.shape_cast %swap3A_255 : vector<1x16xi32> to vector<16xi32>
      %swap3A_257 = vector.shape_cast %add3A_252 : vector<16xi32> to vector<1x16xi32>
      tpu.vector_store %arg4[%swap3A_253, %swap3A_254], %swap3A_257 {strides = array<i32>} : memref<100x256xi32, #tpu.memory_space<vmem>>, vector<1x16xi32>,
      %get3A_258 = arith.index_cast %scan3A_13 : i32 to index
      %get3A_259 = arith.constant 208 : index
      %get3A_260 = tpu.vector_load %arg4[%get3A_258, %get3A_259] {strides = array<i32>} : memref<100x256xi32, #tpu.memory_space<vmem>>, vector<1x16xi32>,
      %get3A_261 = vector.shape_cast %get3A_260 : vector<1x16xi32> to vector<16xi32>
      %and3A_262 = arith.constant 65535 : i32
      %and3A_263 = vector.broadcast %and3A_262 : i32 to vector<16xi32>
      %and3A_264 = arith.andi %get3A_261, %and3A_263 : vector<16xi32>
      %mul3A_265 = arith.constant 16 : i32
      %mul3A_266 = vector.broadcast %mul3A_265 : i32 to vector<16xi32>
      %mul3A_267 = arith.muli %and3A_264, %mul3A_266 : vector<16xi32>
      %shift_right_arithmetic3A_268 = arith.constant 16 : i32
      %shift_right_arithmetic3A_269 = vector.broadcast %shift_right_arithmetic3A_268 : i32 to vector<16xi32>
      %shift_right_arithmetic3A_270 = arith.shrsi %get3A_261, %shift_right_arithmetic3A_269 : vector<16xi32>
      %add3A_271 = arith.addi %mul3A_267, %shift_right_arithmetic3A_270 : vector<16xi32>
      %swap3A_272 = arith.index_cast %scan3A_13 : i32 to index
      %swap3A_273 = arith.constant 208 : index
      %swap3A_274 = tpu.vector_load %arg4[%swap3A_272, %swap3A_273] {strides = array<i32>} : memref<100x256xi32, #tpu.memory_space<vmem>>, vector<1x16xi32>,
      %swap3A_275 = vector.shape_cast %swap3A_274 : vector<1x16xi32> to vector<16xi32>
      %swap3A_276 = vector.shape_cast %add3A_271 : vector<16xi32> to vector<1x16xi32>
      tpu.vector_store %arg4[%swap3A_272, %swap3A_273], %swap3A_276 {strides = array<i32>} : memref<100x256xi32, #tpu.memory_space<vmem>>, vector<1x16xi32>,
      %get3A_277 = arith.index_cast %scan3A_13 : i32 to index
      %get3A_278 = arith.constant 224 : index
      %get3A_279 = tpu.vector_load %arg4[%get3A_277, %get3A_278] {strides = array<i32>} : memref<100x256xi32, #tpu.memory_space<vmem>>, vector<1x16xi32>,
      %get3A_280 = vector.shape_cast %get3A_279 : vector<1x16xi32> to vector<16xi32>
      %and3A_281 = arith.constant 65535 : i32
      %and3A_282 = vector.broadcast %and3A_281 : i32 to vector<16xi32>
      %and3A_283 = arith.andi %get3A_280, %and3A_282 : vector<16xi32>
      %mul3A_284 = arith.constant 16 : i32
      %mul3A_285 = vector.broadcast %mul3A_284 : i32 to vector<16xi32>
      %mul3A_286 = arith.muli %and3A_283, %mul3A_285 : vector<16xi32>
      %shift_right_arithmetic3A_287 = arith.constant 16 : i32
      %shift_right_arithmetic3A_288 = vector.broadcast %shift_right_arithmetic3A_287 : i32 to vector<16xi32>
      %shift_right_arithmetic3A_289 = arith.shrsi %get3A_280, %shift_right_arithmetic3A_288 : vector<16xi32>
      %add3A_290 = arith.addi %mul3A_286, %shift_right_arithmetic3A_289 : vector<16xi32>
      %swap3A_291 = arith.index_cast %scan3A_13 : i32 to index
      %swap3A_292 = arith.constant 224 : index
      %swap3A_293 = tpu.vector_load %arg4[%swap3A_291, %swap3A_292] {strides = array<i32>} : memref<100x256xi32, #tpu.memory_space<vmem>>, vector<1x16xi32>,
      %swap3A_294 = vector.shape_cast %swap3A_293 : vector<1x16xi32> to vector<16xi32>
      %swap3A_295 = vector.shape_cast %add3A_290 : vector<16xi32> to vector<1x16xi32>
      tpu.vector_store %arg4[%swap3A_291, %swap3A_292], %swap3A_295 {strides = array<i32>} : memref<100x256xi32, #tpu.memory_space<vmem>>, vector<1x16xi32>,
      %get3A_296 = arith.index_cast %scan3A_13 : i32 to index
      %get3A_297 = arith.constant 240 : index
      %get3A_298 = tpu.vector_load %arg4[%get3A_296, %get3A_297] {strides = array<i32>} : memref<100x256xi32, #tpu.memory_space<vmem>>, vector<1x16xi32>,
      %get3A_299 = vector.shape_cast %get3A_298 : vector<1x16xi32> to vector<16xi32>
      %and3A_300 = arith.constant 65535 : i32
      %and3A_301 = vector.broadcast %and3A_300 : i32 to vector<16xi32>
      %and3A_302 = arith.andi %get3A_299, %and3A_301 : vector<16xi32>
      %mul3A_303 = arith.constant 16 : i32
      %mul3A_304 = vector.broadcast %mul3A_303 : i32 to vector<16xi32>
      %mul3A_305 = arith.muli %and3A_302, %mul3A_304 : vector<16xi32>
      %shift_right_arithmetic3A_306 = arith.constant 16 : i32
      %shift_right_arithmetic3A_307 = vector.broadcast %shift_right_arithmetic3A_306 : i32 to vector<16xi32>
      %shift_right_arithmetic3A_308 = arith.shrsi %get3A_299, %shift_right_arithmetic3A_307 : vector<16xi32>
      %add3A_309 = arith.addi %mul3A_305, %shift_right_arithmetic3A_308 : vector<16xi32>
      %swap3A_310 = arith.index_cast %scan3A_13 : i32 to index
      %swap3A_311 = arith.constant 240 : index
      %swap3A_312 = tpu.vector_load %arg4[%swap3A_310, %swap3A_311] {strides = array<i32>} : memref<100x256xi32, #tpu.memory_space<vmem>>, vector<1x16xi32>,
      %swap3A_313 = vector.shape_cast %swap3A_312 : vector<1x16xi32> to vector<16xi32>
      %swap3A_314 = vector.shape_cast %add3A_309 : vector<16xi32> to vector<1x16xi32>
      tpu.vector_store %arg4[%swap3A_310, %swap3A_311], %swap3A_314 {strides = array<i32>} : memref<100x256xi32, #tpu.memory_space<vmem>>, vector<1x16xi32>,
      %scan3A_315 = arith.constant 0 : i32
      scf.yield %scan3A_315 : i32
    }
    %scan3A_12 = arith.constant 100 : i32
    "tpu.region"() ({
      %run_scoped3A = tpu.sem_alloc : memref<!tpu.dma_semaphore, #tpu.memory_space<semaphore_mem>>
      %dma_start3A = arith.constant 0 : i32
      %dma_start3A_13 = arith.constant 0 : i32
      %dma_start3A_14 = tpu.memref_slice %arg3[%add3A, %dma_start3A, %dma_start3A_13] : memref<32x100x256xi32, #tpu.memory_space<hbm>> -> memref<1x100x256xi32, #tpu.memory_space<hbm>>
      %dma_start3A_15 = tpu.memref_squeeze %dma_start3A_14 : memref<1x100x256xi32, #tpu.memory_space<hbm>> -> memref<100x256xi32, #tpu.memory_space<hbm>>
      %dma_start3A_16 = arith.constant 0 : i32
      %dma_start3A_17 = arith.constant 0 : i32
      %dma_start3A_18 = tpu.memref_slice %arg3[%add3A, %dma_start3A_16, %dma_start3A_17] : memref<32x100x256xi32, #tpu.memory_space<hbm>> -> memref<1x100x256xi32, #tpu.memory_space<hbm>>
      %dma_start3A_19 = tpu.memref_squeeze %dma_start3A_18 : memref<1x100x256xi32, #tpu.memory_space<hbm>> -> memref<100x256xi32, #tpu.memory_space<hbm>>
      tpu.enqueue_dma source(%arg4 : memref<100x256xi32, #tpu.memory_space<vmem>>) target(%dma_start3A_19 : memref<100x256xi32, #tpu.memory_space<hbm>>) target_semaphore(%run_scoped3A : memref<!tpu.dma_semaphore, #tpu.memory_space<semaphore_mem>>)
      %dma_wait3A = arith.constant 0 : i32
      %dma_wait3A_20 = arith.constant 0 : i32
      %dma_wait3A_21 = tpu.memref_slice %arg3[%add3A, %dma_wait3A, %dma_wait3A_20] : memref<32x100x256xi32, #tpu.memory_space<hbm>> -> memref<1x100x256xi32, #tpu.memory_space<hbm>>
      %dma_wait3A_22 = tpu.memref_squeeze %dma_wait3A_21 : memref<1x100x256xi32, #tpu.memory_space<hbm>> -> memref<100x256xi32, #tpu.memory_space<hbm>>
      %dma_wait3A_23 = arith.constant 0 : i32
      %dma_wait3A_24 = arith.constant 0 : i32
      %dma_wait3A_25 = tpu.memref_slice %arg3[%add3A, %dma_wait3A_23, %dma_wait3A_24] : memref<32x100x256xi32, #tpu.memory_space<hbm>> -> memref<1x100x256xi32, #tpu.memory_space<hbm>>
      %dma_wait3A_26 = tpu.memref_squeeze %dma_wait3A_25 : memref<1x100x256xi32, #tpu.memory_space<hbm>> -> memref<100x256xi32, #tpu.memory_space<hbm>>
      tpu.wait_dma2 semaphore(%run_scoped3A : memref<!tpu.dma_semaphore, #tpu.memory_space<semaphore_mem>>) src(%arg4 : memref<100x256xi32, #tpu.memory_space<vmem>>) dst(%dma_wait3A_26 : memref<100x256xi32, #tpu.memory_space<hbm>>)
      tpu.yield
    }) : () -> ()
    return
  }
}

#map = affine_map<(d0, d1) -> (0, 0, 0)>
#map1 = affine_map<(d0, d1) -> (0, 0)>
module attributes {stable_mosaic.version = 14 : i64} {
  func.func @pool(%arg0: i32, %arg1: i32, %arg2: memref<32x100x256xi32, #tpu.memory_space<hbm>>, %arg3: memref<1048576x8xf32, #tpu.memory_space<hbm>>, %arg4: memref<256x8xf32, #tpu.memory_space<hbm>>, %arg5: memref<4096x8xf32, #tpu.memory_space<hbm>>, %arg6: memref<100x256xi32, #tpu.memory_space<vmem>>, %arg7: memref<256x8xf32, #tpu.memory_space<vmem>>, %arg8: memref<2048x8xf32, #tpu.memory_space<vmem_shared>>, %arg9: memref<128xi32, #tpu.memory_space<vmem>>, %arg10: memref<!tpu.dma_semaphore, #tpu.memory_space<semaphore_mem>>) attributes {dimension_semantics = [#tpu.dimension_semantics<core_parallel>, #tpu.dimension_semantics<subcore_parallel>], iteration_bounds = array<i64: 2, 16>, scalar_prefetch = 0 : i64, scratch_operands = 5 : i64, tpu.core_type = #tpu.core_type<sc_vector_subcore>, window_params = [{transform_indices = #map}, {transform_indices = #map1}, {transform_indices = #map1}, {transform_indices = #map1}]} {
    %mul3A = arith.constant 2 : i32
    %mul3A_0 = arith.muli %arg1, %mul3A : i32
    %add3A = arith.addi %mul3A_0, %arg0 : i32
    %mul3A_1 = arith.constant 128 : i32
    %mul3A_2 = arith.muli %add3A, %mul3A_1 : i32
    "tpu.region"() ({
      %run_scoped3A = tpu.sem_alloc : memref<!tpu.dma_semaphore, #tpu.memory_space<semaphore_mem>>
      %dma_start3A_296 = arith.constant 0 : i32
      %dma_start3A_297 = arith.constant 0 : i32
      %dma_start3A_298 = tpu.memref_slice %arg2[%add3A, %dma_start3A_296, %dma_start3A_297] : memref<32x100x256xi32, #tpu.memory_space<hbm>> -> memref<1x100x256xi32, #tpu.memory_space<hbm>>
      %dma_start3A_299 = tpu.memref_squeeze %dma_start3A_298 : memref<1x100x256xi32, #tpu.memory_space<hbm>> -> memref<100x256xi32, #tpu.memory_space<hbm>>
      %dma_start3A_300 = arith.constant 0 : i32
      %dma_start3A_301 = arith.constant 0 : i32
      %dma_start3A_302 = tpu.memref_slice %arg2[%add3A, %dma_start3A_300, %dma_start3A_301] : memref<32x100x256xi32, #tpu.memory_space<hbm>> -> memref<1x100x256xi32, #tpu.memory_space<hbm>>
      %dma_start3A_303 = tpu.memref_squeeze %dma_start3A_302 : memref<1x100x256xi32, #tpu.memory_space<hbm>> -> memref<100x256xi32, #tpu.memory_space<hbm>>
      tpu.enqueue_dma source(%dma_start3A_303 : memref<100x256xi32, #tpu.memory_space<hbm>>) target(%arg6 : memref<100x256xi32, #tpu.memory_space<vmem>>) target_semaphore(%run_scoped3A : memref<!tpu.dma_semaphore, #tpu.memory_space<semaphore_mem>>)
      %dma_wait3A_304 = arith.constant 0 : i32
      %dma_wait3A_305 = arith.constant 0 : i32
      %dma_wait3A_306 = tpu.memref_slice %arg2[%add3A, %dma_wait3A_304, %dma_wait3A_305] : memref<32x100x256xi32, #tpu.memory_space<hbm>> -> memref<1x100x256xi32, #tpu.memory_space<hbm>>
      %dma_wait3A_307 = tpu.memref_squeeze %dma_wait3A_306 : memref<1x100x256xi32, #tpu.memory_space<hbm>> -> memref<100x256xi32, #tpu.memory_space<hbm>>
      %dma_wait3A_308 = arith.constant 0 : i32
      %dma_wait3A_309 = arith.constant 0 : i32
      %dma_wait3A_310 = tpu.memref_slice %arg2[%add3A, %dma_wait3A_308, %dma_wait3A_309] : memref<32x100x256xi32, #tpu.memory_space<hbm>> -> memref<1x100x256xi32, #tpu.memory_space<hbm>>
      %dma_wait3A_311 = tpu.memref_squeeze %dma_wait3A_310 : memref<1x100x256xi32, #tpu.memory_space<hbm>> -> memref<100x256xi32, #tpu.memory_space<hbm>>
      tpu.wait_dma2 semaphore(%run_scoped3A : memref<!tpu.dma_semaphore, #tpu.memory_space<semaphore_mem>>) src(%dma_wait3A_311 : memref<100x256xi32, #tpu.memory_space<hbm>>) dst(%arg6 : memref<100x256xi32, #tpu.memory_space<vmem>>)
      tpu.yield
    }) : () -> ()
    "tpu.region"() ({
      %run_scoped3A = tpu.sem_alloc : memref<!tpu.dma_semaphore, #tpu.memory_space<semaphore_mem>>
      tpu.enqueue_dma source(%arg4 : memref<256x8xf32, #tpu.memory_space<hbm>>) target(%arg7 : memref<256x8xf32, #tpu.memory_space<vmem>>) target_semaphore(%run_scoped3A : memref<!tpu.dma_semaphore, #tpu.memory_space<semaphore_mem>>)
      tpu.wait_dma2 semaphore(%run_scoped3A : memref<!tpu.dma_semaphore, #tpu.memory_space<semaphore_mem>>) src(%arg4 : memref<256x8xf32, #tpu.memory_space<hbm>>) dst(%arg7 : memref<256x8xf32, #tpu.memory_space<vmem>>)
      tpu.yield
    }) : () -> ()
    %dma_start3A = arith.constant 0 : i32
    %dma_start3A_3 = arith.constant 0 : i32
    %dma_start3A_4 = tpu.memref_slice %arg6[%dma_start3A, %dma_start3A_3] : memref<100x256xi32, #tpu.memory_space<vmem>> -> memref<1x256xi32, #tpu.memory_space<vmem>>
    %dma_start3A_5 = tpu.memref_squeeze %dma_start3A_4 : memref<1x256xi32, #tpu.memory_space<vmem>> -> memref<256xi32, #tpu.memory_space<vmem>>
    %dma_start3A_6 = arith.constant 0 : i32
    %dma_start3A_7 = arith.constant 0 : i32
    %dma_start3A_8 = tpu.memref_slice %arg3[%dma_start3A_6, %dma_start3A_7] : memref<1048576x8xf32, #tpu.memory_space<hbm>> -> memref<1048576x8xf32, #tpu.memory_space<hbm>>
    tpu.enqueue_indirect_dma source(%dma_start3A_8 : memref<1048576x8xf32, #tpu.memory_space<hbm>>) target(%arg7 : memref<256x8xf32, #tpu.memory_space<vmem>>) offsets(%dma_start3A_5 : memref<256xi32, #tpu.memory_space<vmem>>) semaphore(%arg10 : memref<!tpu.dma_semaphore, #tpu.memory_space<semaphore_mem>>) {add = true}
    %dma_start3A_9 = arith.constant 1 : i32
    %dma_start3A_10 = arith.constant 0 : i32
    %dma_start3A_11 = tpu.memref_slice %arg6[%dma_start3A_9, %dma_start3A_10] : memref<100x256xi32, #tpu.memory_space<vmem>> -> memref<1x256xi32, #tpu.memory_space<vmem>>
    %dma_start3A_12 = tpu.memref_squeeze %dma_start3A_11 : memref<1x256xi32, #tpu.memory_space<vmem>> -> memref<256xi32, #tpu.memory_space<vmem>>
    %dma_start3A_13 = arith.constant 0 : i32
    %dma_start3A_14 = arith.constant 0 : i32
    %dma_start3A_15 = tpu.memref_slice %arg3[%dma_start3A_13, %dma_start3A_14] : memref<1048576x8xf32, #tpu.memory_space<hbm>> -> memref<1048576x8xf32, #tpu.memory_space<hbm>>
    tpu.enqueue_indirect_dma source(%dma_start3A_15 : memref<1048576x8xf32, #tpu.memory_space<hbm>>) target(%arg7 : memref<256x8xf32, #tpu.memory_space<vmem>>) offsets(%dma_start3A_12 : memref<256xi32, #tpu.memory_space<vmem>>) semaphore(%arg10 : memref<!tpu.dma_semaphore, #tpu.memory_space<semaphore_mem>>) {add = true}
    %dma_start3A_16 = arith.constant 2 : i32
    %dma_start3A_17 = arith.constant 0 : i32
    %dma_start3A_18 = tpu.memref_slice %arg6[%dma_start3A_16, %dma_start3A_17] : memref<100x256xi32, #tpu.memory_space<vmem>> -> memref<1x256xi32, #tpu.memory_space<vmem>>
    %dma_start3A_19 = tpu.memref_squeeze %dma_start3A_18 : memref<1x256xi32, #tpu.memory_space<vmem>> -> memref<256xi32, #tpu.memory_space<vmem>>
    %dma_start3A_20 = arith.constant 0 : i32
    %dma_start3A_21 = arith.constant 0 : i32
    %dma_start3A_22 = tpu.memref_slice %arg3[%dma_start3A_20, %dma_start3A_21] : memref<1048576x8xf32, #tpu.memory_space<hbm>> -> memref<1048576x8xf32, #tpu.memory_space<hbm>>
    tpu.enqueue_indirect_dma source(%dma_start3A_22 : memref<1048576x8xf32, #tpu.memory_space<hbm>>) target(%arg7 : memref<256x8xf32, #tpu.memory_space<vmem>>) offsets(%dma_start3A_19 : memref<256xi32, #tpu.memory_space<vmem>>) semaphore(%arg10 : memref<!tpu.dma_semaphore, #tpu.memory_space<semaphore_mem>>) {add = true}
    %dma_start3A_23 = arith.constant 3 : i32
    %dma_start3A_24 = arith.constant 0 : i32
    %dma_start3A_25 = tpu.memref_slice %arg6[%dma_start3A_23, %dma_start3A_24] : memref<100x256xi32, #tpu.memory_space<vmem>> -> memref<1x256xi32, #tpu.memory_space<vmem>>
    %dma_start3A_26 = tpu.memref_squeeze %dma_start3A_25 : memref<1x256xi32, #tpu.memory_space<vmem>> -> memref<256xi32, #tpu.memory_space<vmem>>
    %dma_start3A_27 = arith.constant 0 : i32
    %dma_start3A_28 = arith.constant 0 : i32
    %dma_start3A_29 = tpu.memref_slice %arg3[%dma_start3A_27, %dma_start3A_28] : memref<1048576x8xf32, #tpu.memory_space<hbm>> -> memref<1048576x8xf32, #tpu.memory_space<hbm>>
    tpu.enqueue_indirect_dma source(%dma_start3A_29 : memref<1048576x8xf32, #tpu.memory_space<hbm>>) target(%arg7 : memref<256x8xf32, #tpu.memory_space<vmem>>) offsets(%dma_start3A_26 : memref<256xi32, #tpu.memory_space<vmem>>) semaphore(%arg10 : memref<!tpu.dma_semaphore, #tpu.memory_space<semaphore_mem>>) {add = true}
    %dma_start3A_30 = arith.constant 4 : i32
    %dma_start3A_31 = arith.constant 0 : i32
    %dma_start3A_32 = tpu.memref_slice %arg6[%dma_start3A_30, %dma_start3A_31] : memref<100x256xi32, #tpu.memory_space<vmem>> -> memref<1x256xi32, #tpu.memory_space<vmem>>
    %dma_start3A_33 = tpu.memref_squeeze %dma_start3A_32 : memref<1x256xi32, #tpu.memory_space<vmem>> -> memref<256xi32, #tpu.memory_space<vmem>>
    %dma_start3A_34 = arith.constant 0 : i32
    %dma_start3A_35 = arith.constant 0 : i32
    %dma_start3A_36 = tpu.memref_slice %arg3[%dma_start3A_34, %dma_start3A_35] : memref<1048576x8xf32, #tpu.memory_space<hbm>> -> memref<1048576x8xf32, #tpu.memory_space<hbm>>
    tpu.enqueue_indirect_dma source(%dma_start3A_36 : memref<1048576x8xf32, #tpu.memory_space<hbm>>) target(%arg7 : memref<256x8xf32, #tpu.memory_space<vmem>>) offsets(%dma_start3A_33 : memref<256xi32, #tpu.memory_space<vmem>>) semaphore(%arg10 : memref<!tpu.dma_semaphore, #tpu.memory_space<semaphore_mem>>) {add = true}
    %dma_start3A_37 = arith.constant 5 : i32
    %dma_start3A_38 = arith.constant 0 : i32
    %dma_start3A_39 = tpu.memref_slice %arg6[%dma_start3A_37, %dma_start3A_38] : memref<100x256xi32, #tpu.memory_space<vmem>> -> memref<1x256xi32, #tpu.memory_space<vmem>>
    %dma_start3A_40 = tpu.memref_squeeze %dma_start3A_39 : memref<1x256xi32, #tpu.memory_space<vmem>> -> memref<256xi32, #tpu.memory_space<vmem>>
    %dma_start3A_41 = arith.constant 0 : i32
    %dma_start3A_42 = arith.constant 0 : i32
    %dma_start3A_43 = tpu.memref_slice %arg3[%dma_start3A_41, %dma_start3A_42] : memref<1048576x8xf32, #tpu.memory_space<hbm>> -> memref<1048576x8xf32, #tpu.memory_space<hbm>>
    tpu.enqueue_indirect_dma source(%dma_start3A_43 : memref<1048576x8xf32, #tpu.memory_space<hbm>>) target(%arg7 : memref<256x8xf32, #tpu.memory_space<vmem>>) offsets(%dma_start3A_40 : memref<256xi32, #tpu.memory_space<vmem>>) semaphore(%arg10 : memref<!tpu.dma_semaphore, #tpu.memory_space<semaphore_mem>>) {add = true}
    %dma_start3A_44 = arith.constant 6 : i32
    %dma_start3A_45 = arith.constant 0 : i32
    %dma_start3A_46 = tpu.memref_slice %arg6[%dma_start3A_44, %dma_start3A_45] : memref<100x256xi32, #tpu.memory_space<vmem>> -> memref<1x256xi32, #tpu.memory_space<vmem>>
    %dma_start3A_47 = tpu.memref_squeeze %dma_start3A_46 : memref<1x256xi32, #tpu.memory_space<vmem>> -> memref<256xi32, #tpu.memory_space<vmem>>
    %dma_start3A_48 = arith.constant 0 : i32
    %dma_start3A_49 = arith.constant 0 : i32
    %dma_start3A_50 = tpu.memref_slice %arg3[%dma_start3A_48, %dma_start3A_49] : memref<1048576x8xf32, #tpu.memory_space<hbm>> -> memref<1048576x8xf32, #tpu.memory_space<hbm>>
    tpu.enqueue_indirect_dma source(%dma_start3A_50 : memref<1048576x8xf32, #tpu.memory_space<hbm>>) target(%arg7 : memref<256x8xf32, #tpu.memory_space<vmem>>) offsets(%dma_start3A_47 : memref<256xi32, #tpu.memory_space<vmem>>) semaphore(%arg10 : memref<!tpu.dma_semaphore, #tpu.memory_space<semaphore_mem>>) {add = true}
    %dma_start3A_51 = arith.constant 7 : i32
    %dma_start3A_52 = arith.constant 0 : i32
    %dma_start3A_53 = tpu.memref_slice %arg6[%dma_start3A_51, %dma_start3A_52] : memref<100x256xi32, #tpu.memory_space<vmem>> -> memref<1x256xi32, #tpu.memory_space<vmem>>
    %dma_start3A_54 = tpu.memref_squeeze %dma_start3A_53 : memref<1x256xi32, #tpu.memory_space<vmem>> -> memref<256xi32, #tpu.memory_space<vmem>>
    %dma_start3A_55 = arith.constant 0 : i32
    %dma_start3A_56 = arith.constant 0 : i32
    %dma_start3A_57 = tpu.memref_slice %arg3[%dma_start3A_55, %dma_start3A_56] : memref<1048576x8xf32, #tpu.memory_space<hbm>> -> memref<1048576x8xf32, #tpu.memory_space<hbm>>
    tpu.enqueue_indirect_dma source(%dma_start3A_57 : memref<1048576x8xf32, #tpu.memory_space<hbm>>) target(%arg7 : memref<256x8xf32, #tpu.memory_space<vmem>>) offsets(%dma_start3A_54 : memref<256xi32, #tpu.memory_space<vmem>>) semaphore(%arg10 : memref<!tpu.dma_semaphore, #tpu.memory_space<semaphore_mem>>) {add = true}
    %dma_start3A_58 = arith.constant 8 : i32
    %dma_start3A_59 = arith.constant 0 : i32
    %dma_start3A_60 = tpu.memref_slice %arg6[%dma_start3A_58, %dma_start3A_59] : memref<100x256xi32, #tpu.memory_space<vmem>> -> memref<1x256xi32, #tpu.memory_space<vmem>>
    %dma_start3A_61 = tpu.memref_squeeze %dma_start3A_60 : memref<1x256xi32, #tpu.memory_space<vmem>> -> memref<256xi32, #tpu.memory_space<vmem>>
    %dma_start3A_62 = arith.constant 0 : i32
    %dma_start3A_63 = arith.constant 0 : i32
    %dma_start3A_64 = tpu.memref_slice %arg3[%dma_start3A_62, %dma_start3A_63] : memref<1048576x8xf32, #tpu.memory_space<hbm>> -> memref<1048576x8xf32, #tpu.memory_space<hbm>>
    tpu.enqueue_indirect_dma source(%dma_start3A_64 : memref<1048576x8xf32, #tpu.memory_space<hbm>>) target(%arg7 : memref<256x8xf32, #tpu.memory_space<vmem>>) offsets(%dma_start3A_61 : memref<256xi32, #tpu.memory_space<vmem>>) semaphore(%arg10 : memref<!tpu.dma_semaphore, #tpu.memory_space<semaphore_mem>>) {add = true}
    %dma_start3A_65 = arith.constant 9 : i32
    %dma_start3A_66 = arith.constant 0 : i32
    %dma_start3A_67 = tpu.memref_slice %arg6[%dma_start3A_65, %dma_start3A_66] : memref<100x256xi32, #tpu.memory_space<vmem>> -> memref<1x256xi32, #tpu.memory_space<vmem>>
    %dma_start3A_68 = tpu.memref_squeeze %dma_start3A_67 : memref<1x256xi32, #tpu.memory_space<vmem>> -> memref<256xi32, #tpu.memory_space<vmem>>
    %dma_start3A_69 = arith.constant 0 : i32
    %dma_start3A_70 = arith.constant 0 : i32
    %dma_start3A_71 = tpu.memref_slice %arg3[%dma_start3A_69, %dma_start3A_70] : memref<1048576x8xf32, #tpu.memory_space<hbm>> -> memref<1048576x8xf32, #tpu.memory_space<hbm>>
    tpu.enqueue_indirect_dma source(%dma_start3A_71 : memref<1048576x8xf32, #tpu.memory_space<hbm>>) target(%arg7 : memref<256x8xf32, #tpu.memory_space<vmem>>) offsets(%dma_start3A_68 : memref<256xi32, #tpu.memory_space<vmem>>) semaphore(%arg10 : memref<!tpu.dma_semaphore, #tpu.memory_space<semaphore_mem>>) {add = true}
    %dma_start3A_72 = arith.constant 10 : i32
    %dma_start3A_73 = arith.constant 0 : i32
    %dma_start3A_74 = tpu.memref_slice %arg6[%dma_start3A_72, %dma_start3A_73] : memref<100x256xi32, #tpu.memory_space<vmem>> -> memref<1x256xi32, #tpu.memory_space<vmem>>
    %dma_start3A_75 = tpu.memref_squeeze %dma_start3A_74 : memref<1x256xi32, #tpu.memory_space<vmem>> -> memref<256xi32, #tpu.memory_space<vmem>>
    %dma_start3A_76 = arith.constant 0 : i32
    %dma_start3A_77 = arith.constant 0 : i32
    %dma_start3A_78 = tpu.memref_slice %arg3[%dma_start3A_76, %dma_start3A_77] : memref<1048576x8xf32, #tpu.memory_space<hbm>> -> memref<1048576x8xf32, #tpu.memory_space<hbm>>
    tpu.enqueue_indirect_dma source(%dma_start3A_78 : memref<1048576x8xf32, #tpu.memory_space<hbm>>) target(%arg7 : memref<256x8xf32, #tpu.memory_space<vmem>>) offsets(%dma_start3A_75 : memref<256xi32, #tpu.memory_space<vmem>>) semaphore(%arg10 : memref<!tpu.dma_semaphore, #tpu.memory_space<semaphore_mem>>) {add = true}
    %dma_start3A_79 = arith.constant 11 : i32
    %dma_start3A_80 = arith.constant 0 : i32
    %dma_start3A_81 = tpu.memref_slice %arg6[%dma_start3A_79, %dma_start3A_80] : memref<100x256xi32, #tpu.memory_space<vmem>> -> memref<1x256xi32, #tpu.memory_space<vmem>>
    %dma_start3A_82 = tpu.memref_squeeze %dma_start3A_81 : memref<1x256xi32, #tpu.memory_space<vmem>> -> memref<256xi32, #tpu.memory_space<vmem>>
    %dma_start3A_83 = arith.constant 0 : i32
    %dma_start3A_84 = arith.constant 0 : i32
    %dma_start3A_85 = tpu.memref_slice %arg3[%dma_start3A_83, %dma_start3A_84] : memref<1048576x8xf32, #tpu.memory_space<hbm>> -> memref<1048576x8xf32, #tpu.memory_space<hbm>>
    tpu.enqueue_indirect_dma source(%dma_start3A_85 : memref<1048576x8xf32, #tpu.memory_space<hbm>>) target(%arg7 : memref<256x8xf32, #tpu.memory_space<vmem>>) offsets(%dma_start3A_82 : memref<256xi32, #tpu.memory_space<vmem>>) semaphore(%arg10 : memref<!tpu.dma_semaphore, #tpu.memory_space<semaphore_mem>>) {add = true}
    %dma_start3A_86 = arith.constant 12 : i32
    %dma_start3A_87 = arith.constant 0 : i32
    %dma_start3A_88 = tpu.memref_slice %arg6[%dma_start3A_86, %dma_start3A_87] : memref<100x256xi32, #tpu.memory_space<vmem>> -> memref<1x256xi32, #tpu.memory_space<vmem>>
    %dma_start3A_89 = tpu.memref_squeeze %dma_start3A_88 : memref<1x256xi32, #tpu.memory_space<vmem>> -> memref<256xi32, #tpu.memory_space<vmem>>
    %dma_start3A_90 = arith.constant 0 : i32
    %dma_start3A_91 = arith.constant 0 : i32
    %dma_start3A_92 = tpu.memref_slice %arg3[%dma_start3A_90, %dma_start3A_91] : memref<1048576x8xf32, #tpu.memory_space<hbm>> -> memref<1048576x8xf32, #tpu.memory_space<hbm>>
    tpu.enqueue_indirect_dma source(%dma_start3A_92 : memref<1048576x8xf32, #tpu.memory_space<hbm>>) target(%arg7 : memref<256x8xf32, #tpu.memory_space<vmem>>) offsets(%dma_start3A_89 : memref<256xi32, #tpu.memory_space<vmem>>) semaphore(%arg10 : memref<!tpu.dma_semaphore, #tpu.memory_space<semaphore_mem>>) {add = true}
    %dma_start3A_93 = arith.constant 13 : i32
    %dma_start3A_94 = arith.constant 0 : i32
    %dma_start3A_95 = tpu.memref_slice %arg6[%dma_start3A_93, %dma_start3A_94] : memref<100x256xi32, #tpu.memory_space<vmem>> -> memref<1x256xi32, #tpu.memory_space<vmem>>
    %dma_start3A_96 = tpu.memref_squeeze %dma_start3A_95 : memref<1x256xi32, #tpu.memory_space<vmem>> -> memref<256xi32, #tpu.memory_space<vmem>>
    %dma_start3A_97 = arith.constant 0 : i32
    %dma_start3A_98 = arith.constant 0 : i32
    %dma_start3A_99 = tpu.memref_slice %arg3[%dma_start3A_97, %dma_start3A_98] : memref<1048576x8xf32, #tpu.memory_space<hbm>> -> memref<1048576x8xf32, #tpu.memory_space<hbm>>
    tpu.enqueue_indirect_dma source(%dma_start3A_99 : memref<1048576x8xf32, #tpu.memory_space<hbm>>) target(%arg7 : memref<256x8xf32, #tpu.memory_space<vmem>>) offsets(%dma_start3A_96 : memref<256xi32, #tpu.memory_space<vmem>>) semaphore(%arg10 : memref<!tpu.dma_semaphore, #tpu.memory_space<semaphore_mem>>) {add = true}
    %dma_start3A_100 = arith.constant 14 : i32
    %dma_start3A_101 = arith.constant 0 : i32
    %dma_start3A_102 = tpu.memref_slice %arg6[%dma_start3A_100, %dma_start3A_101] : memref<100x256xi32, #tpu.memory_space<vmem>> -> memref<1x256xi32, #tpu.memory_space<vmem>>
    %dma_start3A_103 = tpu.memref_squeeze %dma_start3A_102 : memref<1x256xi32, #tpu.memory_space<vmem>> -> memref<256xi32, #tpu.memory_space<vmem>>
    %dma_start3A_104 = arith.constant 0 : i32
    %dma_start3A_105 = arith.constant 0 : i32
    %dma_start3A_106 = tpu.memref_slice %arg3[%dma_start3A_104, %dma_start3A_105] : memref<1048576x8xf32, #tpu.memory_space<hbm>> -> memref<1048576x8xf32, #tpu.memory_space<hbm>>
    tpu.enqueue_indirect_dma source(%dma_start3A_106 : memref<1048576x8xf32, #tpu.memory_space<hbm>>) target(%arg7 : memref<256x8xf32, #tpu.memory_space<vmem>>) offsets(%dma_start3A_103 : memref<256xi32, #tpu.memory_space<vmem>>) semaphore(%arg10 : memref<!tpu.dma_semaphore, #tpu.memory_space<semaphore_mem>>) {add = true}
    %dma_start3A_107 = arith.constant 15 : i32
    %dma_start3A_108 = arith.constant 0 : i32
    %dma_start3A_109 = tpu.memref_slice %arg6[%dma_start3A_107, %dma_start3A_108] : memref<100x256xi32, #tpu.memory_space<vmem>> -> memref<1x256xi32, #tpu.memory_space<vmem>>
    %dma_start3A_110 = tpu.memref_squeeze %dma_start3A_109 : memref<1x256xi32, #tpu.memory_space<vmem>> -> memref<256xi32, #tpu.memory_space<vmem>>
    %dma_start3A_111 = arith.constant 0 : i32
    %dma_start3A_112 = arith.constant 0 : i32
    %dma_start3A_113 = tpu.memref_slice %arg3[%dma_start3A_111, %dma_start3A_112] : memref<1048576x8xf32, #tpu.memory_space<hbm>> -> memref<1048576x8xf32, #tpu.memory_space<hbm>>
    tpu.enqueue_indirect_dma source(%dma_start3A_113 : memref<1048576x8xf32, #tpu.memory_space<hbm>>) target(%arg7 : memref<256x8xf32, #tpu.memory_space<vmem>>) offsets(%dma_start3A_110 : memref<256xi32, #tpu.memory_space<vmem>>) semaphore(%arg10 : memref<!tpu.dma_semaphore, #tpu.memory_space<semaphore_mem>>) {add = true}
    %dma_start3A_114 = arith.constant 16 : i32
    %dma_start3A_115 = arith.constant 0 : i32
    %dma_start3A_116 = tpu.memref_slice %arg6[%dma_start3A_114, %dma_start3A_115] : memref<100x256xi32, #tpu.memory_space<vmem>> -> memref<1x256xi32, #tpu.memory_space<vmem>>
    %dma_start3A_117 = tpu.memref_squeeze %dma_start3A_116 : memref<1x256xi32, #tpu.memory_space<vmem>> -> memref<256xi32, #tpu.memory_space<vmem>>
    %dma_start3A_118 = arith.constant 0 : i32
    %dma_start3A_119 = arith.constant 0 : i32
    %dma_start3A_120 = tpu.memref_slice %arg3[%dma_start3A_118, %dma_start3A_119] : memref<1048576x8xf32, #tpu.memory_space<hbm>> -> memref<1048576x8xf32, #tpu.memory_space<hbm>>
    tpu.enqueue_indirect_dma source(%dma_start3A_120 : memref<1048576x8xf32, #tpu.memory_space<hbm>>) target(%arg7 : memref<256x8xf32, #tpu.memory_space<vmem>>) offsets(%dma_start3A_117 : memref<256xi32, #tpu.memory_space<vmem>>) semaphore(%arg10 : memref<!tpu.dma_semaphore, #tpu.memory_space<semaphore_mem>>) {add = true}
    %dma_start3A_121 = arith.constant 17 : i32
    %dma_start3A_122 = arith.constant 0 : i32
    %dma_start3A_123 = tpu.memref_slice %arg6[%dma_start3A_121, %dma_start3A_122] : memref<100x256xi32, #tpu.memory_space<vmem>> -> memref<1x256xi32, #tpu.memory_space<vmem>>
    %dma_start3A_124 = tpu.memref_squeeze %dma_start3A_123 : memref<1x256xi32, #tpu.memory_space<vmem>> -> memref<256xi32, #tpu.memory_space<vmem>>
    %dma_start3A_125 = arith.constant 0 : i32
    %dma_start3A_126 = arith.constant 0 : i32
    %dma_start3A_127 = tpu.memref_slice %arg3[%dma_start3A_125, %dma_start3A_126] : memref<1048576x8xf32, #tpu.memory_space<hbm>> -> memref<1048576x8xf32, #tpu.memory_space<hbm>>
    tpu.enqueue_indirect_dma source(%dma_start3A_127 : memref<1048576x8xf32, #tpu.memory_space<hbm>>) target(%arg7 : memref<256x8xf32, #tpu.memory_space<vmem>>) offsets(%dma_start3A_124 : memref<256xi32, #tpu.memory_space<vmem>>) semaphore(%arg10 : memref<!tpu.dma_semaphore, #tpu.memory_space<semaphore_mem>>) {add = true}
    %dma_start3A_128 = arith.constant 18 : i32
    %dma_start3A_129 = arith.constant 0 : i32
    %dma_start3A_130 = tpu.memref_slice %arg6[%dma_start3A_128, %dma_start3A_129] : memref<100x256xi32, #tpu.memory_space<vmem>> -> memref<1x256xi32, #tpu.memory_space<vmem>>
    %dma_start3A_131 = tpu.memref_squeeze %dma_start3A_130 : memref<1x256xi32, #tpu.memory_space<vmem>> -> memref<256xi32, #tpu.memory_space<vmem>>
    %dma_start3A_132 = arith.constant 0 : i32
    %dma_start3A_133 = arith.constant 0 : i32
    %dma_start3A_134 = tpu.memref_slice %arg3[%dma_start3A_132, %dma_start3A_133] : memref<1048576x8xf32, #tpu.memory_space<hbm>> -> memref<1048576x8xf32, #tpu.memory_space<hbm>>
    tpu.enqueue_indirect_dma source(%dma_start3A_134 : memref<1048576x8xf32, #tpu.memory_space<hbm>>) target(%arg7 : memref<256x8xf32, #tpu.memory_space<vmem>>) offsets(%dma_start3A_131 : memref<256xi32, #tpu.memory_space<vmem>>) semaphore(%arg10 : memref<!tpu.dma_semaphore, #tpu.memory_space<semaphore_mem>>) {add = true}
    %dma_start3A_135 = arith.constant 19 : i32
    %dma_start3A_136 = arith.constant 0 : i32
    %dma_start3A_137 = tpu.memref_slice %arg6[%dma_start3A_135, %dma_start3A_136] : memref<100x256xi32, #tpu.memory_space<vmem>> -> memref<1x256xi32, #tpu.memory_space<vmem>>
    %dma_start3A_138 = tpu.memref_squeeze %dma_start3A_137 : memref<1x256xi32, #tpu.memory_space<vmem>> -> memref<256xi32, #tpu.memory_space<vmem>>
    %dma_start3A_139 = arith.constant 0 : i32
    %dma_start3A_140 = arith.constant 0 : i32
    %dma_start3A_141 = tpu.memref_slice %arg3[%dma_start3A_139, %dma_start3A_140] : memref<1048576x8xf32, #tpu.memory_space<hbm>> -> memref<1048576x8xf32, #tpu.memory_space<hbm>>
    tpu.enqueue_indirect_dma source(%dma_start3A_141 : memref<1048576x8xf32, #tpu.memory_space<hbm>>) target(%arg7 : memref<256x8xf32, #tpu.memory_space<vmem>>) offsets(%dma_start3A_138 : memref<256xi32, #tpu.memory_space<vmem>>) semaphore(%arg10 : memref<!tpu.dma_semaphore, #tpu.memory_space<semaphore_mem>>) {add = true}
    %scan3A = arith.constant 0 : i32
    %scan3A_142 = arith.constant 0 : i32
    %scan3A_143 = arith.constant 4 : i32
    %scan3A_144 = arith.addi %scan3A_142, %scan3A_143 : i32
    %scan3A_145 = arith.constant 1 : i32
    %scan3A_146 = scf.for %scan3A_296 = %scan3A_142 to %scan3A_144 step %scan3A_145 iter_args(%scan3A_297 = %scan3A) -> (i32)  : i32 {
      %mul3A_298 = arith.constant 20 : i32
      %mul3A_299 = arith.muli %scan3A_296, %mul3A_298 : i32
      %add3A_300 = arith.constant 20 : i32
      %add3A_301 = arith.addi %mul3A_299, %add3A_300 : i32
      %add3A_302 = arith.constant 0 : i32
      %add3A_303 = arith.addi %add3A_301, %add3A_302 : i32
      %dma_start3A_304 = arith.constant 0 : i32
      %dma_start3A_305 = tpu.memref_slice %arg6[%add3A_303, %dma_start3A_304] : memref<100x256xi32, #tpu.memory_space<vmem>> -> memref<1x256xi32, #tpu.memory_space<vmem>>
      %dma_start3A_306 = tpu.memref_squeeze %dma_start3A_305 : memref<1x256xi32, #tpu.memory_space<vmem>> -> memref<256xi32, #tpu.memory_space<vmem>>
      %dma_start3A_307 = arith.constant 0 : i32
      %dma_start3A_308 = arith.constant 0 : i32
      %dma_start3A_309 = tpu.memref_slice %arg3[%dma_start3A_307, %dma_start3A_308] : memref<1048576x8xf32, #tpu.memory_space<hbm>> -> memref<1048576x8xf32, #tpu.memory_space<hbm>>
      tpu.enqueue_indirect_dma source(%dma_start3A_309 : memref<1048576x8xf32, #tpu.memory_space<hbm>>) target(%arg7 : memref<256x8xf32, #tpu.memory_space<vmem>>) offsets(%dma_start3A_306 : memref<256xi32, #tpu.memory_space<vmem>>) semaphore(%arg10 : memref<!tpu.dma_semaphore, #tpu.memory_space<semaphore_mem>>) {add = true}
      %add3A_310 = arith.constant 20 : i32
      %add3A_311 = arith.addi %mul3A_299, %add3A_310 : i32
      %add3A_312 = arith.constant 1 : i32
      %add3A_313 = arith.addi %add3A_311, %add3A_312 : i32
      %dma_start3A_314 = arith.constant 0 : i32
      %dma_start3A_315 = tpu.memref_slice %arg6[%add3A_313, %dma_start3A_314] : memref<100x256xi32, #tpu.memory_space<vmem>> -> memref<1x256xi32, #tpu.memory_space<vmem>>
      %dma_start3A_316 = tpu.memref_squeeze %dma_start3A_315 : memref<1x256xi32, #tpu.memory_space<vmem>> -> memref<256xi32, #tpu.memory_space<vmem>>
      %dma_start3A_317 = arith.constant 0 : i32
      %dma_start3A_318 = arith.constant 0 : i32
      %dma_start3A_319 = tpu.memref_slice %arg3[%dma_start3A_317, %dma_start3A_318] : memref<1048576x8xf32, #tpu.memory_space<hbm>> -> memref<1048576x8xf32, #tpu.memory_space<hbm>>
      tpu.enqueue_indirect_dma source(%dma_start3A_319 : memref<1048576x8xf32, #tpu.memory_space<hbm>>) target(%arg7 : memref<256x8xf32, #tpu.memory_space<vmem>>) offsets(%dma_start3A_316 : memref<256xi32, #tpu.memory_space<vmem>>) semaphore(%arg10 : memref<!tpu.dma_semaphore, #tpu.memory_space<semaphore_mem>>) {add = true}
      %add3A_320 = arith.constant 20 : i32
      %add3A_321 = arith.addi %mul3A_299, %add3A_320 : i32
      %add3A_322 = arith.constant 2 : i32
      %add3A_323 = arith.addi %add3A_321, %add3A_322 : i32
      %dma_start3A_324 = arith.constant 0 : i32
      %dma_start3A_325 = tpu.memref_slice %arg6[%add3A_323, %dma_start3A_324] : memref<100x256xi32, #tpu.memory_space<vmem>> -> memref<1x256xi32, #tpu.memory_space<vmem>>
      %dma_start3A_326 = tpu.memref_squeeze %dma_start3A_325 : memref<1x256xi32, #tpu.memory_space<vmem>> -> memref<256xi32, #tpu.memory_space<vmem>>
      %dma_start3A_327 = arith.constant 0 : i32
      %dma_start3A_328 = arith.constant 0 : i32
      %dma_start3A_329 = tpu.memref_slice %arg3[%dma_start3A_327, %dma_start3A_328] : memref<1048576x8xf32, #tpu.memory_space<hbm>> -> memref<1048576x8xf32, #tpu.memory_space<hbm>>
      tpu.enqueue_indirect_dma source(%dma_start3A_329 : memref<1048576x8xf32, #tpu.memory_space<hbm>>) target(%arg7 : memref<256x8xf32, #tpu.memory_space<vmem>>) offsets(%dma_start3A_326 : memref<256xi32, #tpu.memory_space<vmem>>) semaphore(%arg10 : memref<!tpu.dma_semaphore, #tpu.memory_space<semaphore_mem>>) {add = true}
      %add3A_330 = arith.constant 20 : i32
      %add3A_331 = arith.addi %mul3A_299, %add3A_330 : i32
      %add3A_332 = arith.constant 3 : i32
      %add3A_333 = arith.addi %add3A_331, %add3A_332 : i32
      %dma_start3A_334 = arith.constant 0 : i32
      %dma_start3A_335 = tpu.memref_slice %arg6[%add3A_333, %dma_start3A_334] : memref<100x256xi32, #tpu.memory_space<vmem>> -> memref<1x256xi32, #tpu.memory_space<vmem>>
      %dma_start3A_336 = tpu.memref_squeeze %dma_start3A_335 : memref<1x256xi32, #tpu.memory_space<vmem>> -> memref<256xi32, #tpu.memory_space<vmem>>
      %dma_start3A_337 = arith.constant 0 : i32
      %dma_start3A_338 = arith.constant 0 : i32
      %dma_start3A_339 = tpu.memref_slice %arg3[%dma_start3A_337, %dma_start3A_338] : memref<1048576x8xf32, #tpu.memory_space<hbm>> -> memref<1048576x8xf32, #tpu.memory_space<hbm>>
      tpu.enqueue_indirect_dma source(%dma_start3A_339 : memref<1048576x8xf32, #tpu.memory_space<hbm>>) target(%arg7 : memref<256x8xf32, #tpu.memory_space<vmem>>) offsets(%dma_start3A_336 : memref<256xi32, #tpu.memory_space<vmem>>) semaphore(%arg10 : memref<!tpu.dma_semaphore, #tpu.memory_space<semaphore_mem>>) {add = true}
      %add3A_340 = arith.constant 20 : i32
      %add3A_341 = arith.addi %mul3A_299, %add3A_340 : i32
      %add3A_342 = arith.constant 4 : i32
      %add3A_343 = arith.addi %add3A_341, %add3A_342 : i32
      %dma_start3A_344 = arith.constant 0 : i32
      %dma_start3A_345 = tpu.memref_slice %arg6[%add3A_343, %dma_start3A_344] : memref<100x256xi32, #tpu.memory_space<vmem>> -> memref<1x256xi32, #tpu.memory_space<vmem>>
      %dma_start3A_346 = tpu.memref_squeeze %dma_start3A_345 : memref<1x256xi32, #tpu.memory_space<vmem>> -> memref<256xi32, #tpu.memory_space<vmem>>
      %dma_start3A_347 = arith.constant 0 : i32
      %dma_start3A_348 = arith.constant 0 : i32
      %dma_start3A_349 = tpu.memref_slice %arg3[%dma_start3A_347, %dma_start3A_348] : memref<1048576x8xf32, #tpu.memory_space<hbm>> -> memref<1048576x8xf32, #tpu.memory_space<hbm>>
      tpu.enqueue_indirect_dma source(%dma_start3A_349 : memref<1048576x8xf32, #tpu.memory_space<hbm>>) target(%arg7 : memref<256x8xf32, #tpu.memory_space<vmem>>) offsets(%dma_start3A_346 : memref<256xi32, #tpu.memory_space<vmem>>) semaphore(%arg10 : memref<!tpu.dma_semaphore, #tpu.memory_space<semaphore_mem>>) {add = true}
      %add3A_350 = arith.constant 20 : i32
      %add3A_351 = arith.addi %mul3A_299, %add3A_350 : i32
      %add3A_352 = arith.constant 5 : i32
      %add3A_353 = arith.addi %add3A_351, %add3A_352 : i32
      %dma_start3A_354 = arith.constant 0 : i32
      %dma_start3A_355 = tpu.memref_slice %arg6[%add3A_353, %dma_start3A_354] : memref<100x256xi32, #tpu.memory_space<vmem>> -> memref<1x256xi32, #tpu.memory_space<vmem>>
      %dma_start3A_356 = tpu.memref_squeeze %dma_start3A_355 : memref<1x256xi32, #tpu.memory_space<vmem>> -> memref<256xi32, #tpu.memory_space<vmem>>
      %dma_start3A_357 = arith.constant 0 : i32
      %dma_start3A_358 = arith.constant 0 : i32
      %dma_start3A_359 = tpu.memref_slice %arg3[%dma_start3A_357, %dma_start3A_358] : memref<1048576x8xf32, #tpu.memory_space<hbm>> -> memref<1048576x8xf32, #tpu.memory_space<hbm>>
      tpu.enqueue_indirect_dma source(%dma_start3A_359 : memref<1048576x8xf32, #tpu.memory_space<hbm>>) target(%arg7 : memref<256x8xf32, #tpu.memory_space<vmem>>) offsets(%dma_start3A_356 : memref<256xi32, #tpu.memory_space<vmem>>) semaphore(%arg10 : memref<!tpu.dma_semaphore, #tpu.memory_space<semaphore_mem>>) {add = true}
      %add3A_360 = arith.constant 20 : i32
      %add3A_361 = arith.addi %mul3A_299, %add3A_360 : i32
      %add3A_362 = arith.constant 6 : i32
      %add3A_363 = arith.addi %add3A_361, %add3A_362 : i32
      %dma_start3A_364 = arith.constant 0 : i32
      %dma_start3A_365 = tpu.memref_slice %arg6[%add3A_363, %dma_start3A_364] : memref<100x256xi32, #tpu.memory_space<vmem>> -> memref<1x256xi32, #tpu.memory_space<vmem>>
      %dma_start3A_366 = tpu.memref_squeeze %dma_start3A_365 : memref<1x256xi32, #tpu.memory_space<vmem>> -> memref<256xi32, #tpu.memory_space<vmem>>
      %dma_start3A_367 = arith.constant 0 : i32
      %dma_start3A_368 = arith.constant 0 : i32
      %dma_start3A_369 = tpu.memref_slice %arg3[%dma_start3A_367, %dma_start3A_368] : memref<1048576x8xf32, #tpu.memory_space<hbm>> -> memref<1048576x8xf32, #tpu.memory_space<hbm>>
      tpu.enqueue_indirect_dma source(%dma_start3A_369 : memref<1048576x8xf32, #tpu.memory_space<hbm>>) target(%arg7 : memref<256x8xf32, #tpu.memory_space<vmem>>) offsets(%dma_start3A_366 : memref<256xi32, #tpu.memory_space<vmem>>) semaphore(%arg10 : memref<!tpu.dma_semaphore, #tpu.memory_space<semaphore_mem>>) {add = true}
      %add3A_370 = arith.constant 20 : i32
      %add3A_371 = arith.addi %mul3A_299, %add3A_370 : i32
      %add3A_372 = arith.constant 7 : i32
      %add3A_373 = arith.addi %add3A_371, %add3A_372 : i32
      %dma_start3A_374 = arith.constant 0 : i32
      %dma_start3A_375 = tpu.memref_slice %arg6[%add3A_373, %dma_start3A_374] : memref<100x256xi32, #tpu.memory_space<vmem>> -> memref<1x256xi32, #tpu.memory_space<vmem>>
      %dma_start3A_376 = tpu.memref_squeeze %dma_start3A_375 : memref<1x256xi32, #tpu.memory_space<vmem>> -> memref<256xi32, #tpu.memory_space<vmem>>
      %dma_start3A_377 = arith.constant 0 : i32
      %dma_start3A_378 = arith.constant 0 : i32
      %dma_start3A_379 = tpu.memref_slice %arg3[%dma_start3A_377, %dma_start3A_378] : memref<1048576x8xf32, #tpu.memory_space<hbm>> -> memref<1048576x8xf32, #tpu.memory_space<hbm>>
      tpu.enqueue_indirect_dma source(%dma_start3A_379 : memref<1048576x8xf32, #tpu.memory_space<hbm>>) target(%arg7 : memref<256x8xf32, #tpu.memory_space<vmem>>) offsets(%dma_start3A_376 : memref<256xi32, #tpu.memory_space<vmem>>) semaphore(%arg10 : memref<!tpu.dma_semaphore, #tpu.memory_space<semaphore_mem>>) {add = true}
      %add3A_380 = arith.constant 20 : i32
      %add3A_381 = arith.addi %mul3A_299, %add3A_380 : i32
      %add3A_382 = arith.constant 8 : i32
      %add3A_383 = arith.addi %add3A_381, %add3A_382 : i32
      %dma_start3A_384 = arith.constant 0 : i32
      %dma_start3A_385 = tpu.memref_slice %arg6[%add3A_383, %dma_start3A_384] : memref<100x256xi32, #tpu.memory_space<vmem>> -> memref<1x256xi32, #tpu.memory_space<vmem>>
      %dma_start3A_386 = tpu.memref_squeeze %dma_start3A_385 : memref<1x256xi32, #tpu.memory_space<vmem>> -> memref<256xi32, #tpu.memory_space<vmem>>
      %dma_start3A_387 = arith.constant 0 : i32
      %dma_start3A_388 = arith.constant 0 : i32
      %dma_start3A_389 = tpu.memref_slice %arg3[%dma_start3A_387, %dma_start3A_388] : memref<1048576x8xf32, #tpu.memory_space<hbm>> -> memref<1048576x8xf32, #tpu.memory_space<hbm>>
      tpu.enqueue_indirect_dma source(%dma_start3A_389 : memref<1048576x8xf32, #tpu.memory_space<hbm>>) target(%arg7 : memref<256x8xf32, #tpu.memory_space<vmem>>) offsets(%dma_start3A_386 : memref<256xi32, #tpu.memory_space<vmem>>) semaphore(%arg10 : memref<!tpu.dma_semaphore, #tpu.memory_space<semaphore_mem>>) {add = true}
      %add3A_390 = arith.constant 20 : i32
      %add3A_391 = arith.addi %mul3A_299, %add3A_390 : i32
      %add3A_392 = arith.constant 9 : i32
      %add3A_393 = arith.addi %add3A_391, %add3A_392 : i32
      %dma_start3A_394 = arith.constant 0 : i32
      %dma_start3A_395 = tpu.memref_slice %arg6[%add3A_393, %dma_start3A_394] : memref<100x256xi32, #tpu.memory_space<vmem>> -> memref<1x256xi32, #tpu.memory_space<vmem>>
      %dma_start3A_396 = tpu.memref_squeeze %dma_start3A_395 : memref<1x256xi32, #tpu.memory_space<vmem>> -> memref<256xi32, #tpu.memory_space<vmem>>
      %dma_start3A_397 = arith.constant 0 : i32
      %dma_start3A_398 = arith.constant 0 : i32
      %dma_start3A_399 = tpu.memref_slice %arg3[%dma_start3A_397, %dma_start3A_398] : memref<1048576x8xf32, #tpu.memory_space<hbm>> -> memref<1048576x8xf32, #tpu.memory_space<hbm>>
      tpu.enqueue_indirect_dma source(%dma_start3A_399 : memref<1048576x8xf32, #tpu.memory_space<hbm>>) target(%arg7 : memref<256x8xf32, #tpu.memory_space<vmem>>) offsets(%dma_start3A_396 : memref<256xi32, #tpu.memory_space<vmem>>) semaphore(%arg10 : memref<!tpu.dma_semaphore, #tpu.memory_space<semaphore_mem>>) {add = true}
      %add3A_400 = arith.constant 20 : i32
      %add3A_401 = arith.addi %mul3A_299, %add3A_400 : i32
      %add3A_402 = arith.constant 10 : i32
      %add3A_403 = arith.addi %add3A_401, %add3A_402 : i32
      %dma_start3A_404 = arith.constant 0 : i32
      %dma_start3A_405 = tpu.memref_slice %arg6[%add3A_403, %dma_start3A_404] : memref<100x256xi32, #tpu.memory_space<vmem>> -> memref<1x256xi32, #tpu.memory_space<vmem>>
      %dma_start3A_406 = tpu.memref_squeeze %dma_start3A_405 : memref<1x256xi32, #tpu.memory_space<vmem>> -> memref<256xi32, #tpu.memory_space<vmem>>
      %dma_start3A_407 = arith.constant 0 : i32
      %dma_start3A_408 = arith.constant 0 : i32
      %dma_start3A_409 = tpu.memref_slice %arg3[%dma_start3A_407, %dma_start3A_408] : memref<1048576x8xf32, #tpu.memory_space<hbm>> -> memref<1048576x8xf32, #tpu.memory_space<hbm>>
      tpu.enqueue_indirect_dma source(%dma_start3A_409 : memref<1048576x8xf32, #tpu.memory_space<hbm>>) target(%arg7 : memref<256x8xf32, #tpu.memory_space<vmem>>) offsets(%dma_start3A_406 : memref<256xi32, #tpu.memory_space<vmem>>) semaphore(%arg10 : memref<!tpu.dma_semaphore, #tpu.memory_space<semaphore_mem>>) {add = true}
      %add3A_410 = arith.constant 20 : i32
      %add3A_411 = arith.addi %mul3A_299, %add3A_410 : i32
      %add3A_412 = arith.constant 11 : i32
      %add3A_413 = arith.addi %add3A_411, %add3A_412 : i32
      %dma_start3A_414 = arith.constant 0 : i32
      %dma_start3A_415 = tpu.memref_slice %arg6[%add3A_413, %dma_start3A_414] : memref<100x256xi32, #tpu.memory_space<vmem>> -> memref<1x256xi32, #tpu.memory_space<vmem>>
      %dma_start3A_416 = tpu.memref_squeeze %dma_start3A_415 : memref<1x256xi32, #tpu.memory_space<vmem>> -> memref<256xi32, #tpu.memory_space<vmem>>
      %dma_start3A_417 = arith.constant 0 : i32
      %dma_start3A_418 = arith.constant 0 : i32
      %dma_start3A_419 = tpu.memref_slice %arg3[%dma_start3A_417, %dma_start3A_418] : memref<1048576x8xf32, #tpu.memory_space<hbm>> -> memref<1048576x8xf32, #tpu.memory_space<hbm>>
      tpu.enqueue_indirect_dma source(%dma_start3A_419 : memref<1048576x8xf32, #tpu.memory_space<hbm>>) target(%arg7 : memref<256x8xf32, #tpu.memory_space<vmem>>) offsets(%dma_start3A_416 : memref<256xi32, #tpu.memory_space<vmem>>) semaphore(%arg10 : memref<!tpu.dma_semaphore, #tpu.memory_space<semaphore_mem>>) {add = true}
      %add3A_420 = arith.constant 20 : i32
      %add3A_421 = arith.addi %mul3A_299, %add3A_420 : i32
      %add3A_422 = arith.constant 12 : i32
      %add3A_423 = arith.addi %add3A_421, %add3A_422 : i32
      %dma_start3A_424 = arith.constant 0 : i32
      %dma_start3A_425 = tpu.memref_slice %arg6[%add3A_423, %dma_start3A_424] : memref<100x256xi32, #tpu.memory_space<vmem>> -> memref<1x256xi32, #tpu.memory_space<vmem>>
      %dma_start3A_426 = tpu.memref_squeeze %dma_start3A_425 : memref<1x256xi32, #tpu.memory_space<vmem>> -> memref<256xi32, #tpu.memory_space<vmem>>
      %dma_start3A_427 = arith.constant 0 : i32
      %dma_start3A_428 = arith.constant 0 : i32
      %dma_start3A_429 = tpu.memref_slice %arg3[%dma_start3A_427, %dma_start3A_428] : memref<1048576x8xf32, #tpu.memory_space<hbm>> -> memref<1048576x8xf32, #tpu.memory_space<hbm>>
      tpu.enqueue_indirect_dma source(%dma_start3A_429 : memref<1048576x8xf32, #tpu.memory_space<hbm>>) target(%arg7 : memref<256x8xf32, #tpu.memory_space<vmem>>) offsets(%dma_start3A_426 : memref<256xi32, #tpu.memory_space<vmem>>) semaphore(%arg10 : memref<!tpu.dma_semaphore, #tpu.memory_space<semaphore_mem>>) {add = true}
      %add3A_430 = arith.constant 20 : i32
      %add3A_431 = arith.addi %mul3A_299, %add3A_430 : i32
      %add3A_432 = arith.constant 13 : i32
      %add3A_433 = arith.addi %add3A_431, %add3A_432 : i32
      %dma_start3A_434 = arith.constant 0 : i32
      %dma_start3A_435 = tpu.memref_slice %arg6[%add3A_433, %dma_start3A_434] : memref<100x256xi32, #tpu.memory_space<vmem>> -> memref<1x256xi32, #tpu.memory_space<vmem>>
      %dma_start3A_436 = tpu.memref_squeeze %dma_start3A_435 : memref<1x256xi32, #tpu.memory_space<vmem>> -> memref<256xi32, #tpu.memory_space<vmem>>
      %dma_start3A_437 = arith.constant 0 : i32
      %dma_start3A_438 = arith.constant 0 : i32
      %dma_start3A_439 = tpu.memref_slice %arg3[%dma_start3A_437, %dma_start3A_438] : memref<1048576x8xf32, #tpu.memory_space<hbm>> -> memref<1048576x8xf32, #tpu.memory_space<hbm>>
      tpu.enqueue_indirect_dma source(%dma_start3A_439 : memref<1048576x8xf32, #tpu.memory_space<hbm>>) target(%arg7 : memref<256x8xf32, #tpu.memory_space<vmem>>) offsets(%dma_start3A_436 : memref<256xi32, #tpu.memory_space<vmem>>) semaphore(%arg10 : memref<!tpu.dma_semaphore, #tpu.memory_space<semaphore_mem>>) {add = true}
      %add3A_440 = arith.constant 20 : i32
      %add3A_441 = arith.addi %mul3A_299, %add3A_440 : i32
      %add3A_442 = arith.constant 14 : i32
      %add3A_443 = arith.addi %add3A_441, %add3A_442 : i32
      %dma_start3A_444 = arith.constant 0 : i32
      %dma_start3A_445 = tpu.memref_slice %arg6[%add3A_443, %dma_start3A_444] : memref<100x256xi32, #tpu.memory_space<vmem>> -> memref<1x256xi32, #tpu.memory_space<vmem>>
      %dma_start3A_446 = tpu.memref_squeeze %dma_start3A_445 : memref<1x256xi32, #tpu.memory_space<vmem>> -> memref<256xi32, #tpu.memory_space<vmem>>
      %dma_start3A_447 = arith.constant 0 : i32
      %dma_start3A_448 = arith.constant 0 : i32
      %dma_start3A_449 = tpu.memref_slice %arg3[%dma_start3A_447, %dma_start3A_448] : memref<1048576x8xf32, #tpu.memory_space<hbm>> -> memref<1048576x8xf32, #tpu.memory_space<hbm>>
      tpu.enqueue_indirect_dma source(%dma_start3A_449 : memref<1048576x8xf32, #tpu.memory_space<hbm>>) target(%arg7 : memref<256x8xf32, #tpu.memory_space<vmem>>) offsets(%dma_start3A_446 : memref<256xi32, #tpu.memory_space<vmem>>) semaphore(%arg10 : memref<!tpu.dma_semaphore, #tpu.memory_space<semaphore_mem>>) {add = true}
      %add3A_450 = arith.constant 20 : i32
      %add3A_451 = arith.addi %mul3A_299, %add3A_450 : i32
      %add3A_452 = arith.constant 15 : i32
      %add3A_453 = arith.addi %add3A_451, %add3A_452 : i32
      %dma_start3A_454 = arith.constant 0 : i32
      %dma_start3A_455 = tpu.memref_slice %arg6[%add3A_453, %dma_start3A_454] : memref<100x256xi32, #tpu.memory_space<vmem>> -> memref<1x256xi32, #tpu.memory_space<vmem>>
      %dma_start3A_456 = tpu.memref_squeeze %dma_start3A_455 : memref<1x256xi32, #tpu.memory_space<vmem>> -> memref<256xi32, #tpu.memory_space<vmem>>
      %dma_start3A_457 = arith.constant 0 : i32
      %dma_start3A_458 = arith.constant 0 : i32
      %dma_start3A_459 = tpu.memref_slice %arg3[%dma_start3A_457, %dma_start3A_458] : memref<1048576x8xf32, #tpu.memory_space<hbm>> -> memref<1048576x8xf32, #tpu.memory_space<hbm>>
      tpu.enqueue_indirect_dma source(%dma_start3A_459 : memref<1048576x8xf32, #tpu.memory_space<hbm>>) target(%arg7 : memref<256x8xf32, #tpu.memory_space<vmem>>) offsets(%dma_start3A_456 : memref<256xi32, #tpu.memory_space<vmem>>) semaphore(%arg10 : memref<!tpu.dma_semaphore, #tpu.memory_space<semaphore_mem>>) {add = true}
      %add3A_460 = arith.constant 20 : i32
      %add3A_461 = arith.addi %mul3A_299, %add3A_460 : i32
      %add3A_462 = arith.constant 16 : i32
      %add3A_463 = arith.addi %add3A_461, %add3A_462 : i32
      %dma_start3A_464 = arith.constant 0 : i32
      %dma_start3A_465 = tpu.memref_slice %arg6[%add3A_463, %dma_start3A_464] : memref<100x256xi32, #tpu.memory_space<vmem>> -> memref<1x256xi32, #tpu.memory_space<vmem>>
      %dma_start3A_466 = tpu.memref_squeeze %dma_start3A_465 : memref<1x256xi32, #tpu.memory_space<vmem>> -> memref<256xi32, #tpu.memory_space<vmem>>
      %dma_start3A_467 = arith.constant 0 : i32
      %dma_start3A_468 = arith.constant 0 : i32
      %dma_start3A_469 = tpu.memref_slice %arg3[%dma_start3A_467, %dma_start3A_468] : memref<1048576x8xf32, #tpu.memory_space<hbm>> -> memref<1048576x8xf32, #tpu.memory_space<hbm>>
      tpu.enqueue_indirect_dma source(%dma_start3A_469 : memref<1048576x8xf32, #tpu.memory_space<hbm>>) target(%arg7 : memref<256x8xf32, #tpu.memory_space<vmem>>) offsets(%dma_start3A_466 : memref<256xi32, #tpu.memory_space<vmem>>) semaphore(%arg10 : memref<!tpu.dma_semaphore, #tpu.memory_space<semaphore_mem>>) {add = true}
      %add3A_470 = arith.constant 20 : i32
      %add3A_471 = arith.addi %mul3A_299, %add3A_470 : i32
      %add3A_472 = arith.constant 17 : i32
      %add3A_473 = arith.addi %add3A_471, %add3A_472 : i32
      %dma_start3A_474 = arith.constant 0 : i32
      %dma_start3A_475 = tpu.memref_slice %arg6[%add3A_473, %dma_start3A_474] : memref<100x256xi32, #tpu.memory_space<vmem>> -> memref<1x256xi32, #tpu.memory_space<vmem>>
      %dma_start3A_476 = tpu.memref_squeeze %dma_start3A_475 : memref<1x256xi32, #tpu.memory_space<vmem>> -> memref<256xi32, #tpu.memory_space<vmem>>
      %dma_start3A_477 = arith.constant 0 : i32
      %dma_start3A_478 = arith.constant 0 : i32
      %dma_start3A_479 = tpu.memref_slice %arg3[%dma_start3A_477, %dma_start3A_478] : memref<1048576x8xf32, #tpu.memory_space<hbm>> -> memref<1048576x8xf32, #tpu.memory_space<hbm>>
      tpu.enqueue_indirect_dma source(%dma_start3A_479 : memref<1048576x8xf32, #tpu.memory_space<hbm>>) target(%arg7 : memref<256x8xf32, #tpu.memory_space<vmem>>) offsets(%dma_start3A_476 : memref<256xi32, #tpu.memory_space<vmem>>) semaphore(%arg10 : memref<!tpu.dma_semaphore, #tpu.memory_space<semaphore_mem>>) {add = true}
      %add3A_480 = arith.constant 20 : i32
      %add3A_481 = arith.addi %mul3A_299, %add3A_480 : i32
      %add3A_482 = arith.constant 18 : i32
      %add3A_483 = arith.addi %add3A_481, %add3A_482 : i32
      %dma_start3A_484 = arith.constant 0 : i32
      %dma_start3A_485 = tpu.memref_slice %arg6[%add3A_483, %dma_start3A_484] : memref<100x256xi32, #tpu.memory_space<vmem>> -> memref<1x256xi32, #tpu.memory_space<vmem>>
      %dma_start3A_486 = tpu.memref_squeeze %dma_start3A_485 : memref<1x256xi32, #tpu.memory_space<vmem>> -> memref<256xi32, #tpu.memory_space<vmem>>
      %dma_start3A_487 = arith.constant 0 : i32
      %dma_start3A_488 = arith.constant 0 : i32
      %dma_start3A_489 = tpu.memref_slice %arg3[%dma_start3A_487, %dma_start3A_488] : memref<1048576x8xf32, #tpu.memory_space<hbm>> -> memref<1048576x8xf32, #tpu.memory_space<hbm>>
      tpu.enqueue_indirect_dma source(%dma_start3A_489 : memref<1048576x8xf32, #tpu.memory_space<hbm>>) target(%arg7 : memref<256x8xf32, #tpu.memory_space<vmem>>) offsets(%dma_start3A_486 : memref<256xi32, #tpu.memory_space<vmem>>) semaphore(%arg10 : memref<!tpu.dma_semaphore, #tpu.memory_space<semaphore_mem>>) {add = true}
      %add3A_490 = arith.constant 20 : i32
      %add3A_491 = arith.addi %mul3A_299, %add3A_490 : i32
      %add3A_492 = arith.constant 19 : i32
      %add3A_493 = arith.addi %add3A_491, %add3A_492 : i32
      %dma_start3A_494 = arith.constant 0 : i32
      %dma_start3A_495 = tpu.memref_slice %arg6[%add3A_493, %dma_start3A_494] : memref<100x256xi32, #tpu.memory_space<vmem>> -> memref<1x256xi32, #tpu.memory_space<vmem>>
      %dma_start3A_496 = tpu.memref_squeeze %dma_start3A_495 : memref<1x256xi32, #tpu.memory_space<vmem>> -> memref<256xi32, #tpu.memory_space<vmem>>
      %dma_start3A_497 = arith.constant 0 : i32
      %dma_start3A_498 = arith.constant 0 : i32
      %dma_start3A_499 = tpu.memref_slice %arg3[%dma_start3A_497, %dma_start3A_498] : memref<1048576x8xf32, #tpu.memory_space<hbm>> -> memref<1048576x8xf32, #tpu.memory_space<hbm>>
      tpu.enqueue_indirect_dma source(%dma_start3A_499 : memref<1048576x8xf32, #tpu.memory_space<hbm>>) target(%arg7 : memref<256x8xf32, #tpu.memory_space<vmem>>) offsets(%dma_start3A_496 : memref<256xi32, #tpu.memory_space<vmem>>) semaphore(%arg10 : memref<!tpu.dma_semaphore, #tpu.memory_space<semaphore_mem>>) {add = true}
      %dma_wait3A_500 = arith.constant 0 : i32
      %dma_wait3A_501 = arith.constant 0 : i32
      %dma_wait3A_502 = tpu.memref_slice %arg6[%dma_wait3A_500, %dma_wait3A_501] : memref<100x256xi32, #tpu.memory_space<vmem>> -> memref<1x256xi32, #tpu.memory_space<vmem>>
      %dma_wait3A_503 = tpu.memref_squeeze %dma_wait3A_502 : memref<1x256xi32, #tpu.memory_space<vmem>> -> memref<256xi32, #tpu.memory_space<vmem>>
      %dma_wait3A_504 = arith.constant 0 : i32
      %dma_wait3A_505 = arith.constant 0 : i32
      %dma_wait3A_506 = tpu.memref_slice %arg3[%dma_wait3A_504, %dma_wait3A_505] : memref<1048576x8xf32, #tpu.memory_space<hbm>> -> memref<1048576x8xf32, #tpu.memory_space<hbm>>
      tpu.wait_indirect_dma semaphore(%arg10 : memref<!tpu.dma_semaphore, #tpu.memory_space<semaphore_mem>>) src(%dma_wait3A_506 : memref<1048576x8xf32, #tpu.memory_space<hbm>>) dst(%arg7 : memref<256x8xf32, #tpu.memory_space<vmem>>)
      %dma_wait3A_507 = arith.constant 0 : i32
      %dma_wait3A_508 = arith.constant 0 : i32
      %dma_wait3A_509 = tpu.memref_slice %arg6[%dma_wait3A_507, %dma_wait3A_508] : memref<100x256xi32, #tpu.memory_space<vmem>> -> memref<1x256xi32, #tpu.memory_space<vmem>>
      %dma_wait3A_510 = tpu.memref_squeeze %dma_wait3A_509 : memref<1x256xi32, #tpu.memory_space<vmem>> -> memref<256xi32, #tpu.memory_space<vmem>>
      %dma_wait3A_511 = arith.constant 0 : i32
      %dma_wait3A_512 = arith.constant 0 : i32
      %dma_wait3A_513 = tpu.memref_slice %arg3[%dma_wait3A_511, %dma_wait3A_512] : memref<1048576x8xf32, #tpu.memory_space<hbm>> -> memref<1048576x8xf32, #tpu.memory_space<hbm>>
      tpu.wait_indirect_dma semaphore(%arg10 : memref<!tpu.dma_semaphore, #tpu.memory_space<semaphore_mem>>) src(%dma_wait3A_513 : memref<1048576x8xf32, #tpu.memory_space<hbm>>) dst(%arg7 : memref<256x8xf32, #tpu.memory_space<vmem>>)
      %dma_wait3A_514 = arith.constant 0 : i32
      %dma_wait3A_515 = arith.constant 0 : i32
      %dma_wait3A_516 = tpu.memref_slice %arg6[%dma_wait3A_514, %dma_wait3A_515] : memref<100x256xi32, #tpu.memory_space<vmem>> -> memref<1x256xi32, #tpu.memory_space<vmem>>
      %dma_wait3A_517 = tpu.memref_squeeze %dma_wait3A_516 : memref<1x256xi32, #tpu.memory_space<vmem>> -> memref<256xi32, #tpu.memory_space<vmem>>
      %dma_wait3A_518 = arith.constant 0 : i32
      %dma_wait3A_519 = arith.constant 0 : i32
      %dma_wait3A_520 = tpu.memref_slice %arg3[%dma_wait3A_518, %dma_wait3A_519] : memref<1048576x8xf32, #tpu.memory_space<hbm>> -> memref<1048576x8xf32, #tpu.memory_space<hbm>>
      tpu.wait_indirect_dma semaphore(%arg10 : memref<!tpu.dma_semaphore, #tpu.memory_space<semaphore_mem>>) src(%dma_wait3A_520 : memref<1048576x8xf32, #tpu.memory_space<hbm>>) dst(%arg7 : memref<256x8xf32, #tpu.memory_space<vmem>>)
      %dma_wait3A_521 = arith.constant 0 : i32
      %dma_wait3A_522 = arith.constant 0 : i32
      %dma_wait3A_523 = tpu.memref_slice %arg6[%dma_wait3A_521, %dma_wait3A_522] : memref<100x256xi32, #tpu.memory_space<vmem>> -> memref<1x256xi32, #tpu.memory_space<vmem>>
      %dma_wait3A_524 = tpu.memref_squeeze %dma_wait3A_523 : memref<1x256xi32, #tpu.memory_space<vmem>> -> memref<256xi32, #tpu.memory_space<vmem>>
      %dma_wait3A_525 = arith.constant 0 : i32
      %dma_wait3A_526 = arith.constant 0 : i32
      %dma_wait3A_527 = tpu.memref_slice %arg3[%dma_wait3A_525, %dma_wait3A_526] : memref<1048576x8xf32, #tpu.memory_space<hbm>> -> memref<1048576x8xf32, #tpu.memory_space<hbm>>
      tpu.wait_indirect_dma semaphore(%arg10 : memref<!tpu.dma_semaphore, #tpu.memory_space<semaphore_mem>>) src(%dma_wait3A_527 : memref<1048576x8xf32, #tpu.memory_space<hbm>>) dst(%arg7 : memref<256x8xf32, #tpu.memory_space<vmem>>)
      %dma_wait3A_528 = arith.constant 0 : i32
      %dma_wait3A_529 = arith.constant 0 : i32
      %dma_wait3A_530 = tpu.memref_slice %arg6[%dma_wait3A_528, %dma_wait3A_529] : memref<100x256xi32, #tpu.memory_space<vmem>> -> memref<1x256xi32, #tpu.memory_space<vmem>>
      %dma_wait3A_531 = tpu.memref_squeeze %dma_wait3A_530 : memref<1x256xi32, #tpu.memory_space<vmem>> -> memref<256xi32, #tpu.memory_space<vmem>>
      %dma_wait3A_532 = arith.constant 0 : i32
      %dma_wait3A_533 = arith.constant 0 : i32
      %dma_wait3A_534 = tpu.memref_slice %arg3[%dma_wait3A_532, %dma_wait3A_533] : memref<1048576x8xf32, #tpu.memory_space<hbm>> -> memref<1048576x8xf32, #tpu.memory_space<hbm>>
      tpu.wait_indirect_dma semaphore(%arg10 : memref<!tpu.dma_semaphore, #tpu.memory_space<semaphore_mem>>) src(%dma_wait3A_534 : memref<1048576x8xf32, #tpu.memory_space<hbm>>) dst(%arg7 : memref<256x8xf32, #tpu.memory_space<vmem>>)
      %dma_wait3A_535 = arith.constant 0 : i32
      %dma_wait3A_536 = arith.constant 0 : i32
      %dma_wait3A_537 = tpu.memref_slice %arg6[%dma_wait3A_535, %dma_wait3A_536] : memref<100x256xi32, #tpu.memory_space<vmem>> -> memref<1x256xi32, #tpu.memory_space<vmem>>
      %dma_wait3A_538 = tpu.memref_squeeze %dma_wait3A_537 : memref<1x256xi32, #tpu.memory_space<vmem>> -> memref<256xi32, #tpu.memory_space<vmem>>
      %dma_wait3A_539 = arith.constant 0 : i32
      %dma_wait3A_540 = arith.constant 0 : i32
      %dma_wait3A_541 = tpu.memref_slice %arg3[%dma_wait3A_539, %dma_wait3A_540] : memref<1048576x8xf32, #tpu.memory_space<hbm>> -> memref<1048576x8xf32, #tpu.memory_space<hbm>>
      tpu.wait_indirect_dma semaphore(%arg10 : memref<!tpu.dma_semaphore, #tpu.memory_space<semaphore_mem>>) src(%dma_wait3A_541 : memref<1048576x8xf32, #tpu.memory_space<hbm>>) dst(%arg7 : memref<256x8xf32, #tpu.memory_space<vmem>>)
      %dma_wait3A_542 = arith.constant 0 : i32
      %dma_wait3A_543 = arith.constant 0 : i32
      %dma_wait3A_544 = tpu.memref_slice %arg6[%dma_wait3A_542, %dma_wait3A_543] : memref<100x256xi32, #tpu.memory_space<vmem>> -> memref<1x256xi32, #tpu.memory_space<vmem>>
      %dma_wait3A_545 = tpu.memref_squeeze %dma_wait3A_544 : memref<1x256xi32, #tpu.memory_space<vmem>> -> memref<256xi32, #tpu.memory_space<vmem>>
      %dma_wait3A_546 = arith.constant 0 : i32
      %dma_wait3A_547 = arith.constant 0 : i32
      %dma_wait3A_548 = tpu.memref_slice %arg3[%dma_wait3A_546, %dma_wait3A_547] : memref<1048576x8xf32, #tpu.memory_space<hbm>> -> memref<1048576x8xf32, #tpu.memory_space<hbm>>
      tpu.wait_indirect_dma semaphore(%arg10 : memref<!tpu.dma_semaphore, #tpu.memory_space<semaphore_mem>>) src(%dma_wait3A_548 : memref<1048576x8xf32, #tpu.memory_space<hbm>>) dst(%arg7 : memref<256x8xf32, #tpu.memory_space<vmem>>)
      %dma_wait3A_549 = arith.constant 0 : i32
      %dma_wait3A_550 = arith.constant 0 : i32
      %dma_wait3A_551 = tpu.memref_slice %arg6[%dma_wait3A_549, %dma_wait3A_550] : memref<100x256xi32, #tpu.memory_space<vmem>> -> memref<1x256xi32, #tpu.memory_space<vmem>>
      %dma_wait3A_552 = tpu.memref_squeeze %dma_wait3A_551 : memref<1x256xi32, #tpu.memory_space<vmem>> -> memref<256xi32, #tpu.memory_space<vmem>>
      %dma_wait3A_553 = arith.constant 0 : i32
      %dma_wait3A_554 = arith.constant 0 : i32
      %dma_wait3A_555 = tpu.memref_slice %arg3[%dma_wait3A_553, %dma_wait3A_554] : memref<1048576x8xf32, #tpu.memory_space<hbm>> -> memref<1048576x8xf32, #tpu.memory_space<hbm>>
      tpu.wait_indirect_dma semaphore(%arg10 : memref<!tpu.dma_semaphore, #tpu.memory_space<semaphore_mem>>) src(%dma_wait3A_555 : memref<1048576x8xf32, #tpu.memory_space<hbm>>) dst(%arg7 : memref<256x8xf32, #tpu.memory_space<vmem>>)
      %dma_wait3A_556 = arith.constant 0 : i32
      %dma_wait3A_557 = arith.constant 0 : i32
      %dma_wait3A_558 = tpu.memref_slice %arg6[%dma_wait3A_556, %dma_wait3A_557] : memref<100x256xi32, #tpu.memory_space<vmem>> -> memref<1x256xi32, #tpu.memory_space<vmem>>
      %dma_wait3A_559 = tpu.memref_squeeze %dma_wait3A_558 : memref<1x256xi32, #tpu.memory_space<vmem>> -> memref<256xi32, #tpu.memory_space<vmem>>
      %dma_wait3A_560 = arith.constant 0 : i32
      %dma_wait3A_561 = arith.constant 0 : i32
      %dma_wait3A_562 = tpu.memref_slice %arg3[%dma_wait3A_560, %dma_wait3A_561] : memref<1048576x8xf32, #tpu.memory_space<hbm>> -> memref<1048576x8xf32, #tpu.memory_space<hbm>>
      tpu.wait_indirect_dma semaphore(%arg10 : memref<!tpu.dma_semaphore, #tpu.memory_space<semaphore_mem>>) src(%dma_wait3A_562 : memref<1048576x8xf32, #tpu.memory_space<hbm>>) dst(%arg7 : memref<256x8xf32, #tpu.memory_space<vmem>>)
      %dma_wait3A_563 = arith.constant 0 : i32
      %dma_wait3A_564 = arith.constant 0 : i32
      %dma_wait3A_565 = tpu.memref_slice %arg6[%dma_wait3A_563, %dma_wait3A_564] : memref<100x256xi32, #tpu.memory_space<vmem>> -> memref<1x256xi32, #tpu.memory_space<vmem>>
      %dma_wait3A_566 = tpu.memref_squeeze %dma_wait3A_565 : memref<1x256xi32, #tpu.memory_space<vmem>> -> memref<256xi32, #tpu.memory_space<vmem>>
      %dma_wait3A_567 = arith.constant 0 : i32
      %dma_wait3A_568 = arith.constant 0 : i32
      %dma_wait3A_569 = tpu.memref_slice %arg3[%dma_wait3A_567, %dma_wait3A_568] : memref<1048576x8xf32, #tpu.memory_space<hbm>> -> memref<1048576x8xf32, #tpu.memory_space<hbm>>
      tpu.wait_indirect_dma semaphore(%arg10 : memref<!tpu.dma_semaphore, #tpu.memory_space<semaphore_mem>>) src(%dma_wait3A_569 : memref<1048576x8xf32, #tpu.memory_space<hbm>>) dst(%arg7 : memref<256x8xf32, #tpu.memory_space<vmem>>)
      %dma_wait3A_570 = arith.constant 0 : i32
      %dma_wait3A_571 = arith.constant 0 : i32
      %dma_wait3A_572 = tpu.memref_slice %arg6[%dma_wait3A_570, %dma_wait3A_571] : memref<100x256xi32, #tpu.memory_space<vmem>> -> memref<1x256xi32, #tpu.memory_space<vmem>>
      %dma_wait3A_573 = tpu.memref_squeeze %dma_wait3A_572 : memref<1x256xi32, #tpu.memory_space<vmem>> -> memref<256xi32, #tpu.memory_space<vmem>>
      %dma_wait3A_574 = arith.constant 0 : i32
      %dma_wait3A_575 = arith.constant 0 : i32
      %dma_wait3A_576 = tpu.memref_slice %arg3[%dma_wait3A_574, %dma_wait3A_575] : memref<1048576x8xf32, #tpu.memory_space<hbm>> -> memref<1048576x8xf32, #tpu.memory_space<hbm>>
      tpu.wait_indirect_dma semaphore(%arg10 : memref<!tpu.dma_semaphore, #tpu.memory_space<semaphore_mem>>) src(%dma_wait3A_576 : memref<1048576x8xf32, #tpu.memory_space<hbm>>) dst(%arg7 : memref<256x8xf32, #tpu.memory_space<vmem>>)
      %dma_wait3A_577 = arith.constant 0 : i32
      %dma_wait3A_578 = arith.constant 0 : i32
      %dma_wait3A_579 = tpu.memref_slice %arg6[%dma_wait3A_577, %dma_wait3A_578] : memref<100x256xi32, #tpu.memory_space<vmem>> -> memref<1x256xi32, #tpu.memory_space<vmem>>
      %dma_wait3A_580 = tpu.memref_squeeze %dma_wait3A_579 : memref<1x256xi32, #tpu.memory_space<vmem>> -> memref<256xi32, #tpu.memory_space<vmem>>
      %dma_wait3A_581 = arith.constant 0 : i32
      %dma_wait3A_582 = arith.constant 0 : i32
      %dma_wait3A_583 = tpu.memref_slice %arg3[%dma_wait3A_581, %dma_wait3A_582] : memref<1048576x8xf32, #tpu.memory_space<hbm>> -> memref<1048576x8xf32, #tpu.memory_space<hbm>>
      tpu.wait_indirect_dma semaphore(%arg10 : memref<!tpu.dma_semaphore, #tpu.memory_space<semaphore_mem>>) src(%dma_wait3A_583 : memref<1048576x8xf32, #tpu.memory_space<hbm>>) dst(%arg7 : memref<256x8xf32, #tpu.memory_space<vmem>>)
      %dma_wait3A_584 = arith.constant 0 : i32
      %dma_wait3A_585 = arith.constant 0 : i32
      %dma_wait3A_586 = tpu.memref_slice %arg6[%dma_wait3A_584, %dma_wait3A_585] : memref<100x256xi32, #tpu.memory_space<vmem>> -> memref<1x256xi32, #tpu.memory_space<vmem>>
      %dma_wait3A_587 = tpu.memref_squeeze %dma_wait3A_586 : memref<1x256xi32, #tpu.memory_space<vmem>> -> memref<256xi32, #tpu.memory_space<vmem>>
      %dma_wait3A_588 = arith.constant 0 : i32
      %dma_wait3A_589 = arith.constant 0 : i32
      %dma_wait3A_590 = tpu.memref_slice %arg3[%dma_wait3A_588, %dma_wait3A_589] : memref<1048576x8xf32, #tpu.memory_space<hbm>> -> memref<1048576x8xf32, #tpu.memory_space<hbm>>
      tpu.wait_indirect_dma semaphore(%arg10 : memref<!tpu.dma_semaphore, #tpu.memory_space<semaphore_mem>>) src(%dma_wait3A_590 : memref<1048576x8xf32, #tpu.memory_space<hbm>>) dst(%arg7 : memref<256x8xf32, #tpu.memory_space<vmem>>)
      %dma_wait3A_591 = arith.constant 0 : i32
      %dma_wait3A_592 = arith.constant 0 : i32
      %dma_wait3A_593 = tpu.memref_slice %arg6[%dma_wait3A_591, %dma_wait3A_592] : memref<100x256xi32, #tpu.memory_space<vmem>> -> memref<1x256xi32, #tpu.memory_space<vmem>>
      %dma_wait3A_594 = tpu.memref_squeeze %dma_wait3A_593 : memref<1x256xi32, #tpu.memory_space<vmem>> -> memref<256xi32, #tpu.memory_space<vmem>>
      %dma_wait3A_595 = arith.constant 0 : i32
      %dma_wait3A_596 = arith.constant 0 : i32
      %dma_wait3A_597 = tpu.memref_slice %arg3[%dma_wait3A_595, %dma_wait3A_596] : memref<1048576x8xf32, #tpu.memory_space<hbm>> -> memref<1048576x8xf32, #tpu.memory_space<hbm>>
      tpu.wait_indirect_dma semaphore(%arg10 : memref<!tpu.dma_semaphore, #tpu.memory_space<semaphore_mem>>) src(%dma_wait3A_597 : memref<1048576x8xf32, #tpu.memory_space<hbm>>) dst(%arg7 : memref<256x8xf32, #tpu.memory_space<vmem>>)
      %dma_wait3A_598 = arith.constant 0 : i32
      %dma_wait3A_599 = arith.constant 0 : i32
      %dma_wait3A_600 = tpu.memref_slice %arg6[%dma_wait3A_598, %dma_wait3A_599] : memref<100x256xi32, #tpu.memory_space<vmem>> -> memref<1x256xi32, #tpu.memory_space<vmem>>
      %dma_wait3A_601 = tpu.memref_squeeze %dma_wait3A_600 : memref<1x256xi32, #tpu.memory_space<vmem>> -> memref<256xi32, #tpu.memory_space<vmem>>
      %dma_wait3A_602 = arith.constant 0 : i32
      %dma_wait3A_603 = arith.constant 0 : i32
      %dma_wait3A_604 = tpu.memref_slice %arg3[%dma_wait3A_602, %dma_wait3A_603] : memref<1048576x8xf32, #tpu.memory_space<hbm>> -> memref<1048576x8xf32, #tpu.memory_space<hbm>>
      tpu.wait_indirect_dma semaphore(%arg10 : memref<!tpu.dma_semaphore, #tpu.memory_space<semaphore_mem>>) src(%dma_wait3A_604 : memref<1048576x8xf32, #tpu.memory_space<hbm>>) dst(%arg7 : memref<256x8xf32, #tpu.memory_space<vmem>>)
      %dma_wait3A_605 = arith.constant 0 : i32
      %dma_wait3A_606 = arith.constant 0 : i32
      %dma_wait3A_607 = tpu.memref_slice %arg6[%dma_wait3A_605, %dma_wait3A_606] : memref<100x256xi32, #tpu.memory_space<vmem>> -> memref<1x256xi32, #tpu.memory_space<vmem>>
      %dma_wait3A_608 = tpu.memref_squeeze %dma_wait3A_607 : memref<1x256xi32, #tpu.memory_space<vmem>> -> memref<256xi32, #tpu.memory_space<vmem>>
      %dma_wait3A_609 = arith.constant 0 : i32
      %dma_wait3A_610 = arith.constant 0 : i32
      %dma_wait3A_611 = tpu.memref_slice %arg3[%dma_wait3A_609, %dma_wait3A_610] : memref<1048576x8xf32, #tpu.memory_space<hbm>> -> memref<1048576x8xf32, #tpu.memory_space<hbm>>
      tpu.wait_indirect_dma semaphore(%arg10 : memref<!tpu.dma_semaphore, #tpu.memory_space<semaphore_mem>>) src(%dma_wait3A_611 : memref<1048576x8xf32, #tpu.memory_space<hbm>>) dst(%arg7 : memref<256x8xf32, #tpu.memory_space<vmem>>)
      %dma_wait3A_612 = arith.constant 0 : i32
      %dma_wait3A_613 = arith.constant 0 : i32
      %dma_wait3A_614 = tpu.memref_slice %arg6[%dma_wait3A_612, %dma_wait3A_613] : memref<100x256xi32, #tpu.memory_space<vmem>> -> memref<1x256xi32, #tpu.memory_space<vmem>>
      %dma_wait3A_615 = tpu.memref_squeeze %dma_wait3A_614 : memref<1x256xi32, #tpu.memory_space<vmem>> -> memref<256xi32, #tpu.memory_space<vmem>>
      %dma_wait3A_616 = arith.constant 0 : i32
      %dma_wait3A_617 = arith.constant 0 : i32
      %dma_wait3A_618 = tpu.memref_slice %arg3[%dma_wait3A_616, %dma_wait3A_617] : memref<1048576x8xf32, #tpu.memory_space<hbm>> -> memref<1048576x8xf32, #tpu.memory_space<hbm>>
      tpu.wait_indirect_dma semaphore(%arg10 : memref<!tpu.dma_semaphore, #tpu.memory_space<semaphore_mem>>) src(%dma_wait3A_618 : memref<1048576x8xf32, #tpu.memory_space<hbm>>) dst(%arg7 : memref<256x8xf32, #tpu.memory_space<vmem>>)
      %dma_wait3A_619 = arith.constant 0 : i32
      %dma_wait3A_620 = arith.constant 0 : i32
      %dma_wait3A_621 = tpu.memref_slice %arg6[%dma_wait3A_619, %dma_wait3A_620] : memref<100x256xi32, #tpu.memory_space<vmem>> -> memref<1x256xi32, #tpu.memory_space<vmem>>
      %dma_wait3A_622 = tpu.memref_squeeze %dma_wait3A_621 : memref<1x256xi32, #tpu.memory_space<vmem>> -> memref<256xi32, #tpu.memory_space<vmem>>
      %dma_wait3A_623 = arith.constant 0 : i32
      %dma_wait3A_624 = arith.constant 0 : i32
      %dma_wait3A_625 = tpu.memref_slice %arg3[%dma_wait3A_623, %dma_wait3A_624] : memref<1048576x8xf32, #tpu.memory_space<hbm>> -> memref<1048576x8xf32, #tpu.memory_space<hbm>>
      tpu.wait_indirect_dma semaphore(%arg10 : memref<!tpu.dma_semaphore, #tpu.memory_space<semaphore_mem>>) src(%dma_wait3A_625 : memref<1048576x8xf32, #tpu.memory_space<hbm>>) dst(%arg7 : memref<256x8xf32, #tpu.memory_space<vmem>>)
      %dma_wait3A_626 = arith.constant 0 : i32
      %dma_wait3A_627 = arith.constant 0 : i32
      %dma_wait3A_628 = tpu.memref_slice %arg6[%dma_wait3A_626, %dma_wait3A_627] : memref<100x256xi32, #tpu.memory_space<vmem>> -> memref<1x256xi32, #tpu.memory_space<vmem>>
      %dma_wait3A_629 = tpu.memref_squeeze %dma_wait3A_628 : memref<1x256xi32, #tpu.memory_space<vmem>> -> memref<256xi32, #tpu.memory_space<vmem>>
      %dma_wait3A_630 = arith.constant 0 : i32
      %dma_wait3A_631 = arith.constant 0 : i32
      %dma_wait3A_632 = tpu.memref_slice %arg3[%dma_wait3A_630, %dma_wait3A_631] : memref<1048576x8xf32, #tpu.memory_space<hbm>> -> memref<1048576x8xf32, #tpu.memory_space<hbm>>
      tpu.wait_indirect_dma semaphore(%arg10 : memref<!tpu.dma_semaphore, #tpu.memory_space<semaphore_mem>>) src(%dma_wait3A_632 : memref<1048576x8xf32, #tpu.memory_space<hbm>>) dst(%arg7 : memref<256x8xf32, #tpu.memory_space<vmem>>)
      %dma_wait3A_633 = arith.constant 0 : i32
      %dma_wait3A_634 = arith.constant 0 : i32
      %dma_wait3A_635 = tpu.memref_slice %arg6[%dma_wait3A_633, %dma_wait3A_634] : memref<100x256xi32, #tpu.memory_space<vmem>> -> memref<1x256xi32, #tpu.memory_space<vmem>>
      %dma_wait3A_636 = tpu.memref_squeeze %dma_wait3A_635 : memref<1x256xi32, #tpu.memory_space<vmem>> -> memref<256xi32, #tpu.memory_space<vmem>>
      %dma_wait3A_637 = arith.constant 0 : i32
      %dma_wait3A_638 = arith.constant 0 : i32
      %dma_wait3A_639 = tpu.memref_slice %arg3[%dma_wait3A_637, %dma_wait3A_638] : memref<1048576x8xf32, #tpu.memory_space<hbm>> -> memref<1048576x8xf32, #tpu.memory_space<hbm>>
      tpu.wait_indirect_dma semaphore(%arg10 : memref<!tpu.dma_semaphore, #tpu.memory_space<semaphore_mem>>) src(%dma_wait3A_639 : memref<1048576x8xf32, #tpu.memory_space<hbm>>) dst(%arg7 : memref<256x8xf32, #tpu.memory_space<vmem>>)
      %scan3A_640 = arith.constant 0 : i32
      scf.yield %scan3A_640 : i32
    }
    %scan3A_147 = arith.constant 4 : i32
    %dma_wait3A = arith.constant 0 : i32
    %dma_wait3A_148 = arith.constant 0 : i32
    %dma_wait3A_149 = tpu.memref_slice %arg6[%dma_wait3A, %dma_wait3A_148] : memref<100x256xi32, #tpu.memory_space<vmem>> -> memref<1x256xi32, #tpu.memory_space<vmem>>
    %dma_wait3A_150 = tpu.memref_squeeze %dma_wait3A_149 : memref<1x256xi32, #tpu.memory_space<vmem>> -> memref<256xi32, #tpu.memory_space<vmem>>
    %dma_wait3A_151 = arith.constant 0 : i32
    %dma_wait3A_152 = arith.constant 0 : i32
    %dma_wait3A_153 = tpu.memref_slice %arg3[%dma_wait3A_151, %dma_wait3A_152] : memref<1048576x8xf32, #tpu.memory_space<hbm>> -> memref<1048576x8xf32, #tpu.memory_space<hbm>>
    tpu.wait_indirect_dma semaphore(%arg10 : memref<!tpu.dma_semaphore, #tpu.memory_space<semaphore_mem>>) src(%dma_wait3A_153 : memref<1048576x8xf32, #tpu.memory_space<hbm>>) dst(%arg7 : memref<256x8xf32, #tpu.memory_space<vmem>>)
    %dma_wait3A_154 = arith.constant 0 : i32
    %dma_wait3A_155 = arith.constant 0 : i32
    %dma_wait3A_156 = tpu.memref_slice %arg6[%dma_wait3A_154, %dma_wait3A_155] : memref<100x256xi32, #tpu.memory_space<vmem>> -> memref<1x256xi32, #tpu.memory_space<vmem>>
    %dma_wait3A_157 = tpu.memref_squeeze %dma_wait3A_156 : memref<1x256xi32, #tpu.memory_space<vmem>> -> memref<256xi32, #tpu.memory_space<vmem>>
    %dma_wait3A_158 = arith.constant 0 : i32
    %dma_wait3A_159 = arith.constant 0 : i32
    %dma_wait3A_160 = tpu.memref_slice %arg3[%dma_wait3A_158, %dma_wait3A_159] : memref<1048576x8xf32, #tpu.memory_space<hbm>> -> memref<1048576x8xf32, #tpu.memory_space<hbm>>
    tpu.wait_indirect_dma semaphore(%arg10 : memref<!tpu.dma_semaphore, #tpu.memory_space<semaphore_mem>>) src(%dma_wait3A_160 : memref<1048576x8xf32, #tpu.memory_space<hbm>>) dst(%arg7 : memref<256x8xf32, #tpu.memory_space<vmem>>)
    %dma_wait3A_161 = arith.constant 0 : i32
    %dma_wait3A_162 = arith.constant 0 : i32
    %dma_wait3A_163 = tpu.memref_slice %arg6[%dma_wait3A_161, %dma_wait3A_162] : memref<100x256xi32, #tpu.memory_space<vmem>> -> memref<1x256xi32, #tpu.memory_space<vmem>>
    %dma_wait3A_164 = tpu.memref_squeeze %dma_wait3A_163 : memref<1x256xi32, #tpu.memory_space<vmem>> -> memref<256xi32, #tpu.memory_space<vmem>>
    %dma_wait3A_165 = arith.constant 0 : i32
    %dma_wait3A_166 = arith.constant 0 : i32
    %dma_wait3A_167 = tpu.memref_slice %arg3[%dma_wait3A_165, %dma_wait3A_166] : memref<1048576x8xf32, #tpu.memory_space<hbm>> -> memref<1048576x8xf32, #tpu.memory_space<hbm>>
    tpu.wait_indirect_dma semaphore(%arg10 : memref<!tpu.dma_semaphore, #tpu.memory_space<semaphore_mem>>) src(%dma_wait3A_167 : memref<1048576x8xf32, #tpu.memory_space<hbm>>) dst(%arg7 : memref<256x8xf32, #tpu.memory_space<vmem>>)
    %dma_wait3A_168 = arith.constant 0 : i32
    %dma_wait3A_169 = arith.constant 0 : i32
    %dma_wait3A_170 = tpu.memref_slice %arg6[%dma_wait3A_168, %dma_wait3A_169] : memref<100x256xi32, #tpu.memory_space<vmem>> -> memref<1x256xi32, #tpu.memory_space<vmem>>
    %dma_wait3A_171 = tpu.memref_squeeze %dma_wait3A_170 : memref<1x256xi32, #tpu.memory_space<vmem>> -> memref<256xi32, #tpu.memory_space<vmem>>
    %dma_wait3A_172 = arith.constant 0 : i32
    %dma_wait3A_173 = arith.constant 0 : i32
    %dma_wait3A_174 = tpu.memref_slice %arg3[%dma_wait3A_172, %dma_wait3A_173] : memref<1048576x8xf32, #tpu.memory_space<hbm>> -> memref<1048576x8xf32, #tpu.memory_space<hbm>>
    tpu.wait_indirect_dma semaphore(%arg10 : memref<!tpu.dma_semaphore, #tpu.memory_space<semaphore_mem>>) src(%dma_wait3A_174 : memref<1048576x8xf32, #tpu.memory_space<hbm>>) dst(%arg7 : memref<256x8xf32, #tpu.memory_space<vmem>>)
    %dma_wait3A_175 = arith.constant 0 : i32
    %dma_wait3A_176 = arith.constant 0 : i32
    %dma_wait3A_177 = tpu.memref_slice %arg6[%dma_wait3A_175, %dma_wait3A_176] : memref<100x256xi32, #tpu.memory_space<vmem>> -> memref<1x256xi32, #tpu.memory_space<vmem>>
    %dma_wait3A_178 = tpu.memref_squeeze %dma_wait3A_177 : memref<1x256xi32, #tpu.memory_space<vmem>> -> memref<256xi32, #tpu.memory_space<vmem>>
    %dma_wait3A_179 = arith.constant 0 : i32
    %dma_wait3A_180 = arith.constant 0 : i32
    %dma_wait3A_181 = tpu.memref_slice %arg3[%dma_wait3A_179, %dma_wait3A_180] : memref<1048576x8xf32, #tpu.memory_space<hbm>> -> memref<1048576x8xf32, #tpu.memory_space<hbm>>
    tpu.wait_indirect_dma semaphore(%arg10 : memref<!tpu.dma_semaphore, #tpu.memory_space<semaphore_mem>>) src(%dma_wait3A_181 : memref<1048576x8xf32, #tpu.memory_space<hbm>>) dst(%arg7 : memref<256x8xf32, #tpu.memory_space<vmem>>)
    %dma_wait3A_182 = arith.constant 0 : i32
    %dma_wait3A_183 = arith.constant 0 : i32
    %dma_wait3A_184 = tpu.memref_slice %arg6[%dma_wait3A_182, %dma_wait3A_183] : memref<100x256xi32, #tpu.memory_space<vmem>> -> memref<1x256xi32, #tpu.memory_space<vmem>>
    %dma_wait3A_185 = tpu.memref_squeeze %dma_wait3A_184 : memref<1x256xi32, #tpu.memory_space<vmem>> -> memref<256xi32, #tpu.memory_space<vmem>>
    %dma_wait3A_186 = arith.constant 0 : i32
    %dma_wait3A_187 = arith.constant 0 : i32
    %dma_wait3A_188 = tpu.memref_slice %arg3[%dma_wait3A_186, %dma_wait3A_187] : memref<1048576x8xf32, #tpu.memory_space<hbm>> -> memref<1048576x8xf32, #tpu.memory_space<hbm>>
    tpu.wait_indirect_dma semaphore(%arg10 : memref<!tpu.dma_semaphore, #tpu.memory_space<semaphore_mem>>) src(%dma_wait3A_188 : memref<1048576x8xf32, #tpu.memory_space<hbm>>) dst(%arg7 : memref<256x8xf32, #tpu.memory_space<vmem>>)
    %dma_wait3A_189 = arith.constant 0 : i32
    %dma_wait3A_190 = arith.constant 0 : i32
    %dma_wait3A_191 = tpu.memref_slice %arg6[%dma_wait3A_189, %dma_wait3A_190] : memref<100x256xi32, #tpu.memory_space<vmem>> -> memref<1x256xi32, #tpu.memory_space<vmem>>
    %dma_wait3A_192 = tpu.memref_squeeze %dma_wait3A_191 : memref<1x256xi32, #tpu.memory_space<vmem>> -> memref<256xi32, #tpu.memory_space<vmem>>
    %dma_wait3A_193 = arith.constant 0 : i32
    %dma_wait3A_194 = arith.constant 0 : i32
    %dma_wait3A_195 = tpu.memref_slice %arg3[%dma_wait3A_193, %dma_wait3A_194] : memref<1048576x8xf32, #tpu.memory_space<hbm>> -> memref<1048576x8xf32, #tpu.memory_space<hbm>>
    tpu.wait_indirect_dma semaphore(%arg10 : memref<!tpu.dma_semaphore, #tpu.memory_space<semaphore_mem>>) src(%dma_wait3A_195 : memref<1048576x8xf32, #tpu.memory_space<hbm>>) dst(%arg7 : memref<256x8xf32, #tpu.memory_space<vmem>>)
    %dma_wait3A_196 = arith.constant 0 : i32
    %dma_wait3A_197 = arith.constant 0 : i32
    %dma_wait3A_198 = tpu.memref_slice %arg6[%dma_wait3A_196, %dma_wait3A_197] : memref<100x256xi32, #tpu.memory_space<vmem>> -> memref<1x256xi32, #tpu.memory_space<vmem>>
    %dma_wait3A_199 = tpu.memref_squeeze %dma_wait3A_198 : memref<1x256xi32, #tpu.memory_space<vmem>> -> memref<256xi32, #tpu.memory_space<vmem>>
    %dma_wait3A_200 = arith.constant 0 : i32
    %dma_wait3A_201 = arith.constant 0 : i32
    %dma_wait3A_202 = tpu.memref_slice %arg3[%dma_wait3A_200, %dma_wait3A_201] : memref<1048576x8xf32, #tpu.memory_space<hbm>> -> memref<1048576x8xf32, #tpu.memory_space<hbm>>
    tpu.wait_indirect_dma semaphore(%arg10 : memref<!tpu.dma_semaphore, #tpu.memory_space<semaphore_mem>>) src(%dma_wait3A_202 : memref<1048576x8xf32, #tpu.memory_space<hbm>>) dst(%arg7 : memref<256x8xf32, #tpu.memory_space<vmem>>)
    %dma_wait3A_203 = arith.constant 0 : i32
    %dma_wait3A_204 = arith.constant 0 : i32
    %dma_wait3A_205 = tpu.memref_slice %arg6[%dma_wait3A_203, %dma_wait3A_204] : memref<100x256xi32, #tpu.memory_space<vmem>> -> memref<1x256xi32, #tpu.memory_space<vmem>>
    %dma_wait3A_206 = tpu.memref_squeeze %dma_wait3A_205 : memref<1x256xi32, #tpu.memory_space<vmem>> -> memref<256xi32, #tpu.memory_space<vmem>>
    %dma_wait3A_207 = arith.constant 0 : i32
    %dma_wait3A_208 = arith.constant 0 : i32
    %dma_wait3A_209 = tpu.memref_slice %arg3[%dma_wait3A_207, %dma_wait3A_208] : memref<1048576x8xf32, #tpu.memory_space<hbm>> -> memref<1048576x8xf32, #tpu.memory_space<hbm>>
    tpu.wait_indirect_dma semaphore(%arg10 : memref<!tpu.dma_semaphore, #tpu.memory_space<semaphore_mem>>) src(%dma_wait3A_209 : memref<1048576x8xf32, #tpu.memory_space<hbm>>) dst(%arg7 : memref<256x8xf32, #tpu.memory_space<vmem>>)
    %dma_wait3A_210 = arith.constant 0 : i32
    %dma_wait3A_211 = arith.constant 0 : i32
    %dma_wait3A_212 = tpu.memref_slice %arg6[%dma_wait3A_210, %dma_wait3A_211] : memref<100x256xi32, #tpu.memory_space<vmem>> -> memref<1x256xi32, #tpu.memory_space<vmem>>
    %dma_wait3A_213 = tpu.memref_squeeze %dma_wait3A_212 : memref<1x256xi32, #tpu.memory_space<vmem>> -> memref<256xi32, #tpu.memory_space<vmem>>
    %dma_wait3A_214 = arith.constant 0 : i32
    %dma_wait3A_215 = arith.constant 0 : i32
    %dma_wait3A_216 = tpu.memref_slice %arg3[%dma_wait3A_214, %dma_wait3A_215] : memref<1048576x8xf32, #tpu.memory_space<hbm>> -> memref<1048576x8xf32, #tpu.memory_space<hbm>>
    tpu.wait_indirect_dma semaphore(%arg10 : memref<!tpu.dma_semaphore, #tpu.memory_space<semaphore_mem>>) src(%dma_wait3A_216 : memref<1048576x8xf32, #tpu.memory_space<hbm>>) dst(%arg7 : memref<256x8xf32, #tpu.memory_space<vmem>>)
    %dma_wait3A_217 = arith.constant 0 : i32
    %dma_wait3A_218 = arith.constant 0 : i32
    %dma_wait3A_219 = tpu.memref_slice %arg6[%dma_wait3A_217, %dma_wait3A_218] : memref<100x256xi32, #tpu.memory_space<vmem>> -> memref<1x256xi32, #tpu.memory_space<vmem>>
    %dma_wait3A_220 = tpu.memref_squeeze %dma_wait3A_219 : memref<1x256xi32, #tpu.memory_space<vmem>> -> memref<256xi32, #tpu.memory_space<vmem>>
    %dma_wait3A_221 = arith.constant 0 : i32
    %dma_wait3A_222 = arith.constant 0 : i32
    %dma_wait3A_223 = tpu.memref_slice %arg3[%dma_wait3A_221, %dma_wait3A_222] : memref<1048576x8xf32, #tpu.memory_space<hbm>> -> memref<1048576x8xf32, #tpu.memory_space<hbm>>
    tpu.wait_indirect_dma semaphore(%arg10 : memref<!tpu.dma_semaphore, #tpu.memory_space<semaphore_mem>>) src(%dma_wait3A_223 : memref<1048576x8xf32, #tpu.memory_space<hbm>>) dst(%arg7 : memref<256x8xf32, #tpu.memory_space<vmem>>)
    %dma_wait3A_224 = arith.constant 0 : i32
    %dma_wait3A_225 = arith.constant 0 : i32
    %dma_wait3A_226 = tpu.memref_slice %arg6[%dma_wait3A_224, %dma_wait3A_225] : memref<100x256xi32, #tpu.memory_space<vmem>> -> memref<1x256xi32, #tpu.memory_space<vmem>>
    %dma_wait3A_227 = tpu.memref_squeeze %dma_wait3A_226 : memref<1x256xi32, #tpu.memory_space<vmem>> -> memref<256xi32, #tpu.memory_space<vmem>>
    %dma_wait3A_228 = arith.constant 0 : i32
    %dma_wait3A_229 = arith.constant 0 : i32
    %dma_wait3A_230 = tpu.memref_slice %arg3[%dma_wait3A_228, %dma_wait3A_229] : memref<1048576x8xf32, #tpu.memory_space<hbm>> -> memref<1048576x8xf32, #tpu.memory_space<hbm>>
    tpu.wait_indirect_dma semaphore(%arg10 : memref<!tpu.dma_semaphore, #tpu.memory_space<semaphore_mem>>) src(%dma_wait3A_230 : memref<1048576x8xf32, #tpu.memory_space<hbm>>) dst(%arg7 : memref<256x8xf32, #tpu.memory_space<vmem>>)
    %dma_wait3A_231 = arith.constant 0 : i32
    %dma_wait3A_232 = arith.constant 0 : i32
    %dma_wait3A_233 = tpu.memref_slice %arg6[%dma_wait3A_231, %dma_wait3A_232] : memref<100x256xi32, #tpu.memory_space<vmem>> -> memref<1x256xi32, #tpu.memory_space<vmem>>
    %dma_wait3A_234 = tpu.memref_squeeze %dma_wait3A_233 : memref<1x256xi32, #tpu.memory_space<vmem>> -> memref<256xi32, #tpu.memory_space<vmem>>
    %dma_wait3A_235 = arith.constant 0 : i32
    %dma_wait3A_236 = arith.constant 0 : i32
    %dma_wait3A_237 = tpu.memref_slice %arg3[%dma_wait3A_235, %dma_wait3A_236] : memref<1048576x8xf32, #tpu.memory_space<hbm>> -> memref<1048576x8xf32, #tpu.memory_space<hbm>>
    tpu.wait_indirect_dma semaphore(%arg10 : memref<!tpu.dma_semaphore, #tpu.memory_space<semaphore_mem>>) src(%dma_wait3A_237 : memref<1048576x8xf32, #tpu.memory_space<hbm>>) dst(%arg7 : memref<256x8xf32, #tpu.memory_space<vmem>>)
    %dma_wait3A_238 = arith.constant 0 : i32
    %dma_wait3A_239 = arith.constant 0 : i32
    %dma_wait3A_240 = tpu.memref_slice %arg6[%dma_wait3A_238, %dma_wait3A_239] : memref<100x256xi32, #tpu.memory_space<vmem>> -> memref<1x256xi32, #tpu.memory_space<vmem>>
    %dma_wait3A_241 = tpu.memref_squeeze %dma_wait3A_240 : memref<1x256xi32, #tpu.memory_space<vmem>> -> memref<256xi32, #tpu.memory_space<vmem>>
    %dma_wait3A_242 = arith.constant 0 : i32
    %dma_wait3A_243 = arith.constant 0 : i32
    %dma_wait3A_244 = tpu.memref_slice %arg3[%dma_wait3A_242, %dma_wait3A_243] : memref<1048576x8xf32, #tpu.memory_space<hbm>> -> memref<1048576x8xf32, #tpu.memory_space<hbm>>
    tpu.wait_indirect_dma semaphore(%arg10 : memref<!tpu.dma_semaphore, #tpu.memory_space<semaphore_mem>>) src(%dma_wait3A_244 : memref<1048576x8xf32, #tpu.memory_space<hbm>>) dst(%arg7 : memref<256x8xf32, #tpu.memory_space<vmem>>)
    %dma_wait3A_245 = arith.constant 0 : i32
    %dma_wait3A_246 = arith.constant 0 : i32
    %dma_wait3A_247 = tpu.memref_slice %arg6[%dma_wait3A_245, %dma_wait3A_246] : memref<100x256xi32, #tpu.memory_space<vmem>> -> memref<1x256xi32, #tpu.memory_space<vmem>>
    %dma_wait3A_248 = tpu.memref_squeeze %dma_wait3A_247 : memref<1x256xi32, #tpu.memory_space<vmem>> -> memref<256xi32, #tpu.memory_space<vmem>>
    %dma_wait3A_249 = arith.constant 0 : i32
    %dma_wait3A_250 = arith.constant 0 : i32
    %dma_wait3A_251 = tpu.memref_slice %arg3[%dma_wait3A_249, %dma_wait3A_250] : memref<1048576x8xf32, #tpu.memory_space<hbm>> -> memref<1048576x8xf32, #tpu.memory_space<hbm>>
    tpu.wait_indirect_dma semaphore(%arg10 : memref<!tpu.dma_semaphore, #tpu.memory_space<semaphore_mem>>) src(%dma_wait3A_251 : memref<1048576x8xf32, #tpu.memory_space<hbm>>) dst(%arg7 : memref<256x8xf32, #tpu.memory_space<vmem>>)
    %dma_wait3A_252 = arith.constant 0 : i32
    %dma_wait3A_253 = arith.constant 0 : i32
    %dma_wait3A_254 = tpu.memref_slice %arg6[%dma_wait3A_252, %dma_wait3A_253] : memref<100x256xi32, #tpu.memory_space<vmem>> -> memref<1x256xi32, #tpu.memory_space<vmem>>
    %dma_wait3A_255 = tpu.memref_squeeze %dma_wait3A_254 : memref<1x256xi32, #tpu.memory_space<vmem>> -> memref<256xi32, #tpu.memory_space<vmem>>
    %dma_wait3A_256 = arith.constant 0 : i32
    %dma_wait3A_257 = arith.constant 0 : i32
    %dma_wait3A_258 = tpu.memref_slice %arg3[%dma_wait3A_256, %dma_wait3A_257] : memref<1048576x8xf32, #tpu.memory_space<hbm>> -> memref<1048576x8xf32, #tpu.memory_space<hbm>>
    tpu.wait_indirect_dma semaphore(%arg10 : memref<!tpu.dma_semaphore, #tpu.memory_space<semaphore_mem>>) src(%dma_wait3A_258 : memref<1048576x8xf32, #tpu.memory_space<hbm>>) dst(%arg7 : memref<256x8xf32, #tpu.memory_space<vmem>>)
    %dma_wait3A_259 = arith.constant 0 : i32
    %dma_wait3A_260 = arith.constant 0 : i32
    %dma_wait3A_261 = tpu.memref_slice %arg6[%dma_wait3A_259, %dma_wait3A_260] : memref<100x256xi32, #tpu.memory_space<vmem>> -> memref<1x256xi32, #tpu.memory_space<vmem>>
    %dma_wait3A_262 = tpu.memref_squeeze %dma_wait3A_261 : memref<1x256xi32, #tpu.memory_space<vmem>> -> memref<256xi32, #tpu.memory_space<vmem>>
    %dma_wait3A_263 = arith.constant 0 : i32
    %dma_wait3A_264 = arith.constant 0 : i32
    %dma_wait3A_265 = tpu.memref_slice %arg3[%dma_wait3A_263, %dma_wait3A_264] : memref<1048576x8xf32, #tpu.memory_space<hbm>> -> memref<1048576x8xf32, #tpu.memory_space<hbm>>
    tpu.wait_indirect_dma semaphore(%arg10 : memref<!tpu.dma_semaphore, #tpu.memory_space<semaphore_mem>>) src(%dma_wait3A_265 : memref<1048576x8xf32, #tpu.memory_space<hbm>>) dst(%arg7 : memref<256x8xf32, #tpu.memory_space<vmem>>)
    %dma_wait3A_266 = arith.constant 0 : i32
    %dma_wait3A_267 = arith.constant 0 : i32
    %dma_wait3A_268 = tpu.memref_slice %arg6[%dma_wait3A_266, %dma_wait3A_267] : memref<100x256xi32, #tpu.memory_space<vmem>> -> memref<1x256xi32, #tpu.memory_space<vmem>>
    %dma_wait3A_269 = tpu.memref_squeeze %dma_wait3A_268 : memref<1x256xi32, #tpu.memory_space<vmem>> -> memref<256xi32, #tpu.memory_space<vmem>>
    %dma_wait3A_270 = arith.constant 0 : i32
    %dma_wait3A_271 = arith.constant 0 : i32
    %dma_wait3A_272 = tpu.memref_slice %arg3[%dma_wait3A_270, %dma_wait3A_271] : memref<1048576x8xf32, #tpu.memory_space<hbm>> -> memref<1048576x8xf32, #tpu.memory_space<hbm>>
    tpu.wait_indirect_dma semaphore(%arg10 : memref<!tpu.dma_semaphore, #tpu.memory_space<semaphore_mem>>) src(%dma_wait3A_272 : memref<1048576x8xf32, #tpu.memory_space<hbm>>) dst(%arg7 : memref<256x8xf32, #tpu.memory_space<vmem>>)
    %dma_wait3A_273 = arith.constant 0 : i32
    %dma_wait3A_274 = arith.constant 0 : i32
    %dma_wait3A_275 = tpu.memref_slice %arg6[%dma_wait3A_273, %dma_wait3A_274] : memref<100x256xi32, #tpu.memory_space<vmem>> -> memref<1x256xi32, #tpu.memory_space<vmem>>
    %dma_wait3A_276 = tpu.memref_squeeze %dma_wait3A_275 : memref<1x256xi32, #tpu.memory_space<vmem>> -> memref<256xi32, #tpu.memory_space<vmem>>
    %dma_wait3A_277 = arith.constant 0 : i32
    %dma_wait3A_278 = arith.constant 0 : i32
    %dma_wait3A_279 = tpu.memref_slice %arg3[%dma_wait3A_277, %dma_wait3A_278] : memref<1048576x8xf32, #tpu.memory_space<hbm>> -> memref<1048576x8xf32, #tpu.memory_space<hbm>>
    tpu.wait_indirect_dma semaphore(%arg10 : memref<!tpu.dma_semaphore, #tpu.memory_space<semaphore_mem>>) src(%dma_wait3A_279 : memref<1048576x8xf32, #tpu.memory_space<hbm>>) dst(%arg7 : memref<256x8xf32, #tpu.memory_space<vmem>>)
    %dma_wait3A_280 = arith.constant 0 : i32
    %dma_wait3A_281 = arith.constant 0 : i32
    %dma_wait3A_282 = tpu.memref_slice %arg6[%dma_wait3A_280, %dma_wait3A_281] : memref<100x256xi32, #tpu.memory_space<vmem>> -> memref<1x256xi32, #tpu.memory_space<vmem>>
    %dma_wait3A_283 = tpu.memref_squeeze %dma_wait3A_282 : memref<1x256xi32, #tpu.memory_space<vmem>> -> memref<256xi32, #tpu.memory_space<vmem>>
    %dma_wait3A_284 = arith.constant 0 : i32
    %dma_wait3A_285 = arith.constant 0 : i32
    %dma_wait3A_286 = tpu.memref_slice %arg3[%dma_wait3A_284, %dma_wait3A_285] : memref<1048576x8xf32, #tpu.memory_space<hbm>> -> memref<1048576x8xf32, #tpu.memory_space<hbm>>
    tpu.wait_indirect_dma semaphore(%arg10 : memref<!tpu.dma_semaphore, #tpu.memory_space<semaphore_mem>>) src(%dma_wait3A_286 : memref<1048576x8xf32, #tpu.memory_space<hbm>>) dst(%arg7 : memref<256x8xf32, #tpu.memory_space<vmem>>)
    %mul3A_287 = arith.constant 128 : i32
    %mul3A_288 = arith.muli %arg1, %mul3A_287 : i32
    %scan3A_289 = arith.constant 0 : i32
    %scan3A_290 = arith.constant 0 : i32
    %scan3A_291 = arith.constant 8 : i32
    %scan3A_292 = arith.addi %scan3A_290, %scan3A_291 : i32
    %scan3A_293 = arith.constant 1 : i32
    %scan3A_294 = scf.for %scan3A_296 = %scan3A_290 to %scan3A_292 step %scan3A_293 iter_args(%scan3A_297 = %scan3A_289) -> (i32)  : i32 {
      %iota3A = tpu.iota {dimensions = array<i32: 0>} : vector<16xi32>
      %mul3A_298 = arith.constant 16 : i32
      %mul3A_299 = arith.muli %scan3A_296, %mul3A_298 : i32
      %add3A_300 = arith.addi %mul3A_288, %mul3A_299 : i32
      %add3A_301 = vector.broadcast %add3A_300 : i32 to vector<16xi32>
      %add3A_302 = arith.addi %iota3A, %add3A_301 : vector<16xi32>
      %mul3A_303 = arith.constant 16 : i32
      %mul3A_304 = arith.muli %scan3A_296, %mul3A_303 : i32
      %swap3A = arith.index_cast %mul3A_304 : i32 to index
      %swap3A_305 = tpu.vector_load %arg9[%swap3A] {strides = array<i32>} : memref<128xi32, #tpu.memory_space<vmem>>, vector<16xi32>,
      %swap3A_306 = vector.shape_cast %swap3A_305 : vector<16xi32> to vector<16xi32>
      %swap3A_307 = vector.shape_cast %add3A_302 : vector<16xi32> to vector<16xi32>
      tpu.vector_store %arg9[%swap3A], %swap3A_307 {strides = array<i32>} : memref<128xi32, #tpu.memory_space<vmem>>, vector<16xi32>,
      %scan3A_308 = arith.constant 0 : i32
      scf.yield %scan3A_308 : i32
    }
    %scan3A_295 = arith.constant 8 : i32
    "tpu.region"() ({
      %run_scoped3A = tpu.sem_alloc : memref<!tpu.dma_semaphore, #tpu.memory_space<semaphore_mem>>
      %dma_start3A_296 = arith.constant 0 : i32
      %dma_start3A_297 = arith.constant 0 : i32
      %dma_start3A_298 = tpu.memref_slice %arg7[%dma_start3A_296, %dma_start3A_297] : memref<256x8xf32, #tpu.memory_space<vmem>> -> memref<128x8xf32, #tpu.memory_space<vmem>>
      %dma_start3A_299 = arith.constant 0 : i32
      %dma_start3A_300 = tpu.memref_slice %arg8[%mul3A_288, %dma_start3A_299] : memref<2048x8xf32, #tpu.memory_space<vmem_shared>> -> memref<128x8xf32, #tpu.memory_space<vmem_shared>>
      %dma_start3A_301 = arith.constant 0 : i32
      %dma_start3A_302 = tpu.memref_slice %arg8[%mul3A_288, %dma_start3A_301] : memref<2048x8xf32, #tpu.memory_space<vmem_shared>> -> memref<128x8xf32, #tpu.memory_space<vmem_shared>>
      %dma_start3A_303 = arith.constant 0 : i32
      %dma_start3A_304 = arith.constant 0 : i32
      %dma_start3A_305 = tpu.memref_slice %arg7[%dma_start3A_303, %dma_start3A_304] : memref<256x8xf32, #tpu.memory_space<vmem>> -> memref<128x8xf32, #tpu.memory_space<vmem>>
      tpu.enqueue_dma source(%dma_start3A_305 : memref<128x8xf32, #tpu.memory_space<vmem>>) target(%dma_start3A_302 : memref<128x8xf32, #tpu.memory_space<vmem_shared>>) target_semaphore(%run_scoped3A : memref<!tpu.dma_semaphore, #tpu.memory_space<semaphore_mem>>)
      %dma_wait3A_306 = arith.constant 0 : i32
      %dma_wait3A_307 = arith.constant 0 : i32
      %dma_wait3A_308 = tpu.memref_slice %arg7[%dma_wait3A_306, %dma_wait3A_307] : memref<256x8xf32, #tpu.memory_space<vmem>> -> memref<128x8xf32, #tpu.memory_space<vmem>>
      %dma_wait3A_309 = arith.constant 0 : i32
      %dma_wait3A_310 = tpu.memref_slice %arg8[%mul3A_288, %dma_wait3A_309] : memref<2048x8xf32, #tpu.memory_space<vmem_shared>> -> memref<128x8xf32, #tpu.memory_space<vmem_shared>>
      %dma_wait3A_311 = arith.constant 0 : i32
      %dma_wait3A_312 = tpu.memref_slice %arg8[%mul3A_288, %dma_wait3A_311] : memref<2048x8xf32, #tpu.memory_space<vmem_shared>> -> memref<128x8xf32, #tpu.memory_space<vmem_shared>>
      %dma_wait3A_313 = arith.constant 0 : i32
      %dma_wait3A_314 = arith.constant 0 : i32
      %dma_wait3A_315 = tpu.memref_slice %arg7[%dma_wait3A_313, %dma_wait3A_314] : memref<256x8xf32, #tpu.memory_space<vmem>> -> memref<128x8xf32, #tpu.memory_space<vmem>>
      tpu.wait_dma2 semaphore(%run_scoped3A : memref<!tpu.dma_semaphore, #tpu.memory_space<semaphore_mem>>) src(%dma_wait3A_315 : memref<128x8xf32, #tpu.memory_space<vmem>>) dst(%dma_wait3A_312 : memref<128x8xf32, #tpu.memory_space<vmem_shared>>)
      tpu.yield
    }) : () -> ()
    "tpu.region"() ({
      %run_scoped3A = tpu.sem_alloc : memref<!tpu.dma_semaphore, #tpu.memory_space<semaphore_mem>>
      %dma_start3A_296 = arith.constant 128 : i32
      %dma_start3A_297 = arith.constant 0 : i32
      %dma_start3A_298 = tpu.memref_slice %arg7[%dma_start3A_296, %dma_start3A_297] : memref<256x8xf32, #tpu.memory_space<vmem>> -> memref<128x8xf32, #tpu.memory_space<vmem>>
      %dma_start3A_299 = arith.constant 0 : i32
      %dma_start3A_300 = arith.constant 0 : i32
      %dma_start3A_301 = tpu.memref_slice %arg8[%dma_start3A_299, %dma_start3A_300] : memref<2048x8xf32, #tpu.memory_space<vmem_shared>> -> memref<2048x8xf32, #tpu.memory_space<vmem_shared>>
      tpu.enqueue_indirect_dma source(%dma_start3A_298 : memref<128x8xf32, #tpu.memory_space<vmem>>) target(%dma_start3A_301 : memref<2048x8xf32, #tpu.memory_space<vmem_shared>>) offsets(%arg9 : memref<128xi32, #tpu.memory_space<vmem>>) semaphore(%run_scoped3A : memref<!tpu.dma_semaphore, #tpu.memory_space<semaphore_mem>>) {add = true}
      %dma_wait3A_302 = arith.constant 128 : i32
      %dma_wait3A_303 = arith.constant 0 : i32
      %dma_wait3A_304 = tpu.memref_slice %arg7[%dma_wait3A_302, %dma_wait3A_303] : memref<256x8xf32, #tpu.memory_space<vmem>> -> memref<128x8xf32, #tpu.memory_space<vmem>>
      %dma_wait3A_305 = arith.constant 0 : i32
      %dma_wait3A_306 = arith.constant 0 : i32
      %dma_wait3A_307 = tpu.memref_slice %arg8[%dma_wait3A_305, %dma_wait3A_306] : memref<2048x8xf32, #tpu.memory_space<vmem_shared>> -> memref<2048x8xf32, #tpu.memory_space<vmem_shared>>
      tpu.wait_indirect_dma semaphore(%run_scoped3A : memref<!tpu.dma_semaphore, #tpu.memory_space<semaphore_mem>>) src(%dma_wait3A_304 : memref<128x8xf32, #tpu.memory_space<vmem>>) dst(%dma_wait3A_307 : memref<2048x8xf32, #tpu.memory_space<vmem_shared>>)
      tpu.yield
    }) : () -> ()
    "tpu.region"() ({
      %run_scoped3A = tpu.sem_alloc : memref<!tpu.dma_semaphore, #tpu.memory_space<semaphore_mem>>
      %dma_start3A_296 = arith.constant 0 : i32
      %dma_start3A_297 = tpu.memref_slice %arg5[%mul3A_2, %dma_start3A_296] : memref<4096x8xf32, #tpu.memory_space<hbm>> -> memref<128x8xf32, #tpu.memory_space<hbm>>
      %dma_start3A_298 = arith.constant 0 : i32
      %dma_start3A_299 = tpu.memref_slice %arg8[%mul3A_288, %dma_start3A_298] : memref<2048x8xf32, #tpu.memory_space<vmem_shared>> -> memref<128x8xf32, #tpu.memory_space<vmem_shared>>
      tpu.enqueue_dma source(%dma_start3A_299 : memref<128x8xf32, #tpu.memory_space<vmem_shared>>) target(%dma_start3A_297 : memref<128x8xf32, #tpu.memory_space<hbm>>) target_semaphore(%run_scoped3A : memref<!tpu.dma_semaphore, #tpu.memory_space<semaphore_mem>>)
      %dma_wait3A_300 = arith.constant 0 : i32
      %dma_wait3A_301 = tpu.memref_slice %arg5[%mul3A_2, %dma_wait3A_300] : memref<4096x8xf32, #tpu.memory_space<hbm>> -> memref<128x8xf32, #tpu.memory_space<hbm>>
      %dma_wait3A_302 = arith.constant 0 : i32
      %dma_wait3A_303 = tpu.memref_slice %arg8[%mul3A_288, %dma_wait3A_302] : memref<2048x8xf32, #tpu.memory_space<vmem_shared>> -> memref<128x8xf32, #tpu.memory_space<vmem_shared>>
      tpu.wait_dma2 semaphore(%run_scoped3A : memref<!tpu.dma_semaphore, #tpu.memory_space<semaphore_mem>>) src(%dma_wait3A_303 : memref<128x8xf32, #tpu.memory_space<vmem_shared>>) dst(%dma_wait3A_301 : memref<128x8xf32, #tpu.memory_space<hbm>>)
      tpu.yield
    }) : () -> ()
    return
  }
}

module attributes {stable_mosaic.version = 14 : i64} {
  func.func @body(%arg0: i32, %arg1: memref<64x2048xf32, #tpu.memory_space<vmem>>, %arg2: memref<64x2048xf32, #tpu.memory_space<vmem>>, %arg3: memref<64x2048xf32, #tpu.memory_space<vmem>>, %arg4: memref<64x2048xf32, #tpu.memory_space<vmem>>, %arg5: memref<64x2048xf32, #tpu.memory_space<vmem>>, %arg6: memref<64x2048xf32, #tpu.memory_space<vmem>>, %arg7: memref<64x2048xf32, #tpu.memory_space<vmem>>, %arg8: memref<64x2048xf32, #tpu.memory_space<vmem>>, %arg9: memref<64x2048xf32, #tpu.memory_space<vmem>>, %arg10: memref<64x2048xf32, #tpu.memory_space<vmem>>, %arg11: memref<64x2048xf32, #tpu.memory_space<vmem>>, %arg12: memref<64x2048xf32, #tpu.memory_space<vmem>>, %arg13: memref<64x2048xf32, #tpu.memory_space<vmem>>, %arg14: memref<64x2048xf32, #tpu.memory_space<vmem>>, %arg15: memref<64x2048xf32, #tpu.memory_space<vmem>>, %arg16: memref<64x2048xf32, #tpu.memory_space<vmem>>, %arg17: memref<5x64xf32, #tpu.memory_space<vmem>>, %arg18: memref<2048x128xf32, #tpu.memory_space<vmem>>) attributes {dimension_semantics = [#tpu.dimension_semantics<arbitrary>], iteration_bounds = array<i64: 32>, scalar_prefetch = 0 : i64, scratch_operands = 0 : i64, tpu.core_type = #tpu.core_type<tc>, window_params = [{transform_indices = @transform_0, window_bounds = array<i64: 64, 2048>}, {transform_indices = @transform_1, window_bounds = array<i64: 64, 2048>}, {transform_indices = @transform_2, window_bounds = array<i64: 64, 2048>}, {transform_indices = @transform_3, window_bounds = array<i64: 64, 2048>}, {transform_indices = @transform_4, window_bounds = array<i64: 64, 2048>}, {transform_indices = @transform_5, window_bounds = array<i64: 64, 2048>}, {transform_indices = @transform_6, window_bounds = array<i64: 64, 2048>}, {transform_indices = @transform_7, window_bounds = array<i64: 64, 2048>}, {transform_indices = @transform_8, window_bounds = array<i64: 64, 2048>}, {transform_indices = @transform_9, window_bounds = array<i64: 64, 2048>}, {transform_indices = @transform_10, window_bounds = array<i64: 64, 2048>}, {transform_indices = @transform_11, window_bounds = array<i64: 64, 2048>}, {transform_indices = @transform_12, window_bounds = array<i64: 64, 2048>}, {transform_indices = @transform_13, window_bounds = array<i64: 64, 2048>}, {transform_indices = @transform_14, window_bounds = array<i64: 64, 2048>}, {transform_indices = @transform_15, window_bounds = array<i64: 64, 2048>}, {pipeline_mode = #tpu.pipeline_mode<synchronous>, transform_indices = @transform_16, window_bounds = array<i64: 5, 64>}, {transform_indices = @transform_17, window_bounds = array<i64: 2048, 128>}]} {
    %get3A = arith.constant 0 : index
    %get3A_0 = arith.constant 0 : index
    %get3A_1 = vector.load %arg17[%get3A, %get3A_0] : memref<5x64xf32, #tpu.memory_space<vmem>>, vector<5x64xf32>
    %mul3A = arith.constant 5.000000e-03 : f32
    %mul3A_2 = vector.broadcast %mul3A : f32 to vector<5x64xf32>
    %mul3A_3 = arith.mulf %get3A_1, %mul3A_2 : vector<5x64xf32>
    %broadcast_in_dim3A = arith.constant 0.000000e+00 : f32
    %broadcast_in_dim3A_4 = vector.broadcast %broadcast_in_dim3A : f32 to vector<3x2048xf32>
    %get3A_5 = arith.constant 0 : index
    %get3A_6 = arith.constant 0 : index
    %get3A_7 = vector.load %arg1[%get3A_5, %get3A_6] : memref<64x2048xf32, #tpu.memory_space<vmem>>, vector<64x2048xf32>
    %dot_general3A = arith.constant dense<0.000000e+00> : vector<5x2048xf32>
    %dot_general3A_8 = tpu.matmul %mul3A_3, %get3A_7, %dot_general3A {dimension_numbers = #tpu.dot_dimension_numbers<[1], [0], [0], [1], [0, 0, 1, 1], [], []>, transpose_lhs_hint = false} : vector<5x64xf32>, vector<64x2048xf32>, vector<5x2048xf32> -> vector<5x2048xf32>
    %get3A_9 = arith.constant 0 : index
    %get3A_10 = arith.constant 0 : index
    %get3A_11 = vector.load %arg2[%get3A_9, %get3A_10] : memref<64x2048xf32, #tpu.memory_space<vmem>>, vector<64x2048xf32>
    %dot_general3A_12 = arith.constant dense<0.000000e+00> : vector<5x2048xf32>
    %dot_general3A_13 = tpu.matmul %mul3A_3, %get3A_11, %dot_general3A_12 {dimension_numbers = #tpu.dot_dimension_numbers<[1], [0], [0], [1], [0, 0, 1, 1], [], []>, transpose_lhs_hint = false} : vector<5x64xf32>, vector<64x2048xf32>, vector<5x2048xf32> -> vector<5x2048xf32>
    %get3A_14 = arith.constant 0 : index
    %get3A_15 = arith.constant 0 : index
    %get3A_16 = vector.load %arg3[%get3A_14, %get3A_15] : memref<64x2048xf32, #tpu.memory_space<vmem>>, vector<64x2048xf32>
    %dot_general3A_17 = arith.constant dense<0.000000e+00> : vector<5x2048xf32>
    %dot_general3A_18 = tpu.matmul %mul3A_3, %get3A_16, %dot_general3A_17 {dimension_numbers = #tpu.dot_dimension_numbers<[1], [0], [0], [1], [0, 0, 1, 1], [], []>, transpose_lhs_hint = false} : vector<5x64xf32>, vector<64x2048xf32>, vector<5x2048xf32> -> vector<5x2048xf32>
    %get3A_19 = arith.constant 0 : index
    %get3A_20 = arith.constant 0 : index
    %get3A_21 = vector.load %arg4[%get3A_19, %get3A_20] : memref<64x2048xf32, #tpu.memory_space<vmem>>, vector<64x2048xf32>
    %dot_general3A_22 = arith.constant dense<0.000000e+00> : vector<5x2048xf32>
    %dot_general3A_23 = tpu.matmul %mul3A_3, %get3A_21, %dot_general3A_22 {dimension_numbers = #tpu.dot_dimension_numbers<[1], [0], [0], [1], [0, 0, 1, 1], [], []>, transpose_lhs_hint = false} : vector<5x64xf32>, vector<64x2048xf32>, vector<5x2048xf32> -> vector<5x2048xf32>
    %get3A_24 = arith.constant 0 : index
    %get3A_25 = arith.constant 0 : index
    %get3A_26 = vector.load %arg5[%get3A_24, %get3A_25] : memref<64x2048xf32, #tpu.memory_space<vmem>>, vector<64x2048xf32>
    %dot_general3A_27 = arith.constant dense<0.000000e+00> : vector<5x2048xf32>
    %dot_general3A_28 = tpu.matmul %mul3A_3, %get3A_26, %dot_general3A_27 {dimension_numbers = #tpu.dot_dimension_numbers<[1], [0], [0], [1], [0, 0, 1, 1], [], []>, transpose_lhs_hint = false} : vector<5x64xf32>, vector<64x2048xf32>, vector<5x2048xf32> -> vector<5x2048xf32>
    %get3A_29 = arith.constant 0 : index
    %get3A_30 = arith.constant 0 : index
    %get3A_31 = vector.load %arg6[%get3A_29, %get3A_30] : memref<64x2048xf32, #tpu.memory_space<vmem>>, vector<64x2048xf32>
    %dot_general3A_32 = arith.constant dense<0.000000e+00> : vector<5x2048xf32>
    %dot_general3A_33 = tpu.matmul %mul3A_3, %get3A_31, %dot_general3A_32 {dimension_numbers = #tpu.dot_dimension_numbers<[1], [0], [0], [1], [0, 0, 1, 1], [], []>, transpose_lhs_hint = false} : vector<5x64xf32>, vector<64x2048xf32>, vector<5x2048xf32> -> vector<5x2048xf32>
    %get3A_34 = arith.constant 0 : index
    %get3A_35 = arith.constant 0 : index
    %get3A_36 = vector.load %arg7[%get3A_34, %get3A_35] : memref<64x2048xf32, #tpu.memory_space<vmem>>, vector<64x2048xf32>
    %dot_general3A_37 = arith.constant dense<0.000000e+00> : vector<5x2048xf32>
    %dot_general3A_38 = tpu.matmul %mul3A_3, %get3A_36, %dot_general3A_37 {dimension_numbers = #tpu.dot_dimension_numbers<[1], [0], [0], [1], [0, 0, 1, 1], [], []>, transpose_lhs_hint = false} : vector<5x64xf32>, vector<64x2048xf32>, vector<5x2048xf32> -> vector<5x2048xf32>
    %get3A_39 = arith.constant 0 : index
    %get3A_40 = arith.constant 0 : index
    %get3A_41 = vector.load %arg8[%get3A_39, %get3A_40] : memref<64x2048xf32, #tpu.memory_space<vmem>>, vector<64x2048xf32>
    %dot_general3A_42 = arith.constant dense<0.000000e+00> : vector<5x2048xf32>
    %dot_general3A_43 = tpu.matmul %mul3A_3, %get3A_41, %dot_general3A_42 {dimension_numbers = #tpu.dot_dimension_numbers<[1], [0], [0], [1], [0, 0, 1, 1], [], []>, transpose_lhs_hint = false} : vector<5x64xf32>, vector<64x2048xf32>, vector<5x2048xf32> -> vector<5x2048xf32>
    %get3A_44 = arith.constant 0 : index
    %get3A_45 = arith.constant 0 : index
    %get3A_46 = vector.load %arg9[%get3A_44, %get3A_45] : memref<64x2048xf32, #tpu.memory_space<vmem>>, vector<64x2048xf32>
    %dot_general3A_47 = arith.constant dense<0.000000e+00> : vector<5x2048xf32>
    %dot_general3A_48 = tpu.matmul %mul3A_3, %get3A_46, %dot_general3A_47 {dimension_numbers = #tpu.dot_dimension_numbers<[1], [0], [0], [1], [0, 0, 1, 1], [], []>, transpose_lhs_hint = false} : vector<5x64xf32>, vector<64x2048xf32>, vector<5x2048xf32> -> vector<5x2048xf32>
    %get3A_49 = arith.constant 0 : index
    %get3A_50 = arith.constant 0 : index
    %get3A_51 = vector.load %arg10[%get3A_49, %get3A_50] : memref<64x2048xf32, #tpu.memory_space<vmem>>, vector<64x2048xf32>
    %dot_general3A_52 = arith.constant dense<0.000000e+00> : vector<5x2048xf32>
    %dot_general3A_53 = tpu.matmul %mul3A_3, %get3A_51, %dot_general3A_52 {dimension_numbers = #tpu.dot_dimension_numbers<[1], [0], [0], [1], [0, 0, 1, 1], [], []>, transpose_lhs_hint = false} : vector<5x64xf32>, vector<64x2048xf32>, vector<5x2048xf32> -> vector<5x2048xf32>
    %get3A_54 = arith.constant 0 : index
    %get3A_55 = arith.constant 0 : index
    %get3A_56 = vector.load %arg11[%get3A_54, %get3A_55] : memref<64x2048xf32, #tpu.memory_space<vmem>>, vector<64x2048xf32>
    %dot_general3A_57 = arith.constant dense<0.000000e+00> : vector<5x2048xf32>
    %dot_general3A_58 = tpu.matmul %mul3A_3, %get3A_56, %dot_general3A_57 {dimension_numbers = #tpu.dot_dimension_numbers<[1], [0], [0], [1], [0, 0, 1, 1], [], []>, transpose_lhs_hint = false} : vector<5x64xf32>, vector<64x2048xf32>, vector<5x2048xf32> -> vector<5x2048xf32>
    %get3A_59 = arith.constant 0 : index
    %get3A_60 = arith.constant 0 : index
    %get3A_61 = vector.load %arg12[%get3A_59, %get3A_60] : memref<64x2048xf32, #tpu.memory_space<vmem>>, vector<64x2048xf32>
    %dot_general3A_62 = arith.constant dense<0.000000e+00> : vector<5x2048xf32>
    %dot_general3A_63 = tpu.matmul %mul3A_3, %get3A_61, %dot_general3A_62 {dimension_numbers = #tpu.dot_dimension_numbers<[1], [0], [0], [1], [0, 0, 1, 1], [], []>, transpose_lhs_hint = false} : vector<5x64xf32>, vector<64x2048xf32>, vector<5x2048xf32> -> vector<5x2048xf32>
    %get3A_64 = arith.constant 0 : index
    %get3A_65 = arith.constant 0 : index
    %get3A_66 = vector.load %arg13[%get3A_64, %get3A_65] : memref<64x2048xf32, #tpu.memory_space<vmem>>, vector<64x2048xf32>
    %dot_general3A_67 = arith.constant dense<0.000000e+00> : vector<5x2048xf32>
    %dot_general3A_68 = tpu.matmul %mul3A_3, %get3A_66, %dot_general3A_67 {dimension_numbers = #tpu.dot_dimension_numbers<[1], [0], [0], [1], [0, 0, 1, 1], [], []>, transpose_lhs_hint = false} : vector<5x64xf32>, vector<64x2048xf32>, vector<5x2048xf32> -> vector<5x2048xf32>
    %get3A_69 = arith.constant 0 : index
    %get3A_70 = arith.constant 0 : index
    %get3A_71 = vector.load %arg14[%get3A_69, %get3A_70] : memref<64x2048xf32, #tpu.memory_space<vmem>>, vector<64x2048xf32>
    %dot_general3A_72 = arith.constant dense<0.000000e+00> : vector<5x2048xf32>
    %dot_general3A_73 = tpu.matmul %mul3A_3, %get3A_71, %dot_general3A_72 {dimension_numbers = #tpu.dot_dimension_numbers<[1], [0], [0], [1], [0, 0, 1, 1], [], []>, transpose_lhs_hint = false} : vector<5x64xf32>, vector<64x2048xf32>, vector<5x2048xf32> -> vector<5x2048xf32>
    %get3A_74 = arith.constant 0 : index
    %get3A_75 = arith.constant 0 : index
    %get3A_76 = vector.load %arg15[%get3A_74, %get3A_75] : memref<64x2048xf32, #tpu.memory_space<vmem>>, vector<64x2048xf32>
    %dot_general3A_77 = arith.constant dense<0.000000e+00> : vector<5x2048xf32>
    %dot_general3A_78 = tpu.matmul %mul3A_3, %get3A_76, %dot_general3A_77 {dimension_numbers = #tpu.dot_dimension_numbers<[1], [0], [0], [1], [0, 0, 1, 1], [], []>, transpose_lhs_hint = false} : vector<5x64xf32>, vector<64x2048xf32>, vector<5x2048xf32> -> vector<5x2048xf32>
    %get3A_79 = arith.constant 0 : index
    %get3A_80 = arith.constant 0 : index
    %get3A_81 = vector.load %arg16[%get3A_79, %get3A_80] : memref<64x2048xf32, #tpu.memory_space<vmem>>, vector<64x2048xf32>
    %dot_general3A_82 = arith.constant dense<0.000000e+00> : vector<5x2048xf32>
    %dot_general3A_83 = tpu.matmul %mul3A_3, %get3A_81, %dot_general3A_82 {dimension_numbers = #tpu.dot_dimension_numbers<[1], [0], [0], [1], [0, 0, 1, 1], [], []>, transpose_lhs_hint = false} : vector<5x64xf32>, vector<64x2048xf32>, vector<5x2048xf32> -> vector<5x2048xf32>
    %concatenate3A = tpu.concatenate %dot_general3A_8, %broadcast_in_dim3A_4, %dot_general3A_13, %broadcast_in_dim3A_4, %dot_general3A_18, %broadcast_in_dim3A_4, %dot_general3A_23, %broadcast_in_dim3A_4, %dot_general3A_28, %broadcast_in_dim3A_4, %dot_general3A_33, %broadcast_in_dim3A_4, %dot_general3A_38, %broadcast_in_dim3A_4, %dot_general3A_43, %broadcast_in_dim3A_4, %dot_general3A_48, %broadcast_in_dim3A_4, %dot_general3A_53, %broadcast_in_dim3A_4, %dot_general3A_58, %broadcast_in_dim3A_4, %dot_general3A_63, %broadcast_in_dim3A_4, %dot_general3A_68, %broadcast_in_dim3A_4, %dot_general3A_73, %broadcast_in_dim3A_4, %dot_general3A_78, %broadcast_in_dim3A_4, %dot_general3A_83, %broadcast_in_dim3A_4 in 0 : vector<5x2048xf32>, vector<3x2048xf32>, vector<5x2048xf32>, vector<3x2048xf32>, vector<5x2048xf32>, vector<3x2048xf32>, vector<5x2048xf32>, vector<3x2048xf32>, vector<5x2048xf32>, vector<3x2048xf32>, vector<5x2048xf32>, vector<3x2048xf32>, vector<5x2048xf32>, vector<3x2048xf32>, vector<5x2048xf32>, vector<3x2048xf32>, vector<5x2048xf32>, vector<3x2048xf32>, vector<5x2048xf32>, vector<3x2048xf32>, vector<5x2048xf32>, vector<3x2048xf32>, vector<5x2048xf32>, vector<3x2048xf32>, vector<5x2048xf32>, vector<3x2048xf32>, vector<5x2048xf32>, vector<3x2048xf32>, vector<5x2048xf32>, vector<3x2048xf32>, vector<5x2048xf32>, vector<3x2048xf32> -> vector<128x2048xf32>
    %transpose3A = tpu.transpose %concatenate3A, [1, 0] : vector<128x2048xf32> -> vector<2048x128xf32>
    %swap3A = arith.constant 0 : index
    %swap3A_84 = arith.constant 0 : index
    %swap3A_85 = vector.load %arg18[%swap3A, %swap3A_84] : memref<2048x128xf32, #tpu.memory_space<vmem>>, vector<2048x128xf32>
    tpu.vector_store %arg18[%swap3A, %swap3A_84], %transpose3A {strides = array<i32>} : memref<2048x128xf32, #tpu.memory_space<vmem>>, vector<2048x128xf32>,
    return
  }
  func.func @transform_0(%arg0: i32) -> (i32, i32) {
    %add3A = arith.constant 0 : i32
    %add3A_0 = arith.addi %add3A, %arg0 : i32
    %min3A = arith.constant 488 : i32
    %min3A_1 = arith.minsi %add3A_0, %min3A : i32
    %c0_i32 = arith.constant 0 : i32
    %c0_i32_2 = arith.constant 0 : i32
    return %c0_i32, %min3A_1 : i32, i32
  }
  func.func @transform_1(%arg0: i32) -> (i32, i32) {
    %add3A = arith.constant 32 : i32
    %add3A_0 = arith.addi %add3A, %arg0 : i32
    %min3A = arith.constant 488 : i32
    %min3A_1 = arith.minsi %add3A_0, %min3A : i32
    %c0_i32 = arith.constant 0 : i32
    %c0_i32_2 = arith.constant 0 : i32
    return %c0_i32, %min3A_1 : i32, i32
  }
  func.func @transform_2(%arg0: i32) -> (i32, i32) {
    %add3A = arith.constant 64 : i32
    %add3A_0 = arith.addi %add3A, %arg0 : i32
    %min3A = arith.constant 488 : i32
    %min3A_1 = arith.minsi %add3A_0, %min3A : i32
    %c0_i32 = arith.constant 0 : i32
    %c0_i32_2 = arith.constant 0 : i32
    return %c0_i32, %min3A_1 : i32, i32
  }
  func.func @transform_3(%arg0: i32) -> (i32, i32) {
    %add3A = arith.constant 96 : i32
    %add3A_0 = arith.addi %add3A, %arg0 : i32
    %min3A = arith.constant 488 : i32
    %min3A_1 = arith.minsi %add3A_0, %min3A : i32
    %c0_i32 = arith.constant 0 : i32
    %c0_i32_2 = arith.constant 0 : i32
    return %c0_i32, %min3A_1 : i32, i32
  }
  func.func @transform_4(%arg0: i32) -> (i32, i32) {
    %add3A = arith.constant 128 : i32
    %add3A_0 = arith.addi %add3A, %arg0 : i32
    %min3A = arith.constant 488 : i32
    %min3A_1 = arith.minsi %add3A_0, %min3A : i32
    %c0_i32 = arith.constant 0 : i32
    %c0_i32_2 = arith.constant 0 : i32
    return %c0_i32, %min3A_1 : i32, i32
  }
  func.func @transform_5(%arg0: i32) -> (i32, i32) {
    %add3A = arith.constant 160 : i32
    %add3A_0 = arith.addi %add3A, %arg0 : i32
    %min3A = arith.constant 488 : i32
    %min3A_1 = arith.minsi %add3A_0, %min3A : i32
    %c0_i32 = arith.constant 0 : i32
    %c0_i32_2 = arith.constant 0 : i32
    return %c0_i32, %min3A_1 : i32, i32
  }
  func.func @transform_6(%arg0: i32) -> (i32, i32) {
    %add3A = arith.constant 192 : i32
    %add3A_0 = arith.addi %add3A, %arg0 : i32
    %min3A = arith.constant 488 : i32
    %min3A_1 = arith.minsi %add3A_0, %min3A : i32
    %c0_i32 = arith.constant 0 : i32
    %c0_i32_2 = arith.constant 0 : i32
    return %c0_i32, %min3A_1 : i32, i32
  }
  func.func @transform_7(%arg0: i32) -> (i32, i32) {
    %add3A = arith.constant 224 : i32
    %add3A_0 = arith.addi %add3A, %arg0 : i32
    %min3A = arith.constant 488 : i32
    %min3A_1 = arith.minsi %add3A_0, %min3A : i32
    %c0_i32 = arith.constant 0 : i32
    %c0_i32_2 = arith.constant 0 : i32
    return %c0_i32, %min3A_1 : i32, i32
  }
  func.func @transform_8(%arg0: i32) -> (i32, i32) {
    %add3A = arith.constant 256 : i32
    %add3A_0 = arith.addi %add3A, %arg0 : i32
    %min3A = arith.constant 488 : i32
    %min3A_1 = arith.minsi %add3A_0, %min3A : i32
    %c0_i32 = arith.constant 0 : i32
    %c0_i32_2 = arith.constant 0 : i32
    return %c0_i32, %min3A_1 : i32, i32
  }
  func.func @transform_9(%arg0: i32) -> (i32, i32) {
    %add3A = arith.constant 288 : i32
    %add3A_0 = arith.addi %add3A, %arg0 : i32
    %min3A = arith.constant 488 : i32
    %min3A_1 = arith.minsi %add3A_0, %min3A : i32
    %c0_i32 = arith.constant 0 : i32
    %c0_i32_2 = arith.constant 0 : i32
    return %c0_i32, %min3A_1 : i32, i32
  }
  func.func @transform_10(%arg0: i32) -> (i32, i32) {
    %add3A = arith.constant 320 : i32
    %add3A_0 = arith.addi %add3A, %arg0 : i32
    %min3A = arith.constant 488 : i32
    %min3A_1 = arith.minsi %add3A_0, %min3A : i32
    %c0_i32 = arith.constant 0 : i32
    %c0_i32_2 = arith.constant 0 : i32
    return %c0_i32, %min3A_1 : i32, i32
  }
  func.func @transform_11(%arg0: i32) -> (i32, i32) {
    %add3A = arith.constant 352 : i32
    %add3A_0 = arith.addi %add3A, %arg0 : i32
    %min3A = arith.constant 488 : i32
    %min3A_1 = arith.minsi %add3A_0, %min3A : i32
    %c0_i32 = arith.constant 0 : i32
    %c0_i32_2 = arith.constant 0 : i32
    return %c0_i32, %min3A_1 : i32, i32
  }
  func.func @transform_12(%arg0: i32) -> (i32, i32) {
    %add3A = arith.constant 384 : i32
    %add3A_0 = arith.addi %add3A, %arg0 : i32
    %min3A = arith.constant 488 : i32
    %min3A_1 = arith.minsi %add3A_0, %min3A : i32
    %c0_i32 = arith.constant 0 : i32
    %c0_i32_2 = arith.constant 0 : i32
    return %c0_i32, %min3A_1 : i32, i32
  }
  func.func @transform_13(%arg0: i32) -> (i32, i32) {
    %add3A = arith.constant 416 : i32
    %add3A_0 = arith.addi %add3A, %arg0 : i32
    %min3A = arith.constant 488 : i32
    %min3A_1 = arith.minsi %add3A_0, %min3A : i32
    %c0_i32 = arith.constant 0 : i32
    %c0_i32_2 = arith.constant 0 : i32
    return %c0_i32, %min3A_1 : i32, i32
  }
  func.func @transform_14(%arg0: i32) -> (i32, i32) {
    %add3A = arith.constant 448 : i32
    %add3A_0 = arith.addi %add3A, %arg0 : i32
    %min3A = arith.constant 488 : i32
    %min3A_1 = arith.minsi %add3A_0, %min3A : i32
    %c0_i32 = arith.constant 0 : i32
    %c0_i32_2 = arith.constant 0 : i32
    return %c0_i32, %min3A_1 : i32, i32
  }
  func.func @transform_15(%arg0: i32) -> (i32, i32) {
    %add3A = arith.constant 480 : i32
    %add3A_0 = arith.addi %add3A, %arg0 : i32
    %min3A = arith.constant 488 : i32
    %min3A_1 = arith.minsi %add3A_0, %min3A : i32
    %c0_i32 = arith.constant 0 : i32
    %c0_i32_2 = arith.constant 0 : i32
    return %c0_i32, %min3A_1 : i32, i32
  }
  func.func @transform_16(%arg0: i32) -> (i32, i32) {
    %c0_i32 = arith.constant 0 : i32
    %c0_i32_0 = arith.constant 0 : i32
    %c0_i32_1 = arith.constant 0 : i32
    return %c0_i32, %c0_i32_0 : i32, i32
  }
  func.func @transform_17(%arg0: i32) -> (i32, i32) {
    %c0_i32 = arith.constant 0 : i32
    %c0_i32_0 = arith.constant 0 : i32
    return %arg0, %c0_i32 : i32, i32
  }
}

</mosaic_0001>

<sc_bundles>
// kernel: kernel.5.cloned.1.call-start
scs
__scs_entry_jumppad:
0x0: {  	(pc) =	sbr.rel $0x88, $3  }
0x1: {  	(tag) =	ssettag $0x0;
	lr =	simm.s32 $0x1  }
0x2: {  	[smem:$0x3F9D] =	sst lr;
	_ =	strace $0xD0000000  }
0x3: {  	_ = 	snop  }
0x4: {  	_ = 	snop  }
0x5: {  	_ = 	snop  }
0x6: {  	_ = 	snop  }
0x7: {  	_ = 	snop  }
__scs_overlays_trampoline_lowered:
0x8: {  	[smem:$0x3FAC] =	sst s0  }
0x9: {  	[smem:$0x3FAD] =	sst s1  }
0xa: {  	[smem:$0x3FAE] =	sst s2  }
0xb: {  	[smem:$0x3FAF] =	sst s3  }
0xc: {  	[smem:$0x3FB0] =	sst s4  }
0xd: {  	[smem:$0x3FB1] =	sst s5  }
0xe: {  	[smem:$0x3FB2] =	sst s6  }
0xf: {  	[smem:$0x3FB3] =	sst s7  }
0x10: {  	[smem:$0x3FB4] =	sst s8  }
0x11: {  	[smem:$0x3FB5] =	sst s9;
	s0 =	simm.s32 @!p0 $0x0  }
0x12: {  	s1 =	sld [smem:$0x3F9B];
	s0 =	simm.s32 @p0 $0x1  }
0x13: {  	[smem:$0x3FB6] =	sst s0;
	s0 =	simm.s32 @!p1 $0x0  }
0x14: {  	s2 =	sld [smem:$0x3F9A];
	s0 =	simm.s32 @p1 $0x1  }
0x15: {  	[smem:$0x3FB7] =	sst s0;
	s0 =	simm.s32 @!p2 $0x0  }
0x16: {  	s3 =	sld [smem:$0x3FDB];
	s0 =	simm.s32 @p2 $0x1  }
0x17: {  	s4 =	simm.s32 $0x1BF5;
	[smem:$0x3FB9] =	sst s0  }
0x18: {  	s0 =	sld [smem:$0x3F9C];
	_ =	swait.ge [sflag:s4], $0x0  }
0x19: {  	s7 =	sld [smem:$0x3F9D]  }
0x1a: {  	s8 =	sadd.s32 $0xFFFFE003, lr  }
0x1b: {  	s9 =	sadd.s32 $0xFFFFFEF7, lr;
	s5 =	simm.s32 $0xFFFFFFFF;
	p2 =	slt.u32 s8, $0xFFFFF086  }
0x1c: {  	p1 =	slt.u32 s9, $0xF7A;
	s5 =	simm.s32 @!p2 $0x0  }
0x1d: {  	s5 =	simm.s32 @p1 $0x1;
	p0 =	seq.s32 s7, s2  }
0x1e: {  	s7 =	smul.u32 @!p0 $0xF7A, s2;
	p2 =	seq.s32 @!p0 s5, $0x0  }
0x1f: {  	s9 =	smul.u32 $0xF7A, s1;
	s8 =	simm.s32 @!p0 $0x1BF5;
	p2 =	por !p2, p0  }
0x20: {  	[sflag:s8] =	ssyncset.s32 @!p0 $0xFFFFF086;
	s6 =	sadd.s32 @!p0 s3, s7;
	s7 =	simm.s32 @!p0 $0x108  }
0x21: {  	s3 =	sadd.s32 s3, s9;
	s6 =	sadd.s32 @!p0 $0x88, s6;
	s7 =	simm.s32 @p2 $0x1082  }
0x22: {  	[simem:s7], [sflag:s8] =	dma.local @!p0 [hbm:s6], $0xF7A  }
0x23: {  	s9 =	sor.u32 $0xD0000000, s2;
	s6 =	simm.s32 $0x108;
	_ =	swait.ge @!p0 [sflag:s8], $0x0  }
0x24: {  	s3 =	sadd.s32 $0x88, s3;
	s6 =	simm.s32 @!p1 $0x1082;
	[sflag:s4] =	ssyncset.s32 $0xFFFFF086  }
0x25: {  	[simem:s6], [sflag:s4] =	dma.local [hbm:s3], $0xF7A  }
0x26: {  	[smem:$0x3F9D] =	sst s1;
	(tag) =	ssettag s2;
	_ =	strace s9  }
0x27: {  	s1 =	sld [smem:$0x3FAD]  }
0x28: {  	s2 =	sld [smem:$0x3FAE]  }
0x29: {  	s4 =	sld [smem:$0x3FB0]  }
0x2a: {  	p0 =	seq.s32 s5, $0x0;
	s5 =	sld [smem:$0x3FB1]  }
0x2b: {  	s6 =	sld [smem:$0x3FB2]  }
0x2c: {  	s7 =	sld [smem:$0x3FB3]  }
0x2d: {  	s3 =	simm.s32 $0x108;
	s8 =	sld [smem:$0x3FB4]  }
0x2e: {  	s3 =	simm.s32 @!p0 $0x1082;
	s9 =	sld [smem:$0x3FB5]  }
0x2f: {  	lr =	sadd.s32 s0, s3;
	s0 =	sld [smem:$0x3FAC]  }
0x30: {  	s3 =	sld [smem:$0x3FAF]  }
0x31: {  	[smem:$0x3FB8] =	sst s10  }
0x32: {  	s10 =	sld [smem:$0x3FB6];
	_ =	sdelay $0x3  }
0x33: {  	p0 =	seq.s32 s10, $0x1;
	s10 =	sld [smem:$0x3FB8];
	_ =	sdelay $0x3  }
0x34: {  	[smem:$0x3FB8] =	sst s10  }
0x35: {  	s10 =	sld [smem:$0x3FB7];
	_ =	sdelay $0x3  }
0x36: {  	p1 =	seq.s32 s10, $0x1;
	s10 =	sld [smem:$0x3FB8];
	_ =	sdelay $0x3  }
0x37: {  	[smem:$0x3FB8] =	sst s10  }
0x38: {  	s10 =	sld [smem:$0x3FB9]  }
0x39: {  	_ = 	snop;
	(pc) =	sbr.ind lr, $3  }
0x3a: {  	_ = 	snop  }
0x3b: {  	_ = 	snop  }
0x3c: {  	p2 =	seq.s32 s10, $0x1;
	s10 =	sld [smem:$0x3FB8]  }
0x3d: {  	_ =	shalt  }
0x3e: {  	_ =	shalt  }
0x3f: {  	_ =	shalt  }
0x40: {  	_ =	shalt  }
0x41: {  	_ =	shalt  }
0x42: {  	_ =	shalt  }
0x43: {  	_ =	shalt  }
0x44: {  	_ =	shalt  }
0x45: {  	_ =	shalt  }
0x46: {  	_ =	shalt  }
0x47: {  	_ =	shalt  }
0x48: {  	_ =	shalt  }
0x49: {  	_ =	shalt  }
0x4a: {  	_ =	shalt  }
0x4b: {  	_ =	shalt  }
0x4c: {  	_ =	shalt  }
0x4d: {  	_ =	shalt  }
0x4e: {  	_ =	shalt  }
0x4f: {  	_ =	shalt  }
0x50: {  	_ =	shalt  }
0x51: {  	_ =	shalt  }
0x52: {  	_ =	shalt  }
0x53: {  	_ =	shalt  }
0x54: {  	_ =	shalt  }
0x55: {  	_ =	shalt  }
0x56: {  	_ =	shalt  }
0x57: {  	_ =	shalt  }
0x58: {  	_ =	shalt  }
0x59: {  	_ =	shalt  }
0x5a: {  	_ =	shalt  }
0x5b: {  	_ =	shalt  }
0x5c: {  	_ =	shalt  }
0x5d: {  	_ =	shalt  }
0x5e: {  	_ =	shalt  }
0x5f: {  	_ =	shalt  }
0x60: {  	_ =	shalt  }
0x61: {  	_ =	shalt  }
0x62: {  	_ =	shalt  }
0x63: {  	_ =	shalt  }
0x64: {  	_ =	shalt  }
0x65: {  	_ =	shalt  }
0x66: {  	_ =	shalt  }
0x67: {  	_ =	shalt  }
0x68: {  	_ =	shalt  }
0x69: {  	_ =	shalt  }
0x6a: {  	_ =	shalt  }
0x6b: {  	_ =	shalt  }
0x6c: {  	_ =	shalt  }
0x6d: {  	_ =	shalt  }
0x6e: {  	_ =	shalt  }
0x6f: {  	_ =	shalt  }
0x70: {  	_ =	shalt  }
0x71: {  	_ =	shalt  }
0x72: {  	_ =	shalt  }
0x73: {  	_ =	shalt  }
0x74: {  	_ =	shalt  }
0x75: {  	_ =	shalt  }
0x76: {  	_ =	shalt  }
0x77: {  	_ =	shalt  }
0x78: {  	_ =	shalt  }
0x79: {  	_ =	shalt  }
0x7a: {  	_ =	shalt  }
0x7b: {  	_ =	shalt  }
0x7c: {  	_ =	shalt  }
0x7d: {  	_ =	shalt  }
0x7e: {  	_ =	shalt  }
0x7f: {  	_ =	shalt  }
0x80: {  	_ =	shalt  }
0x81: {  	_ =	shalt  }
0x82: {  	_ =	shalt  }
0x83: {  	_ =	shalt  }
0x84: {  	_ =	shalt  }
0x85: {  	_ =	shalt  }
0x86: {  	_ =	shalt  }
0x87: {  	_ =	shalt  }
.Lfunc_end0:
.L_simem_size_0:
called_computation_lowered:
.L_overlay_start_0:
0x88: {  	s2 =	sld [smem:$0x3FD9]  }
0x89: {  	s3 =	sld [smem:$0x3FFE];
	_ =	sdelay $0x1  }
0x8a: {  	s1 =	srdreg.scid  }
0x8b: {  	s0 =	sand.u32 $0x1, s1  }
0x8c: {  	s16 =	sshll.u32 s0, $0xA;
	s2 =	sadd.s32 s3, s2  }
0x8d: {  	s2 =	sadd.s32 s2, s16  }
0x8e: {  	[smem:$0x3FC4] =	sst s2  }
0x8f: {  	_ = 	snop  }
0x90: {  	(tm) =	ssettm $0x1  }
0x91: {  	s17 =	sld [smem:$0x3FFB];
	_ =	sdelay $0x3  }
0x92: {  	_ =	strace s17  }
0x93: {  	s2 =	sld [smem:$0x3FFC];
	_ =	sdelay $0x3  }
0x94: {  	_ =	strace s2  }
0x95: {  	s2 =	sld [smem:$0x3FFD];
	_ =	sdelay $0x3  }
0x96: {  	_ =	strace s2  }
0x97: {  	_ =	strace $0x8FFFFFFF  }
0x98: {  	s18 =	sld [smem:$0x3FDB];
	_ =	sdelay $0x1  }
0x99: {  	s19 =	simm.s32 $_scs_section_size  }
0x9a: {  	s4 =	simm.s32 $_size__tile_overlayer_lowered;
	s5 =	simm.s32 $_tile_overlayer_lowered  }
0x9b: {  	s22 =	simm.s32 $0x1BFF;
	s21 =	sshll.u32 s5, $0x1;
	s2 =	sadd.s32 s19, s18  }
0x9c: {  	s6 =	simm.s32 $0x0;
	s20 =	sshll.u32 s4, $0x1;
	s4 =	sadd.s32 s21, s2  }
0x9d: {  	[timem:s6], [sflag:s22] =	dma.local [hbm:s4], s20  }
0x9e: {  	_ =	swait.ge [sflag:s22], s20  }
0x9f: {  	s3 =	ssub.s32 $0x0, s20;
	[sflag:s22] =	ssyncset.done $0x0  }
0xa0: {  	[sflag:s22] =	ssyncadd.s32 s3;
	_ =	sdelay $0x1  }
0xa1: {  	s23 =	simm.s32 $0x1B8B  }
0xa2: {  	_ =	swait.ge [sflag:s23], $0x1  }
0xa3: {  	[sflag:s23] =	ssyncset.done $0x0  }
0xa4: {  	s25 =	simm.s32 $0x1B8E;
	s24 =	sld [smem:$0x3FFE];
	[sflag:s23] =	ssyncadd.s32 $0xFFFFFFFF  }
0xa5: {  	s26 =	simm.s32 $execute0_lowered;
	[smem:$0x3FD2] =	sst s25  }
0xa6: {  	s4 =	sshll.u32 s26, $0x1;
	_ =	strace $0x80000046;
	[dreg:$0x1] =	wrdreg $0xFFFFFFFF  }
0xa7: {  	s28 =	simm.s32 $_size_execute0_lowered;
	s2 =	sadd.s32 s2, s4;
	[dreg:$0x0] =	wrdreg $0x0  }
0xa8: {  	s4 =	sshll.u32 s28, $0x1;
	[dreg:$0x2] =	wrdreg s2  }
0xa9: {  	[dreg:$0x3] =	wrdreg s4  }
0xaa: {  	[dreg:$0x4] =	wrdreg $0xC0  }
0xab: {  	_ =	task [dreg:s6], $0x5FFFF  }
0xac: {  	[dreg:$0x1] =	wrdreg $0xFFFFFFFF  }
0xad: {  	[dreg:$0x0] =	wrdreg $0x60  }
0xae: {  	[dreg:$0x2] =	wrdreg s24  }
0xaf: {  	[dreg:$0x3] =	wrdreg $0x9  }
0xb0: {  	_ =	task.clear_ibuf [dreg:s6], $0x4FFFF;
	_ =	strace $0x90000046  }
0xb1: {  	s29 =	simm.s32 $0x9;
	_ =	strace $0x80000048  }
0xb2: {  	_ =	swait.ge [sflag:s29], $0x1  }
0xb3: {  	[sflag:s29] =	ssyncadd.s32 $0xFFFFFFFF  }
0xb4: {  	_ =	strace $0x90000048  }
0xb5: {  	_ =	sfence  }
0xb6: {  	s30 =	sld [smem:$0x0];
	_ =	sdelay $0x2  }
0xb7: {  	s31 =	sshll.u32 s1, $0xD;
	s1 =	sshrl.u32 s1, $0x2  }
0xb8: {  	s3 =	sand.u32 $0x4000, s31;
	s1 =	sadd.s32 s1, s30  }
0xb9: {  	s0 =	sor.u32 s3, s0;
	s1 =	sshll.u32 s1, $0x11  }
0xba: {  	s0 =	sor.u32 s1, s0  }
0xbb: {  	s0 =	sadd.s32 $0x8F2B, s0  }
0xbc: {  	[sflag:s0] =	ssyncadd.remote.s32 $0x1  }
0xbd: {  	_ =	sfence.sel $0xFFFF  }
0xbe: {  	[dreg:$0x0] =	wrdreg $0xFFFFFFFF;
	(pc) =	sbr.abs _section_cstart, $3  }
0xbf: {  	[dreg:$0x1] =	wrdreg $0xFFFFFFFF  }
0xc0: {  	_ =	task.clear_ibuf [dreg:s6], $0x2FFFF;
	_ =	strace $0x9FFFFFFF  }
0xc1: {  	(tm) =	ssettm $0x7FFFFFFF  }
tec
execute0_lowered:
.L_overlay_start_1:
0x0: {  	(tag) =	ssettag $0x1  }
0x1: {  	s1 =	srdreg.scid;
	s0 =	stileid.u32  }
0x2: {  	s3 =	rddreg [dreg:$0x0];
	s2 =	simm.s32 $0x0;
	s8 =	simm.s32 $0x0  }
0x3: {  	s4 =	sand.u32 $0x1, s1;
	s5 =	sshll.u32 s0, $0x1;
	s1 =	rddreg [dreg:$0x1]  }
0x4: {  	[smem:$0x7FF] =	sst s2;
	s5 =	sor.u32 s4, s5;
	s4 =	ssub.s32 $0x2, s4  }
0x5: {  	s6 =	smul.u32 $0xC80, s5;
	s5 =	sshll.u32 s5, $0x4;
	s7 =	sshrl.u32 s4, $0x1  }
0x6: {  	_ =	strace $0x80000047;
	s5 =	sadd.s32 s5, s3;
	s7 =	ssub.s32 s4, s7  }
0x7: {  	s6 =	sadd.s32 s6, s3;
	s3 =	sadd.s32 $0xC00, s5;
	s4 =	sadd.s32 $0xE00, s5  }
0x8: {  	s5 =	sadd.s32 $0x19C00, s6;
	s6 =	smax.u32 s7, $0x1;
	s7 =	simm.s32 $0x1  }
.LBB2_1:
0x9: {  	s9 =	simm.s32 $0x400;
	s10 =	sadd.s32 $0x0, s3;
	s11 =	simm.s32 $0x0  }
.LBB2_2:
0xa: {  	[tilespmem:s11], [sflag:$0x1] =	stream.linear.gather [hbm4b:s10+s2], $0x80, $0x38;
	[tilespmem:$0x6400] =	vst v63  }
0xb: {  	s11 =	smov.u32 s9;
	p0 =	sne.s32 s9, $0x18C00  }
.Ltmp0:
0xc: {  	s9 =	sadd.s32 $0x400, s9;
	(pc) =	sbr.rel @p0 .LBB2_2-.Ltmp0, $2  }
0xd: {  	_ =	sdelay $0x2  }
0xe: {  	s10 =	sadd.s32 s11, s3;
	s11 =	sshra.s32 s11, $0x2  }
0xf: {  	[tilespmem:s11], [sflag:$0x1] =	stream.linear.gather [hbm4b:s10+s2], $0x80, $0x38;
	[tilespmem:$0x6400] =	vst v63  }
0x10: {  	_ =	swait.ge [sflag:s7], $0x3200  }
0x11: {  	s9 =	simm.s32 $0x400;
	[sflag:s7] =	ssyncset.done $0x0  }
0x12: {  	s10 =	sadd.s32 $0x0, s4;
	s11 =	simm.s32 $0x80;
	[sflag:s7] =	ssyncadd.s32 $0xFFFFCE00  }
.LBB2_4:
0x13: {  	[tilespmem:s11], [sflag:$0x1] =	stream.linear.gather [hbm4b:s10+s2], $0x80, $0x38;
	[tilespmem:$0x6400] =	vst v63  }
0x14: {  	s10 =	smov.u32 s9;
	p0 =	sne.s32 s9, $0x18C00  }
.Ltmp1:
0x15: {  	s9 =	sadd.s32 $0x400, s9;
	(pc) =	sbr.rel @p0 .LBB2_4-.Ltmp1, $3  }
0x16: {  	_ =	sdelay $0x1  }
0x17: {  	s11 =	sshra.s32 s10, $0x2  }
0x18: {  	s10 =	sadd.s32 s10, s4;
	s11 =	sadd.s32 $0x80, s11  }
0x19: {  	[tilespmem:s11], [sflag:$0x1] =	stream.linear.gather [hbm4b:s10+s2], $0x80, $0x38;
	[tilespmem:$0x6400] =	vst v63  }
0x1a: {  	_ =	swait.ge [sflag:s7], $0x3200  }
0x1b: {  	[sflag:s7] =	ssyncset.done $0x0  }
0x1c: {  	s9 =	simm.s32 $0x0;
	[sflag:s7] =	ssyncadd.s32 $0xFFFFCE00  }
0x1d: {  	v0 =	vld [tilespmem:s9+$0x0]  }
0x1e: {  	v1 =	vld [tilespmem:s9+$0x10];
	_ =	sdelay $0x1  }
0x1f: {  	v2 =	vld [tilespmem:s9+$0x20]  }
0x20: {  	v3 =	vld [tilespmem:s9+$0x30]  }
0x21: {  	v5 =	vld [tilespmem:s9+$0x50]  }
0x22: {  	v4 =	vld [tilespmem:s9+$0x40];
	v7 =	vshll.u32 v0, $0x4;
	v0 =	vshra.s32 v0, $0x10;
	v9 =	vshll.u32 v1, $0x4  }
0x23: {  	v1 =	vshra.s32 v1, $0x10;
	v7 =	vand.u32 $0xFFFF0, v7;
	v9 =	vand.u32 $0xFFFF0, v9  }
0x24: {  	v6 =	vld [tilespmem:s9+$0x60];
	v0 =	vadd.s32 v0, v7;
	v7 =	vshll.u32 v2, $0x4;
	v2 =	vshra.s32 v2, $0x10  }
0x25: {  	v8 =	vld [tilespmem:s9+$0x70];
	v7 =	vand.u32 $0xFFFF0, v7;
	[tilespmem:s9+$0x0] =	vst v0;
	v0 =	vadd.s32 v1, v9;
	v1 =	vshll.u32 v3, $0x4  }
0x26: {  	v10 =	vld [tilespmem:s9+$0x80];
	v3 =	vshra.s32 v3, $0x10;
	v9 =	vshll.u32 v5, $0x4;
	v5 =	vshra.s32 v5, $0x10  }
0x27: {  	v12 =	vld [tilespmem:s9+$0xA0];
	v2 =	vadd.s32 v2, v7;
	v1 =	vand.u32 $0xFFFF0, v1;
	v7 =	vshll.u32 v4, $0x4  }
0x28: {  	v11 =	vld [tilespmem:s9+$0x90];
	v4 =	vshra.s32 v4, $0x10;
	v9 =	vand.u32 $0xFFFF0, v9;
	v7 =	vand.u32 $0xFFFF0, v7  }
0x29: {  	[tilespmem:s9+$0x10] =	vst v0;
	v0 =	vld [tilespmem:s9+$0xB0];
	v1 =	vadd.s32 v3, v1;
	v3 =	vadd.s32 v5, v9;
	v5 =	vshra.s32 v6, $0x10  }
0x2a: {  	[tilespmem:s9+$0x20] =	vst v2;
	v2 =	vadd.s32 v4, v7;
	v4 =	vshll.u32 v6, $0x4;
	v6 =	vshll.u32 v8, $0x4  }
0x2b: {  	v7 =	vshra.s32 v8, $0x10;
	v4 =	vand.u32 $0xFFFF0, v4;
	v6 =	vand.u32 $0xFFFF0, v6  }
0x2c: {  	v9 =	vshll.u32 v12, $0x4;
	[tilespmem:s9+$0x30] =	vst v1;
	v1 =	vld [tilespmem:s9+$0xC0];
	v8 =	vadd.s32 v5, v4;
	v4 =	vadd.s32 v7, v6  }
0x2d: {  	[tilespmem:s9+$0x40] =	vst v2;
	v2 =	vld [tilespmem:s9+$0xD0];
	v5 =	vshll.u32 v10, $0x4;
	v6 =	vshra.s32 v10, $0x10;
	v7 =	vshll.u32 v11, $0x4  }
0x2e: {  	v5 =	vand.u32 $0xFFFF0, v5;
	[tilespmem:s9+$0x60] =	vst v8;
	v8 =	vshra.s32 v12, $0x10;
	v10 =	vshll.u32 v0, $0x4  }
0x2f: {  	s10 =	simm.s32 $0x400;
	[tilespmem:s9+$0x50] =	vst v3;
	v3 =	vld [tilespmem:s9+$0xE0];
	v5 =	vadd.s32 v6, v5;
	v6 =	vand.u32 $0xFFFF0, v7;
	v7 =	vshra.s32 v11, $0x10  }
.LBB2_6:
0x30: {  	p0 =	sne.s32 s10, $0x18C00;
	[tilespmem:s9+$0x70] =	vst v4;
	v4 =	vand.u32 $0xFFFF0, v9;
	v9 =	vand.u32 $0xFFFF0, v10;
	v0 =	vshra.s32 v0, $0x10;
	v10 =	vld [tilespmem:s9+$0xF0]  }
0x31: {  	s11 =	sshra.s32 s10, $0x2;
	[tilespmem:s9+$0x80] =	vst v5;
	v5 =	vadd.s32 v7, v6;
	v4 =	vadd.s32 v8, v4;
	v0 =	vadd.s32 v0, v9  }
0x32: {  	v6 =	vld [tilespmem:s11+$0x0];
	[tilespmem:s9+$0x90] =	vst v5;
	v5 =	vshll.u32 v1, $0x4;
	v1 =	vshra.s32 v1, $0x10;
	v7 =	vshll.u32 v2, $0x4  }
0x33: {  	v2 =	vshra.s32 v2, $0x10;
	v8 =	vld [tilespmem:s11+$0x10];
	[tilespmem:s9+$0xA0] =	vst v4;
	v4 =	vand.u32 $0xFFFF0, v5;
	v5 =	vand.u32 $0xFFFF0, v7  }
0x34: {  	[tilespmem:s9+$0xB0] =	vst v0;
	v0 =	vadd.s32 v1, v4;
	v1 =	vadd.s32 v2, v5;
	v2 =	vshll.u32 v3, $0x4  }
0x35: {  	v4 =	vld [tilespmem:s11+$0x20];
	[tilespmem:s9+$0xC0] =	vst v0;
	v0 =	vand.u32 $0xFFFF0, v2;
	v2 =	vshra.s32 v3, $0x10;
	v3 =	vshll.u32 v10, $0x4  }
0x36: {  	v5 =	vld [tilespmem:s11+$0x30];
	[tilespmem:s9+$0xD0] =	vst v1;
	v0 =	vadd.s32 v2, v0;
	v1 =	vand.u32 $0xFFFF0, v3;
	v2 =	vshra.s32 v10, $0x10  }
0x37: {  	v3 =	vld [tilespmem:s11+$0x40];
	[tilespmem:s9+$0xE0] =	vst v0;
	v0 =	vadd.s32 v2, v1  }
0x38: {  	v1 =	vshll.u32 v6, $0x4;
	v2 =	vshra.s32 v6, $0x10;
	v6 =	vshll.u32 v8, $0x4;
	v7 =	vld [tilespmem:s11+$0x50];
	[tilespmem:s9+$0xF0] =	vst v0;
	s9 =	smov.u32 s11  }
0x39: {  	v0 =	vand.u32 $0xFFFF0, v1;
	v1 =	vand.u32 $0xFFFF0, v6;
	v6 =	vshra.s32 v8, $0x10  }
0x3a: {  	v0 =	vadd.s32 v2, v0;
	v1 =	vadd.s32 v6, v1;
	v2 =	vshll.u32 v4, $0x4;
	v6 =	vld [tilespmem:s9+$0x60]  }
0x3b: {  	v4 =	vshra.s32 v4, $0x10;
	v2 =	vand.u32 $0xFFFF0, v2;
	v8 =	vshll.u32 v5, $0x4;
	v9 =	vld [tilespmem:s9+$0x70]  }
0x3c: {  	v5 =	vshra.s32 v5, $0x10;
	v2 =	vadd.s32 v4, v2;
	v4 =	vand.u32 $0xFFFF0, v8  }
0x3d: {  	v8 =	vshll.u32 v3, $0x4;
	v3 =	vshra.s32 v3, $0x10;
	v10 =	vshll.u32 v7, $0x4;
	v11 =	vld [tilespmem:s9+$0x80]  }
0x3e: {  	v8 =	vand.u32 $0xFFFF0, v8;
	v7 =	vshra.s32 v7, $0x10;
	v10 =	vand.u32 $0xFFFF0, v10;
	v12 =	vld [tilespmem:s9+$0x90]  }
0x3f: {  	v4 =	vadd.s32 v5, v4;
	v3 =	vadd.s32 v3, v8;
	[tilespmem:s9+$0x0] =	vst v0;
	v5 =	vadd.s32 v7, v10;
	v8 =	vld [tilespmem:s9+$0xA0]  }
0x40: {  	[tilespmem:s9+$0x10] =	vst v1;
	v1 =	vshll.u32 v6, $0x4;
	v6 =	vshra.s32 v6, $0x10;
	v7 =	vshll.u32 v9, $0x4;
	v0 =	vld [tilespmem:s9+$0xB0]  }
.Ltmp2:
0x41: {  	[tilespmem:s9+$0x20] =	vst v2;
	v1 =	vand.u32 $0xFFFF0, v1;
	v2 =	vand.u32 $0xFFFF0, v7;
	v7 =	vshra.s32 v9, $0x10;
	(pc) =	sbr.rel @p0 .LBB2_6-.Ltmp2, $4  }
0x42: {  	[tilespmem:s9+$0x30] =	vst v4;
	v9 =	vadd.s32 v6, v1;
	v4 =	vadd.s32 v7, v2;
	v2 =	vshll.u32 v11, $0x4;
	v1 =	vld [tilespmem:s9+$0xC0]  }
0x43: {  	v6 =	vshra.s32 v11, $0x10;
	[tilespmem:s9+$0x40] =	vst v3;
	v3 =	vand.u32 $0xFFFF0, v2;
	v7 =	vshll.u32 v12, $0x4;
	v2 =	vld [tilespmem:s9+$0xD0]  }
0x44: {  	[tilespmem:s9+$0x50] =	vst v5;
	v5 =	vadd.s32 v6, v3;
	v6 =	vand.u32 $0xFFFF0, v7;
	v7 =	vshra.s32 v12, $0x10  }
0x45: {  	s10 =	sadd.s32 $0x400, s10;
	[tilespmem:s9+$0x60] =	vst v9;
	v9 =	vshll.u32 v8, $0x4;
	v8 =	vshra.s32 v8, $0x10;
	v10 =	vshll.u32 v0, $0x4;
	v3 =	vld [tilespmem:s9+$0xE0]  }
0x46: {  	[tilespmem:s9+$0x70] =	vst v4;
	v45 =	vand.u32 $0xFFFF0, v9;
	v46 =	vand.u32 $0xFFFF0, v10;
	v0 =	vshra.s32 v0, $0x10;
	v47 =	vld [tilespmem:s9+$0xF0]  }
0x47: {  	[tilespmem:s9+$0x80] =	vst v5;
	v48 =	vadd.s32 v7, v6;
	v4 =	vadd.s32 v8, v45;
	v0 =	vadd.s32 v0, v46  }
0x48: {  	[tilespmem:s9+$0x90] =	vst v48;
	v49 =	vshll.u32 v1, $0x4;
	v50 =	vshra.s32 v1, $0x10;
	v51 =	vshll.u32 v2, $0x4  }
0x49: {  	[tilespmem:s9+$0xA0] =	vst v4;
	v52 =	vand.u32 $0xFFFF0, v49;
	v54 =	vshra.s32 v2, $0x10;
	v53 =	vand.u32 $0xFFFF0, v51  }
0x4a: {  	[tilespmem:s9+$0xB0] =	vst v0;
	v55 =	vadd.s32 v50, v52;
	v56 =	vadd.s32 v54, v53;
	v57 =	vshll.u32 v3, $0x4  }
0x4b: {  	[tilespmem:s9+$0xC0] =	vst v55;
	v59 =	vshra.s32 v3, $0x10;
	v58 =	vand.u32 $0xFFFF0, v57;
	v60 =	vshll.u32 v47, $0x4  }
0x4c: {  	s8 =	sadd.s32 $0x1, s8;
	[tilespmem:s9+$0xD0] =	vst v56;
	v62 =	vshra.s32 v47, $0x10;
	v0 =	vadd.s32 v59, v58;
	v61 =	vand.u32 $0xFFFF0, v60  }
0x4d: {  	p0 =	sne.s32 s8, s6;
	[tilespmem:s9+$0xE0] =	vst v0;
	v63 =	vadd.s32 v62, v61  }
.Ltmp3:
0x4e: {  	[tilespmem:s9+$0xF0] =	vst v63;
	(pc) =	sbr.rel @p0 .LBB2_1-.Ltmp3, $4  }
0x4f: {  	[hbm4b:s5+s2] =	stream.linear.scatter [tilespmem:s2], [sflag:$0x1], $0x6400, $0x38;
	[tilespmem:$0x6400] =	vst v63  }
0x50: {  	_ =	swait.ge [sflag:s7], $0x6400  }
0x51: {  	[sflag:s7] =	ssyncset.done $0x0  }
0x52: {  	[sflag:s7] =	ssyncadd.s32 $0xFFFF9C00  }
0x53: {  	_ =	sfence.sel $0x180000  }
0x54: {  	[bflag:$0x0] =	sbarrier.arrive $0xFFFF  }
0x55: {  	p0 =	sne.s32 s0, $0x0;
	_ =	strace $0x90000047  }
0x56: {  	s0 =	sadd.s32 @!p0 $0x100000, s1;
	[bflag:$0x2] =	sbarrier.arrive $0xFFFF  }
0x57: {  	[sflag:s0] =	ssyncadd.tile.s32 @!p0 $0x1;
	_ =	shalt  }
.Lfunc_end2:
_tile_overlayer_lowered:
.L_overlay_start_2:
0x58: {  	(tag) =	ssettag $0x2  }
0x59: {  	s0 =	rddreg [dreg:$0x0];
	s2 =	stileid.u32  }
0x5a: {  	s1 =	rddreg [dreg:$0x1];
	p0 =	sne.s32 s2, $0x0  }
0x5b: {  	s3 =	rddreg [dreg:$0x2];
	[bflag:$0x3] =	sbarrier.arrive $0xFFFF;
	s2 =	simm.s32 @!p0 $0x1C01  }
0x5c: {  	[timem:s3], [sflag:s2] =	dma.local @!p0 [hbm:s0], s1  }
0x5d: {  	s0 =	simm.s32 @!p0 $0x1  }
0x5e: {  	_ =	swait.ge @!p0 [sflag:s0], s1  }
0x5f: {  	s1 =	ssub.s32 @!p0 $0x0, s1;
	[sflag:s0] =	ssyncset.done @!p0 $0x0  }
0x60: {  	[sflag:s0] =	ssyncadd.s32 @!p0 s1  }
0x61: {  	[bflag:$0x3] =	sbarrier.arrive $0xFFFF  }
0x62: {  	_ =	shalt  }

// kernel: kernel.8.cloned.1.call-start
scs
__scs_entry_jumppad:
0x0: {  	(pc) =	sbr.rel $0x88, $3  }
0x1: {  	(tag) =	ssettag $0x0;
	lr =	simm.s32 $0x1  }
0x2: {  	[smem:$0x3F9D] =	sst lr;
	_ =	strace $0xD0000000  }
0x3: {  	_ = 	snop  }
0x4: {  	_ = 	snop  }
0x5: {  	_ = 	snop  }
0x6: {  	_ = 	snop  }
0x7: {  	_ = 	snop  }
__scs_overlays_trampoline_lowered:
0x8: {  	[smem:$0x3FAC] =	sst s0  }
0x9: {  	[smem:$0x3FAD] =	sst s1  }
0xa: {  	[smem:$0x3FAE] =	sst s2  }
0xb: {  	[smem:$0x3FAF] =	sst s3  }
0xc: {  	[smem:$0x3FB0] =	sst s4  }
0xd: {  	[smem:$0x3FB1] =	sst s5  }
0xe: {  	[smem:$0x3FB2] =	sst s6  }
0xf: {  	[smem:$0x3FB3] =	sst s7  }
0x10: {  	[smem:$0x3FB4] =	sst s8  }
0x11: {  	[smem:$0x3FB5] =	sst s9;
	s0 =	simm.s32 @!p0 $0x0  }
0x12: {  	s1 =	sld [smem:$0x3F9B];
	s0 =	simm.s32 @p0 $0x1  }
0x13: {  	[smem:$0x3FB6] =	sst s0;
	s0 =	simm.s32 @!p1 $0x0  }
0x14: {  	s2 =	sld [smem:$0x3F9A];
	s0 =	simm.s32 @p1 $0x1  }
0x15: {  	[smem:$0x3FB7] =	sst s0;
	s0 =	simm.s32 @!p2 $0x0  }
0x16: {  	s3 =	sld [smem:$0x3FDB];
	s0 =	simm.s32 @p2 $0x1  }
0x17: {  	s4 =	simm.s32 $0x1BF5;
	[smem:$0x3FB9] =	sst s0  }
0x18: {  	s0 =	sld [smem:$0x3F9C];
	_ =	swait.ge [sflag:s4], $0x0  }
0x19: {  	s7 =	sld [smem:$0x3F9D]  }
0x1a: {  	s8 =	sadd.s32 $0xFFFFE003, lr  }
0x1b: {  	s9 =	sadd.s32 $0xFFFFFEF7, lr;
	s5 =	simm.s32 $0xFFFFFFFF;
	p2 =	slt.u32 s8, $0xFFFFF086  }
0x1c: {  	p1 =	slt.u32 s9, $0xF7A;
	s5 =	simm.s32 @!p2 $0x0  }
0x1d: {  	s5 =	simm.s32 @p1 $0x1;
	p0 =	seq.s32 s7, s2  }
0x1e: {  	s7 =	smul.u32 @!p0 $0xF7A, s2;
	p2 =	seq.s32 @!p0 s5, $0x0  }
0x1f: {  	s9 =	smul.u32 $0xF7A, s1;
	s8 =	simm.s32 @!p0 $0x1BF5;
	p2 =	por !p2, p0  }
0x20: {  	[sflag:s8] =	ssyncset.s32 @!p0 $0xFFFFF086;
	s6 =	sadd.s32 @!p0 s3, s7;
	s7 =	simm.s32 @!p0 $0x108  }
0x21: {  	s3 =	sadd.s32 s3, s9;
	s6 =	sadd.s32 @!p0 $0x88, s6;
	s7 =	simm.s32 @p2 $0x1082  }
0x22: {  	[simem:s7], [sflag:s8] =	dma.local @!p0 [hbm:s6], $0xF7A  }
0x23: {  	s9 =	sor.u32 $0xD0000000, s2;
	s6 =	simm.s32 $0x108;
	_ =	swait.ge @!p0 [sflag:s8], $0x0  }
0x24: {  	s3 =	sadd.s32 $0x88, s3;
	s6 =	simm.s32 @!p1 $0x1082;
	[sflag:s4] =	ssyncset.s32 $0xFFFFF086  }
0x25: {  	[simem:s6], [sflag:s4] =	dma.local [hbm:s3], $0xF7A  }
0x26: {  	[smem:$0x3F9D] =	sst s1;
	(tag) =	ssettag s2;
	_ =	strace s9  }
0x27: {  	s1 =	sld [smem:$0x3FAD]  }
0x28: {  	s2 =	sld [smem:$0x3FAE]  }
0x29: {  	s4 =	sld [smem:$0x3FB0]  }
0x2a: {  	p0 =	seq.s32 s5, $0x0;
	s5 =	sld [smem:$0x3FB1]  }
0x2b: {  	s6 =	sld [smem:$0x3FB2]  }
0x2c: {  	s7 =	sld [smem:$0x3FB3]  }
0x2d: {  	s3 =	simm.s32 $0x108;
	s8 =	sld [smem:$0x3FB4]  }
0x2e: {  	s3 =	simm.s32 @!p0 $0x1082;
	s9 =	sld [smem:$0x3FB5]  }
0x2f: {  	lr =	sadd.s32 s0, s3;
	s0 =	sld [smem:$0x3FAC]  }
0x30: {  	s3 =	sld [smem:$0x3FAF]  }
0x31: {  	[smem:$0x3FB8] =	sst s10  }
0x32: {  	s10 =	sld [smem:$0x3FB6];
	_ =	sdelay $0x3  }
0x33: {  	p0 =	seq.s32 s10, $0x1;
	s10 =	sld [smem:$0x3FB8];
	_ =	sdelay $0x3  }
0x34: {  	[smem:$0x3FB8] =	sst s10  }
0x35: {  	s10 =	sld [smem:$0x3FB7];
	_ =	sdelay $0x3  }
0x36: {  	p1 =	seq.s32 s10, $0x1;
	s10 =	sld [smem:$0x3FB8];
	_ =	sdelay $0x3  }
0x37: {  	[smem:$0x3FB8] =	sst s10  }
0x38: {  	s10 =	sld [smem:$0x3FB9]  }
0x39: {  	_ = 	snop;
	(pc) =	sbr.ind lr, $3  }
0x3a: {  	_ = 	snop  }
0x3b: {  	_ = 	snop  }
0x3c: {  	p2 =	seq.s32 s10, $0x1;
	s10 =	sld [smem:$0x3FB8]  }
0x3d: {  	_ =	shalt  }
0x3e: {  	_ =	shalt  }
0x3f: {  	_ =	shalt  }
0x40: {  	_ =	shalt  }
0x41: {  	_ =	shalt  }
0x42: {  	_ =	shalt  }
0x43: {  	_ =	shalt  }
0x44: {  	_ =	shalt  }
0x45: {  	_ =	shalt  }
0x46: {  	_ =	shalt  }
0x47: {  	_ =	shalt  }
0x48: {  	_ =	shalt  }
0x49: {  	_ =	shalt  }
0x4a: {  	_ =	shalt  }
0x4b: {  	_ =	shalt  }
0x4c: {  	_ =	shalt  }
0x4d: {  	_ =	shalt  }
0x4e: {  	_ =	shalt  }
0x4f: {  	_ =	shalt  }
0x50: {  	_ =	shalt  }
0x51: {  	_ =	shalt  }
0x52: {  	_ =	shalt  }
0x53: {  	_ =	shalt  }
0x54: {  	_ =	shalt  }
0x55: {  	_ =	shalt  }
0x56: {  	_ =	shalt  }
0x57: {  	_ =	shalt  }
0x58: {  	_ =	shalt  }
0x59: {  	_ =	shalt  }
0x5a: {  	_ =	shalt  }
0x5b: {  	_ =	shalt  }
0x5c: {  	_ =	shalt  }
0x5d: {  	_ =	shalt  }
0x5e: {  	_ =	shalt  }
0x5f: {  	_ =	shalt  }
0x60: {  	_ =	shalt  }
0x61: {  	_ =	shalt  }
0x62: {  	_ =	shalt  }
0x63: {  	_ =	shalt  }
0x64: {  	_ =	shalt  }
0x65: {  	_ =	shalt  }
0x66: {  	_ =	shalt  }
0x67: {  	_ =	shalt  }
0x68: {  	_ =	shalt  }
0x69: {  	_ =	shalt  }
0x6a: {  	_ =	shalt  }
0x6b: {  	_ =	shalt  }
0x6c: {  	_ =	shalt  }
0x6d: {  	_ =	shalt  }
0x6e: {  	_ =	shalt  }
0x6f: {  	_ =	shalt  }
0x70: {  	_ =	shalt  }
0x71: {  	_ =	shalt  }
0x72: {  	_ =	shalt  }
0x73: {  	_ =	shalt  }
0x74: {  	_ =	shalt  }
0x75: {  	_ =	shalt  }
0x76: {  	_ =	shalt  }
0x77: {  	_ =	shalt  }
0x78: {  	_ =	shalt  }
0x79: {  	_ =	shalt  }
0x7a: {  	_ =	shalt  }
0x7b: {  	_ =	shalt  }
0x7c: {  	_ =	shalt  }
0x7d: {  	_ =	shalt  }
0x7e: {  	_ =	shalt  }
0x7f: {  	_ =	shalt  }
0x80: {  	_ =	shalt  }
0x81: {  	_ =	shalt  }
0x82: {  	_ =	shalt  }
0x83: {  	_ =	shalt  }
0x84: {  	_ =	shalt  }
0x85: {  	_ =	shalt  }
0x86: {  	_ =	shalt  }
0x87: {  	_ =	shalt  }
.Lfunc_end0:
.L_simem_size_0:
called_computation.1_lowered:
.L_overlay_start_0:
0x88: {  	s2 =	sld [smem:$0x3FD9]  }
0x89: {  	s3 =	sld [smem:$0x3FFE];
	_ =	sdelay $0x1  }
0x8a: {  	s1 =	srdreg.scid  }
0x8b: {  	s0 =	sand.u32 $0x1, s1  }
0x8c: {  	s17 =	sshll.u32 s0, $0xA;
	s2 =	sadd.s32 s3, s2  }
0x8d: {  	s2 =	sadd.s32 s2, s17  }
0x8e: {  	[smem:$0x3FC4] =	sst s2  }
0x8f: {  	_ = 	snop  }
0x90: {  	s2 =	sld [smem:$0x3FD0];
	(tm) =	ssettm $0x1  }
0x91: {  	s18 =	sld [smem:$0x3FFB];
	_ =	sdelay $0x3  }
0x92: {  	_ =	strace s18  }
0x93: {  	s3 =	sld [smem:$0x3FFC];
	_ =	sdelay $0x3  }
0x94: {  	_ =	strace s3  }
0x95: {  	s3 =	sld [smem:$0x3FFD];
	_ =	sdelay $0x3  }
0x96: {  	_ =	strace s3  }
0x97: {  	_ =	strace $0x8FFFFFFF  }
0x98: {  	s19 =	sld [smem:$0x3FDB];
	_ =	sdelay $0x1  }
0x99: {  	s4 =	simm.s32 $_scs_section_size  }
0x9a: {  	s5 =	simm.s32 $_size__tile_overlayer_lowered;
	s6 =	simm.s32 $_tile_overlayer_lowered  }
0x9b: {  	s22 =	simm.s32 $0x1BFF;
	s21 =	sshll.u32 s6, $0x1;
	s3 =	sadd.s32 s4, s19  }
0x9c: {  	s7 =	simm.s32 $0x0;
	s20 =	sshll.u32 s5, $0x1;
	s5 =	sadd.s32 s21, s3  }
0x9d: {  	[timem:s7], [sflag:s22] =	dma.local [hbm:s5], s20  }
0x9e: {  	_ =	swait.ge [sflag:s22], s20  }
0x9f: {  	s4 =	ssub.s32 $0x0, s20;
	[sflag:s22] =	ssyncset.done $0x0  }
0xa0: {  	[sflag:s22] =	ssyncadd.s32 s4;
	_ =	sdelay $0x1  }
0xa1: {  	s23 =	simm.s32 $0x1B8B  }
0xa2: {  	_ =	swait.ge [sflag:s23], $0x1  }
0xa3: {  	[sflag:s23] =	ssyncset.done $0x0  }
0xa4: {  	s25 =	simm.s32 $0x1B8E;
	s24 =	sld [smem:$0x3FFE];
	[sflag:s23] =	ssyncadd.s32 $0xFFFFFFFF  }
0xa5: {  	s26 =	simm.s32 $execute0_lowered;
	[smem:$0x3FD2] =	sst s25  }
0xa6: {  	s5 =	sshll.u32 s26, $0x1;
	_ =	strace $0x80000049;
	[dreg:$0x1] =	wrdreg $0xFFFFFFFF  }
0xa7: {  	s28 =	simm.s32 $_size_execute0_lowered;
	s3 =	sadd.s32 s3, s5;
	[dreg:$0x0] =	wrdreg $0x0  }
0xa8: {  	s5 =	sshll.u32 s28, $0x1;
	[dreg:$0x2] =	wrdreg s3  }
0xa9: {  	[dreg:$0x3] =	wrdreg s5  }
0xaa: {  	[dreg:$0x4] =	wrdreg $0xC0  }
0xab: {  	_ =	task [dreg:s7], $0x5FFFF  }
0xac: {  	[dreg:$0x1] =	wrdreg $0xFFFFFFFF  }
0xad: {  	[dreg:$0x0] =	wrdreg $0x60  }
0xae: {  	[dreg:$0x2] =	wrdreg s24  }
0xaf: {  	[dreg:$0x3] =	wrdreg s2  }
0xb0: {  	[dreg:$0x4] =	wrdreg $0x6C000  }
0xb1: {  	[dreg:$0x5] =	wrdreg $0x9  }
0xb2: {  	_ =	task.clear_ibuf [dreg:s7], $0x6FFFF;
	_ =	strace $0x90000049  }
0xb3: {  	s29 =	simm.s32 $0x9;
	_ =	strace $0x8000004B  }
0xb4: {  	_ =	swait.ge [sflag:s29], $0x1  }
0xb5: {  	[sflag:s29] =	ssyncadd.s32 $0xFFFFFFFF  }
0xb6: {  	_ =	strace $0x9000004B  }
0xb7: {  	_ =	sfence  }
0xb8: {  	s30 =	sld [smem:$0x0];
	_ =	sdelay $0x2  }
0xb9: {  	s31 =	sshll.u32 s1, $0xD;
	s1 =	sshrl.u32 s1, $0x2  }
0xba: {  	s3 =	sand.u32 $0x4000, s31;
	s1 =	sadd.s32 s1, s30  }
0xbb: {  	s0 =	sor.u32 s3, s0;
	s1 =	sshll.u32 s1, $0x11  }
0xbc: {  	s0 =	sor.u32 s1, s0  }
0xbd: {  	s0 =	sadd.s32 $0x8F2B, s0  }
0xbe: {  	[sflag:s0] =	ssyncadd.remote.s32 $0x1  }
0xbf: {  	_ =	sfence.sel $0xFFFF  }
0xc0: {  	[dreg:$0x0] =	wrdreg $0xFFFFFFFF;
	(pc) =	sbr.abs _section_cstart, $3  }
0xc1: {  	[dreg:$0x1] =	wrdreg $0xFFFFFFFF  }
0xc2: {  	_ =	task.clear_ibuf [dreg:s7], $0x2FFFF;
	_ =	strace $0x9FFFFFFF  }
0xc3: {  	(tm) =	ssettm $0x7FFFFFFF  }
tec
execute0_lowered:
.L_overlay_start_1:
0x0: {  	(tag) =	ssettag $0x1  }
0x1: {  	s1 =	rddreg [dreg:$0x0]  }
0x2: {  	s2 =	rddreg [dreg:$0x1];
	s3 =	srdreg.scid  }
0x3: {  	s0 =	stileid.u32;
	s10 =	rddreg [dreg:$0x2]  }
0x4: {  	s11 =	simm.s32 $0x6400;
	s12 =	simm.s32 $0x100;
	s21 =	simm.s32 $0xA00  }
0x5: {  	s22 =	simm.s32 $0xB00;
	s23 =	simm.s32 $0xC00;
	s24 =	simm.s32 $0xD00  }
0x6: {  	s25 =	simm.s32 $0xE00;
	s26 =	simm.s32 $0xF00;
	s28 =	simm.s32 $0x1000  }
0x7: {  	s29 =	simm.s32 $0x1100;
	s30 =	simm.s32 $0x1200;
	s31 =	simm.s32 $0x1300  }
0x8: {  	s4 =	sand.u32 $0x1, s3;
	s5 =	sshll.u32 s0, $0x1;
	s3 =	simm.s32 $0x0  }
0x9: {  	s13 =	sshll.u32 s0, $0x7;
	s17 =	sshll.u32 s0, $0xA;
	s7 =	sor.u32 s4, s5  }
0xa: {  	[smem:$0x7FF] =	sst s3;
	s6 =	ssub.s32 $0x2, s4;
	s4 =	sadd.s32 $0x32E00, s1  }
0xb: {  	s19 =	sor.u32 $0x10, s13;
	s20 =	sor.u32 $0x20, s13;
	s14 =	sor.u32 $0x30, s13  }
0xc: {  	s15 =	sor.u32 $0x40, s13;
	s5 =	smul.u32 $0xC80, s7;
	_ =	strace $0x8000004A  }
0xd: {  	v7 =	vlaneseq.u32;
	s9 =	sshrl.u32 s6, $0x1;
	s18 =	sshll.u32 s7, $0x7;
	s7 =	sadd.s32 s17, s10  }
0xe: {  	s17 =	sor.u32 $0x60, s13;
	s10 =	simm.s32 $0x2;
	v3 =	vor.u32 s14, v7;
	s14 =	simm.s32 $0x6800  }
0xf: {  	v4 =	vor.u32 s15, v7;
	s15 =	simm.s32 $0x0;
	s16 =	ssub.s32 s6, s9;
	s8 =	sadd.s32 s5, s1  }
0x10: {  	s5 =	sadd.s32 $0x32C00, s1;
	s9 =	smax.u32 s16, $0x1;
	s16 =	sor.u32 $0x50, s13  }
0x11: {  	v0 =	vor.u32 s13, v7;
	v1 =	vor.u32 s19, v7;
	v2 =	vor.u32 s20, v7;
	s6 =	sadd.s32 $0x19C00, s8;
	s8 =	sadd.s32 s2, s18;
	s18 =	sor.u32 $0x70, s13  }
0x12: {  	v6 =	vor.u32 s17, v7;
	s1 =	simm.s32 $0x1;
	s2 =	simm.s32 $0x80;
	v5 =	vor.u32 s16, v7;
	s13 =	simm.s32 $0x7000;
	v7 =	vor.u32 s18, v7  }
.LBB2_1:
0x13: {  	[tilespmem:s3], [sflag:$0x2] =	stream.linear.gather [hbm4b:s6+s3], $0x6400, $0x38;
	[tilespmem:$0x7080] =	vst v63  }
0x14: {  	_ =	swait.ge [sflag:s10], $0x6400  }
0x15: {  	[sflag:s10] =	ssyncset.done $0x0  }
0x16: {  	[sflag:s10] =	ssyncadd.s32 $0xFFFF9C00  }
0x17: {  	[tilespmem:s11], [sflag:$0x2] =	stream.linear.gather [hbm4b:s5+s3], $0x800, $0x38;
	[tilespmem:$0x7080] =	vst v63  }
0x18: {  	_ =	swait.ge [sflag:s10], $0x800  }
0x19: {  	[sflag:s10] =	ssyncset.done $0x0  }
0x1a: {  	[sflag:s10] =	ssyncadd.s32 $0xFFFFF800  }
0x1b: {  	[tilespmem:s11], [sflag:$0x1] =	stream.indirect.gather.add.f32 [hbm:s4], $0x8, s3, s12, $0xb8;
	[tilespmem:$0x7080] =	vst v63  }
0x1c: {  	_ = 	snop  }
0x1d: {  	[tilespmem:s11], [sflag:$0x1] =	stream.indirect.gather.add.f32 [hbm:s4], $0x8, s12, s12, $0xb8;
	[tilespmem:$0x7080] =	vst v63  }
0x1e: {  	s16 =	simm.s32 $0x200  }
0x1f: {  	[tilespmem:s11], [sflag:$0x1] =	stream.indirect.gather.add.f32 [hbm:s4], $0x8, s16, s12, $0xb8;
	[tilespmem:$0x7080] =	vst v63  }
0x20: {  	s18 =	simm.s32 $0x300  }
0x21: {  	[tilespmem:s11], [sflag:$0x1] =	stream.indirect.gather.add.f32 [hbm:s4], $0x8, s18, s12, $0xb8;
	[tilespmem:$0x7080] =	vst v63  }
0x22: {  	s19 =	simm.s32 $0x400  }
0x23: {  	[tilespmem:s11], [sflag:$0x1] =	stream.indirect.gather.add.f32 [hbm:s4], $0x8, s19, s12, $0xb8;
	[tilespmem:$0x7080] =	vst v63  }
0x24: {  	s20 =	simm.s32 $0x500  }
0x25: {  	[tilespmem:s11], [sflag:$0x1] =	stream.indirect.gather.add.f32 [hbm:s4], $0x8, s20, s12, $0xb8;
	[tilespmem:$0x7080] =	vst v63  }
0x26: {  	s17 =	simm.s32 $0x600  }
0x27: {  	[tilespmem:s11], [sflag:$0x1] =	stream.indirect.gather.add.f32 [hbm:s4], $0x8, s17, s12, $0xb8;
	[tilespmem:$0x7080] =	vst v63  }
0x28: {  	s18 =	simm.s32 $0x700  }
0x29: {  	[tilespmem:s11], [sflag:$0x1] =	stream.indirect.gather.add.f32 [hbm:s4], $0x8, s18, s12, $0xb8;
	[tilespmem:$0x7080] =	vst v63  }
0x2a: {  	s19 =	simm.s32 $0x800  }
0x2b: {  	[tilespmem:s11], [sflag:$0x1] =	stream.indirect.gather.add.f32 [hbm:s4], $0x8, s19, s12, $0xb8;
	[tilespmem:$0x7080] =	vst v63  }
0x2c: {  	s20 =	simm.s32 $0x900  }
0x2d: {  	[tilespmem:s11], [sflag:$0x1] =	stream.indirect.gather.add.f32 [hbm:s4], $0x8, s20, s12, $0xb8;
	[tilespmem:$0x7080] =	vst v63  }
0x2e: {  	_ = 	snop  }
0x2f: {  	[tilespmem:s11], [sflag:$0x1] =	stream.indirect.gather.add.f32 [hbm:s4], $0x8, s21, s12, $0xb8;
	[tilespmem:$0x7080] =	vst v63  }
0x30: {  	_ = 	snop  }
0x31: {  	[tilespmem:s11], [sflag:$0x1] =	stream.indirect.gather.add.f32 [hbm:s4], $0x8, s22, s12, $0xb8;
	[tilespmem:$0x7080] =	vst v63  }
0x32: {  	_ = 	snop  }
0x33: {  	[tilespmem:s11], [sflag:$0x1] =	stream.indirect.gather.add.f32 [hbm:s4], $0x8, s23, s12, $0xb8;
	[tilespmem:$0x7080] =	vst v63  }
0x34: {  	_ = 	snop  }
0x35: {  	[tilespmem:s11], [sflag:$0x1] =	stream.indirect.gather.add.f32 [hbm:s4], $0x8, s24, s12, $0xb8;
	[tilespmem:$0x7080] =	vst v63  }
0x36: {  	_ = 	snop  }
0x37: {  	[tilespmem:s11], [sflag:$0x1] =	stream.indirect.gather.add.f32 [hbm:s4], $0x8, s25, s12, $0xb8;
	[tilespmem:$0x7080] =	vst v63  }
0x38: {  	_ = 	snop  }
0x39: {  	[tilespmem:s11], [sflag:$0x1] =	stream.indirect.gather.add.f32 [hbm:s4], $0x8, s26, s12, $0xb8;
	[tilespmem:$0x7080] =	vst v63  }
0x3a: {  	_ = 	snop  }
0x3b: {  	[tilespmem:s11], [sflag:$0x1] =	stream.indirect.gather.add.f32 [hbm:s4], $0x8, s28, s12, $0xb8;
	[tilespmem:$0x7080] =	vst v63  }
0x3c: {  	_ = 	snop  }
0x3d: {  	[tilespmem:s11], [sflag:$0x1] =	stream.indirect.gather.add.f32 [hbm:s4], $0x8, s29, s12, $0xb8;
	[tilespmem:$0x7080] =	vst v63  }
0x3e: {  	_ = 	snop  }
0x3f: {  	[tilespmem:s11], [sflag:$0x1] =	stream.indirect.gather.add.f32 [hbm:s4], $0x8, s30, s12, $0xb8;
	[tilespmem:$0x7080] =	vst v63  }
0x40: {  	_ = 	snop  }
0x41: {  	[tilespmem:s11], [sflag:$0x1] =	stream.indirect.gather.add.f32 [hbm:s4], $0x8, s31, s12, $0xb8;
	[tilespmem:$0x7080] =	vst v63  }
0x42: {  	s17 =	simm.s32 $0x1400  }
0x43: {  	[tilespmem:s11], [sflag:$0x1] =	stream.indirect.gather.add.f32 [hbm:s4], $0x8, s17, s12, $0xb8;
	[tilespmem:$0x7080] =	vst v63  }
0x44: {  	s18 =	simm.s32 $0x1500  }
0x45: {  	[tilespmem:s11], [sflag:$0x1] =	stream.indirect.gather.add.f32 [hbm:s4], $0x8, s18, s12, $0xb8;
	[tilespmem:$0x7080] =	vst v63  }
0x46: {  	s19 =	simm.s32 $0x1600  }
0x47: {  	[tilespmem:s11], [sflag:$0x1] =	stream.indirect.gather.add.f32 [hbm:s4], $0x8, s19, s12, $0xb8;
	[tilespmem:$0x7080] =	vst v63  }
0x48: {  	s20 =	simm.s32 $0x1700  }
0x49: {  	[tilespmem:s11], [sflag:$0x1] =	stream.indirect.gather.add.f32 [hbm:s4], $0x8, s20, s12, $0xb8;
	[tilespmem:$0x7080] =	vst v63  }
0x4a: {  	s17 =	simm.s32 $0x1800  }
0x4b: {  	[tilespmem:s11], [sflag:$0x1] =	stream.indirect.gather.add.f32 [hbm:s4], $0x8, s17, s12, $0xb8;
	[tilespmem:$0x7080] =	vst v63  }
0x4c: {  	s18 =	simm.s32 $0x1900  }
0x4d: {  	[tilespmem:s11], [sflag:$0x1] =	stream.indirect.gather.add.f32 [hbm:s4], $0x8, s18, s12, $0xb8;
	[tilespmem:$0x7080] =	vst v63  }
0x4e: {  	s19 =	simm.s32 $0x1A00  }
0x4f: {  	[tilespmem:s11], [sflag:$0x1] =	stream.indirect.gather.add.f32 [hbm:s4], $0x8, s19, s12, $0xb8;
	[tilespmem:$0x7080] =	vst v63  }
0x50: {  	s20 =	simm.s32 $0x1B00  }
0x51: {  	[tilespmem:s11], [sflag:$0x1] =	stream.indirect.gather.add.f32 [hbm:s4], $0x8, s20, s12, $0xb8;
	[tilespmem:$0x7080] =	vst v63  }
0x52: {  	s17 =	simm.s32 $0x1C00  }
0x53: {  	[tilespmem:s11], [sflag:$0x1] =	stream.indirect.gather.add.f32 [hbm:s4], $0x8, s17, s12, $0xb8;
	[tilespmem:$0x7080] =	vst v63  }
0x54: {  	s18 =	simm.s32 $0x1D00  }
0x55: {  	[tilespmem:s11], [sflag:$0x1] =	stream.indirect.gather.add.f32 [hbm:s4], $0x8, s18, s12, $0xb8;
	[tilespmem:$0x7080] =	vst v63  }
0x56: {  	s19 =	simm.s32 $0x1E00  }
0x57: {  	[tilespmem:s11], [sflag:$0x1] =	stream.indirect.gather.add.f32 [hbm:s4], $0x8, s19, s12, $0xb8;
	[tilespmem:$0x7080] =	vst v63  }
0x58: {  	s20 =	simm.s32 $0x1F00  }
0x59: {  	[tilespmem:s11], [sflag:$0x1] =	stream.indirect.gather.add.f32 [hbm:s4], $0x8, s20, s12, $0xb8;
	[tilespmem:$0x7080] =	vst v63  }
0x5a: {  	s17 =	simm.s32 $0x2000  }
0x5b: {  	[tilespmem:s11], [sflag:$0x1] =	stream.indirect.gather.add.f32 [hbm:s4], $0x8, s17, s12, $0xb8;
	[tilespmem:$0x7080] =	vst v63  }
0x5c: {  	s18 =	simm.s32 $0x2100  }
0x5d: {  	[tilespmem:s11], [sflag:$0x1] =	stream.indirect.gather.add.f32 [hbm:s4], $0x8, s18, s12, $0xb8;
	[tilespmem:$0x7080] =	vst v63  }
0x5e: {  	s19 =	simm.s32 $0x2200  }
0x5f: {  	[tilespmem:s11], [sflag:$0x1] =	stream.indirect.gather.add.f32 [hbm:s4], $0x8, s19, s12, $0xb8;
	[tilespmem:$0x7080] =	vst v63  }
0x60: {  	s20 =	simm.s32 $0x2300  }
0x61: {  	[tilespmem:s11], [sflag:$0x1] =	stream.indirect.gather.add.f32 [hbm:s4], $0x8, s20, s12, $0xb8;
	[tilespmem:$0x7080] =	vst v63  }
0x62: {  	s17 =	simm.s32 $0x2400  }
0x63: {  	[tilespmem:s11], [sflag:$0x1] =	stream.indirect.gather.add.f32 [hbm:s4], $0x8, s17, s12, $0xb8;
	[tilespmem:$0x7080] =	vst v63  }
0x64: {  	s18 =	simm.s32 $0x2500  }
0x65: {  	[tilespmem:s11], [sflag:$0x1] =	stream.indirect.gather.add.f32 [hbm:s4], $0x8, s18, s12, $0xb8;
	[tilespmem:$0x7080] =	vst v63  }
0x66: {  	s19 =	simm.s32 $0x2600  }
0x67: {  	[tilespmem:s11], [sflag:$0x1] =	stream.indirect.gather.add.f32 [hbm:s4], $0x8, s19, s12, $0xb8;
	[tilespmem:$0x7080] =	vst v63  }
0x68: {  	s20 =	simm.s32 $0x2700  }
0x69: {  	[tilespmem:s11], [sflag:$0x1] =	stream.indirect.gather.add.f32 [hbm:s4], $0x8, s20, s12, $0xb8;
	[tilespmem:$0x7080] =	vst v63  }
0x6a: {  	_ =	swait.ge [sflag:s1], $0x800  }
0x6b: {  	[sflag:s1] =	ssyncset.done $0x0  }
0x6c: {  	[sflag:s1] =	ssyncadd.s32 $0xFFFFF800  }
0x6d: {  	_ =	swait.ge [sflag:s1], $0x800  }
0x6e: {  	[sflag:s1] =	ssyncset.done $0x0  }
0x6f: {  	[sflag:s1] =	ssyncadd.s32 $0xFFFFF800  }
0x70: {  	_ =	swait.ge [sflag:s1], $0x800  }
0x71: {  	[sflag:s1] =	ssyncset.done $0x0  }
0x72: {  	[sflag:s1] =	ssyncadd.s32 $0xFFFFF800  }
0x73: {  	_ =	swait.ge [sflag:s1], $0x800  }
0x74: {  	[sflag:s1] =	ssyncset.done $0x0  }
0x75: {  	[sflag:s1] =	ssyncadd.s32 $0xFFFFF800  }
0x76: {  	_ =	swait.ge [sflag:s1], $0x800  }
0x77: {  	[sflag:s1] =	ssyncset.done $0x0  }
0x78: {  	[sflag:s1] =	ssyncadd.s32 $0xFFFFF800  }
0x79: {  	_ =	swait.ge [sflag:s1], $0x800  }
0x7a: {  	[sflag:s1] =	ssyncset.done $0x0  }
0x7b: {  	[sflag:s1] =	ssyncadd.s32 $0xFFFFF800  }
0x7c: {  	_ =	swait.ge [sflag:s1], $0x800  }
0x7d: {  	[sflag:s1] =	ssyncset.done $0x0  }
0x7e: {  	[sflag:s1] =	ssyncadd.s32 $0xFFFFF800  }
0x7f: {  	_ =	swait.ge [sflag:s1], $0x800  }
0x80: {  	[sflag:s1] =	ssyncset.done $0x0  }
0x81: {  	[sflag:s1] =	ssyncadd.s32 $0xFFFFF800  }
0x82: {  	_ =	swait.ge [sflag:s1], $0x800  }
0x83: {  	[sflag:s1] =	ssyncset.done $0x0  }
0x84: {  	[sflag:s1] =	ssyncadd.s32 $0xFFFFF800  }
0x85: {  	_ =	swait.ge [sflag:s1], $0x800  }
0x86: {  	[sflag:s1] =	ssyncset.done $0x0  }
0x87: {  	[sflag:s1] =	ssyncadd.s32 $0xFFFFF800  }
0x88: {  	_ =	swait.ge [sflag:s1], $0x800  }
0x89: {  	[sflag:s1] =	ssyncset.done $0x0  }
0x8a: {  	[sflag:s1] =	ssyncadd.s32 $0xFFFFF800  }
0x8b: {  	_ =	swait.ge [sflag:s1], $0x800  }
0x8c: {  	[sflag:s1] =	ssyncset.done $0x0  }
0x8d: {  	[sflag:s1] =	ssyncadd.s32 $0xFFFFF800  }
0x8e: {  	_ =	swait.ge [sflag:s1], $0x800  }
0x8f: {  	[sflag:s1] =	ssyncset.done $0x0  }
0x90: {  	[sflag:s1] =	ssyncadd.s32 $0xFFFFF800  }
0x91: {  	_ =	swait.ge [sflag:s1], $0x800  }
0x92: {  	[sflag:s1] =	ssyncset.done $0x0  }
0x93: {  	[sflag:s1] =	ssyncadd.s32 $0xFFFFF800  }
0x94: {  	_ =	swait.ge [sflag:s1], $0x800  }
0x95: {  	[sflag:s1] =	ssyncset.done $0x0  }
0x96: {  	[sflag:s1] =	ssyncadd.s32 $0xFFFFF800  }
0x97: {  	_ =	swait.ge [sflag:s1], $0x800  }
0x98: {  	[sflag:s1] =	ssyncset.done $0x0  }
0x99: {  	[sflag:s1] =	ssyncadd.s32 $0xFFFFF800  }
0x9a: {  	_ =	swait.ge [sflag:s1], $0x800  }
0x9b: {  	[sflag:s1] =	ssyncset.done $0x0  }
0x9c: {  	[sflag:s1] =	ssyncadd.s32 $0xFFFFF800  }
0x9d: {  	_ =	swait.ge [sflag:s1], $0x800  }
0x9e: {  	[sflag:s1] =	ssyncset.done $0x0  }
0x9f: {  	[sflag:s1] =	ssyncadd.s32 $0xFFFFF800  }
0xa0: {  	_ =	swait.ge [sflag:s1], $0x800  }
0xa1: {  	[sflag:s1] =	ssyncset.done $0x0  }
0xa2: {  	[sflag:s1] =	ssyncadd.s32 $0xFFFFF800  }
0xa3: {  	_ =	swait.ge [sflag:s1], $0x800  }
0xa4: {  	s16 =	simm.s32 $0xA000;
	s18 =	simm.s32 $0x1400;
	[sflag:s1] =	ssyncset.done $0x0  }
.LBB2_2:
0xa5: {  	s20 =	sadd.s32 $0x1400, s18  }
0xa6: {  	[sflag:s1] =	ssyncadd.s32 $0xFFFFF800;
	s17 =	smov.u32 s16;
	s19 =	sadd.s32 $0x5000, s16  }
0xa7: {  	[tilespmem:s11], [sflag:$0x1] =	stream.indirect.gather.add.f32 [hbm:s4], $0x8, s20, s12, $0xb8;
	[tilespmem:$0x7080] =	vst v63  }
0xa8: {  	p0 =	sne.s32 s16, $0xF000;
	s16 =	sadd.s32 $0x1500, s18  }
0xa9: {  	[tilespmem:s11], [sflag:$0x1] =	stream.indirect.gather.add.f32 [hbm:s4], $0x8, s16, s12, $0xb8;
	[tilespmem:$0x7080] =	vst v63  }
0xaa: {  	s16 =	sadd.s32 $0x1600, s18  }
0xab: {  	[tilespmem:s11], [sflag:$0x1] =	stream.indirect.gather.add.f32 [hbm:s4], $0x8, s16, s12, $0xb8;
	[tilespmem:$0x7080] =	vst v63  }
0xac: {  	s16 =	sadd.s32 $0x1700, s18  }
0xad: {  	[tilespmem:s11], [sflag:$0x1] =	stream.indirect.gather.add.f32 [hbm:s4], $0x8, s16, s12, $0xb8;
	[tilespmem:$0x7080] =	vst v63  }
0xae: {  	s16 =	sadd.s32 $0x1800, s18  }
0xaf: {  	[tilespmem:s11], [sflag:$0x1] =	stream.indirect.gather.add.f32 [hbm:s4], $0x8, s16, s12, $0xb8;
	[tilespmem:$0x7080] =	vst v63  }
0xb0: {  	s16 =	sadd.s32 $0x1900, s18  }
0xb1: {  	[tilespmem:s11], [sflag:$0x1] =	stream.indirect.gather.add.f32 [hbm:s4], $0x8, s16, s12, $0xb8;
	[tilespmem:$0x7080] =	vst v63  }
0xb2: {  	s16 =	sadd.s32 $0x1A00, s18  }
0xb3: {  	[tilespmem:s11], [sflag:$0x1] =	stream.indirect.gather.add.f32 [hbm:s4], $0x8, s16, s12, $0xb8;
	[tilespmem:$0x7080] =	vst v63  }
0xb4: {  	s16 =	sadd.s32 $0x1B00, s18  }
0xb5: {  	[tilespmem:s11], [sflag:$0x1] =	stream.indirect.gather.add.f32 [hbm:s4], $0x8, s16, s12, $0xb8;
	[tilespmem:$0x7080] =	vst v63  }
0xb6: {  	s16 =	sadd.s32 $0x1C00, s18  }
0xb7: {  	[tilespmem:s11], [sflag:$0x1] =	stream.indirect.gather.add.f32 [hbm:s4], $0x8, s16, s12, $0xb8;
	[tilespmem:$0x7080] =	vst v63  }
0xb8: {  	s16 =	sadd.s32 $0x1D00, s18  }
0xb9: {  	[tilespmem:s11], [sflag:$0x1] =	stream.indirect.gather.add.f32 [hbm:s4], $0x8, s16, s12, $0xb8;
	[tilespmem:$0x7080] =	vst v63  }
0xba: {  	s16 =	sadd.s32 $0x1E00, s18  }
0xbb: {  	[tilespmem:s11], [sflag:$0x1] =	stream.indirect.gather.add.f32 [hbm:s4], $0x8, s16, s12, $0xb8;
	[tilespmem:$0x7080] =	vst v63  }
0xbc: {  	s16 =	sadd.s32 $0x1F00, s18  }
0xbd: {  	[tilespmem:s11], [sflag:$0x1] =	stream.indirect.gather.add.f32 [hbm:s4], $0x8, s16, s12, $0xb8;
	[tilespmem:$0x7080] =	vst v63  }
0xbe: {  	s16 =	sadd.s32 $0x2000, s18  }
0xbf: {  	[tilespmem:s11], [sflag:$0x1] =	stream.indirect.gather.add.f32 [hbm:s4], $0x8, s16, s12, $0xb8;
	[tilespmem:$0x7080] =	vst v63  }
0xc0: {  	s16 =	sadd.s32 $0x2100, s18  }
0xc1: {  	[tilespmem:s11], [sflag:$0x1] =	stream.indirect.gather.add.f32 [hbm:s4], $0x8, s16, s12, $0xb8;
	[tilespmem:$0x7080] =	vst v63  }
0xc2: {  	s16 =	sadd.s32 $0x2200, s18  }
0xc3: {  	[tilespmem:s11], [sflag:$0x1] =	stream.indirect.gather.add.f32 [hbm:s4], $0x8, s16, s12, $0xb8;
	[tilespmem:$0x7080] =	vst v63  }
0xc4: {  	s16 =	sadd.s32 $0x2300, s18  }
0xc5: {  	[tilespmem:s11], [sflag:$0x1] =	stream.indirect.gather.add.f32 [hbm:s4], $0x8, s16, s12, $0xb8;
	[tilespmem:$0x7080] =	vst v63  }
0xc6: {  	s16 =	sadd.s32 $0x2400, s18  }
0xc7: {  	[tilespmem:s11], [sflag:$0x1] =	stream.indirect.gather.add.f32 [hbm:s4], $0x8, s16, s12, $0xb8;
	[tilespmem:$0x7080] =	vst v63  }
0xc8: {  	s16 =	sadd.s32 $0x2500, s18  }
0xc9: {  	[tilespmem:s11], [sflag:$0x1] =	stream.indirect.gather.add.f32 [hbm:s4], $0x8, s16, s12, $0xb8;
	[tilespmem:$0x7080] =	vst v63  }
0xca: {  	s16 =	sadd.s32 $0x2600, s18  }
0xcb: {  	[tilespmem:s11], [sflag:$0x1] =	stream.indirect.gather.add.f32 [hbm:s4], $0x8, s16, s12, $0xb8;
	[tilespmem:$0x7080] =	vst v63  }
0xcc: {  	s16 =	sadd.s32 $0x2700, s18  }
0xcd: {  	[tilespmem:s11], [sflag:$0x1] =	stream.indirect.gather.add.f32 [hbm:s4], $0x8, s16, s12, $0xb8;
	[tilespmem:$0x7080] =	vst v63  }
0xce: {  	_ =	swait.ge [sflag:s1], $0x800  }
0xcf: {  	[sflag:s1] =	ssyncset.done $0x0  }
0xd0: {  	[sflag:s1] =	ssyncadd.s32 $0xFFFFF800  }
0xd1: {  	_ =	swait.ge [sflag:s1], $0x800  }
0xd2: {  	[sflag:s1] =	ssyncset.done $0x0  }
0xd3: {  	[sflag:s1] =	ssyncadd.s32 $0xFFFFF800  }
0xd4: {  	_ =	swait.ge [sflag:s1], $0x800  }
0xd5: {  	[sflag:s1] =	ssyncset.done $0x0  }
0xd6: {  	[sflag:s1] =	ssyncadd.s32 $0xFFFFF800  }
0xd7: {  	_ =	swait.ge [sflag:s1], $0x800  }
0xd8: {  	[sflag:s1] =	ssyncset.done $0x0  }
0xd9: {  	[sflag:s1] =	ssyncadd.s32 $0xFFFFF800  }
0xda: {  	_ =	swait.ge [sflag:s1], $0x800  }
0xdb: {  	[sflag:s1] =	ssyncset.done $0x0  }
0xdc: {  	[sflag:s1] =	ssyncadd.s32 $0xFFFFF800  }
0xdd: {  	_ =	swait.ge [sflag:s1], $0x800  }
0xde: {  	[sflag:s1] =	ssyncset.done $0x0  }
0xdf: {  	[sflag:s1] =	ssyncadd.s32 $0xFFFFF800  }
0xe0: {  	_ =	swait.ge [sflag:s1], $0x800  }
0xe1: {  	[sflag:s1] =	ssyncset.done $0x0  }
0xe2: {  	[sflag:s1] =	ssyncadd.s32 $0xFFFFF800  }
0xe3: {  	_ =	swait.ge [sflag:s1], $0x800  }
0xe4: {  	[sflag:s1] =	ssyncset.done $0x0  }
0xe5: {  	[sflag:s1] =	ssyncadd.s32 $0xFFFFF800  }
0xe6: {  	_ =	swait.ge [sflag:s1], $0x800  }
0xe7: {  	[sflag:s1] =	ssyncset.done $0x0  }
0xe8: {  	[sflag:s1] =	ssyncadd.s32 $0xFFFFF800  }
0xe9: {  	_ =	swait.ge [sflag:s1], $0x800  }
0xea: {  	[sflag:s1] =	ssyncset.done $0x0  }
0xeb: {  	[sflag:s1] =	ssyncadd.s32 $0xFFFFF800  }
0xec: {  	_ =	swait.ge [sflag:s1], $0x800  }
0xed: {  	[sflag:s1] =	ssyncset.done $0x0  }
0xee: {  	[sflag:s1] =	ssyncadd.s32 $0xFFFFF800  }
0xef: {  	_ =	swait.ge [sflag:s1], $0x800  }
0xf0: {  	[sflag:s1] =	ssyncset.done $0x0  }
0xf1: {  	[sflag:s1] =	ssyncadd.s32 $0xFFFFF800  }
0xf2: {  	_ =	swait.ge [sflag:s1], $0x800  }
0xf3: {  	[sflag:s1] =	ssyncset.done $0x0  }
0xf4: {  	[sflag:s1] =	ssyncadd.s32 $0xFFFFF800  }
0xf5: {  	_ =	swait.ge [sflag:s1], $0x800  }
0xf6: {  	[sflag:s1] =	ssyncset.done $0x0  }
0xf7: {  	[sflag:s1] =	ssyncadd.s32 $0xFFFFF800  }
0xf8: {  	_ =	swait.ge [sflag:s1], $0x800  }
0xf9: {  	[sflag:s1] =	ssyncset.done $0x0  }
0xfa: {  	[sflag:s1] =	ssyncadd.s32 $0xFFFFF800  }
0xfb: {  	_ =	swait.ge [sflag:s1], $0x800  }
0xfc: {  	[sflag:s1] =	ssyncset.done $0x0  }
0xfd: {  	[sflag:s1] =	ssyncadd.s32 $0xFFFFF800  }
0xfe: {  	_ =	swait.ge [sflag:s1], $0x800  }
0xff: {  	[sflag:s1] =	ssyncset.done $0x0  }
0x100: {  	[sflag:s1] =	ssyncadd.s32 $0xFFFFF800  }
0x101: {  	_ =	swait.ge [sflag:s1], $0x800  }
0x102: {  	[sflag:s1] =	ssyncset.done $0x0  }
0x103: {  	[sflag:s1] =	ssyncadd.s32 $0xFFFFF800  }
.Ltmp0:
0x104: {  	_ =	swait.ge [sflag:s1], $0x800;
	(pc) =	sbr.rel @p0 .LBB2_2-.Ltmp0, $4  }
0x105: {  	[sflag:s1] =	ssyncset.done $0x0  }
0x106: {  	[sflag:s1] =	ssyncadd.s32 $0xFFFFF800  }
0x107: {  	_ =	swait.ge [sflag:s1], $0x800  }
0x108: {  	s18 =	sshra.s32 s17, $0x2;
	s16 =	smov.u32 s19;
	[sflag:s1] =	ssyncset.done $0x0  }
0x109: {  	s16 =	sadd.s32 $0x1400, s18;
	[sflag:s1] =	ssyncadd.s32 $0xFFFFF800  }
0x10a: {  	[tilespmem:s11], [sflag:$0x1] =	stream.indirect.gather.add.f32 [hbm:s4], $0x8, s16, s12, $0xb8;
	[tilespmem:$0x7080] =	vst v63  }
0x10b: {  	s19 =	sadd.s32 $0x1500, s18  }
0x10c: {  	[tilespmem:s11], [sflag:$0x1] =	stream.indirect.gather.add.f32 [hbm:s4], $0x8, s19, s12, $0xb8;
	[tilespmem:$0x7080] =	vst v63  }
0x10d: {  	s20 =	sadd.s32 $0x1600, s18  }
0x10e: {  	[tilespmem:s11], [sflag:$0x1] =	stream.indirect.gather.add.f32 [hbm:s4], $0x8, s20, s12, $0xb8;
	[tilespmem:$0x7080] =	vst v63  }
0x10f: {  	s17 =	sadd.s32 $0x1700, s18  }
0x110: {  	[tilespmem:s11], [sflag:$0x1] =	stream.indirect.gather.add.f32 [hbm:s4], $0x8, s17, s12, $0xb8;
	[tilespmem:$0x7080] =	vst v63  }
0x111: {  	s19 =	sadd.s32 $0x1800, s18  }
0x112: {  	[tilespmem:s11], [sflag:$0x1] =	stream.indirect.gather.add.f32 [hbm:s4], $0x8, s19, s12, $0xb8;
	[tilespmem:$0x7080] =	vst v63  }
0x113: {  	s20 =	sadd.s32 $0x1900, s18  }
0x114: {  	[tilespmem:s11], [sflag:$0x1] =	stream.indirect.gather.add.f32 [hbm:s4], $0x8, s20, s12, $0xb8;
	[tilespmem:$0x7080] =	vst v63  }
0x115: {  	s17 =	sadd.s32 $0x1A00, s18  }
0x116: {  	[tilespmem:s11], [sflag:$0x1] =	stream.indirect.gather.add.f32 [hbm:s4], $0x8, s17, s12, $0xb8;
	[tilespmem:$0x7080] =	vst v63  }
0x117: {  	s19 =	sadd.s32 $0x1B00, s18  }
0x118: {  	[tilespmem:s11], [sflag:$0x1] =	stream.indirect.gather.add.f32 [hbm:s4], $0x8, s19, s12, $0xb8;
	[tilespmem:$0x7080] =	vst v63  }
0x119: {  	s20 =	sadd.s32 $0x1C00, s18  }
0x11a: {  	[tilespmem:s11], [sflag:$0x1] =	stream.indirect.gather.add.f32 [hbm:s4], $0x8, s20, s12, $0xb8;
	[tilespmem:$0x7080] =	vst v63  }
0x11b: {  	s17 =	sadd.s32 $0x1D00, s18  }
0x11c: {  	[tilespmem:s11], [sflag:$0x1] =	stream.indirect.gather.add.f32 [hbm:s4], $0x8, s17, s12, $0xb8;
	[tilespmem:$0x7080] =	vst v63  }
0x11d: {  	s19 =	sadd.s32 $0x1E00, s18  }
0x11e: {  	[tilespmem:s11], [sflag:$0x1] =	stream.indirect.gather.add.f32 [hbm:s4], $0x8, s19, s12, $0xb8;
	[tilespmem:$0x7080] =	vst v63  }
0x11f: {  	s20 =	sadd.s32 $0x1F00, s18  }
0x120: {  	[tilespmem:s11], [sflag:$0x1] =	stream.indirect.gather.add.f32 [hbm:s4], $0x8, s20, s12, $0xb8;
	[tilespmem:$0x7080] =	vst v63  }
0x121: {  	s17 =	sadd.s32 $0x2000, s18  }
0x122: {  	[tilespmem:s11], [sflag:$0x1] =	stream.indirect.gather.add.f32 [hbm:s4], $0x8, s17, s12, $0xb8;
	[tilespmem:$0x7080] =	vst v63  }
0x123: {  	s19 =	sadd.s32 $0x2100, s18  }
0x124: {  	[tilespmem:s11], [sflag:$0x1] =	stream.indirect.gather.add.f32 [hbm:s4], $0x8, s19, s12, $0xb8;
	[tilespmem:$0x7080] =	vst v63  }
0x125: {  	s20 =	sadd.s32 $0x2200, s18  }
0x126: {  	[tilespmem:s11], [sflag:$0x1] =	stream.indirect.gather.add.f32 [hbm:s4], $0x8, s20, s12, $0xb8;
	[tilespmem:$0x7080] =	vst v63  }
0x127: {  	s17 =	sadd.s32 $0x2300, s18  }
0x128: {  	[tilespmem:s11], [sflag:$0x1] =	stream.indirect.gather.add.f32 [hbm:s4], $0x8, s17, s12, $0xb8;
	[tilespmem:$0x7080] =	vst v63  }
0x129: {  	s19 =	sadd.s32 $0x2400, s18  }
0x12a: {  	[tilespmem:s11], [sflag:$0x1] =	stream.indirect.gather.add.f32 [hbm:s4], $0x8, s19, s12, $0xb8;
	[tilespmem:$0x7080] =	vst v63  }
0x12b: {  	s20 =	sadd.s32 $0x2500, s18  }
0x12c: {  	[tilespmem:s11], [sflag:$0x1] =	stream.indirect.gather.add.f32 [hbm:s4], $0x8, s20, s12, $0xb8;
	[tilespmem:$0x7080] =	vst v63  }
0x12d: {  	s17 =	sadd.s32 $0x2600, s18  }
0x12e: {  	[tilespmem:s11], [sflag:$0x1] =	stream.indirect.gather.add.f32 [hbm:s4], $0x8, s17, s12, $0xb8;
	[tilespmem:$0x7080] =	vst v63  }
0x12f: {  	s18 =	sadd.s32 $0x2700, s18  }
0x130: {  	[tilespmem:s11], [sflag:$0x1] =	stream.indirect.gather.add.f32 [hbm:s4], $0x8, s18, s12, $0xb8;
	[tilespmem:$0x7080] =	vst v63  }
0x131: {  	_ =	swait.ge [sflag:s1], $0x800  }
0x132: {  	[sflag:s1] =	ssyncset.done $0x0  }
0x133: {  	[sflag:s1] =	ssyncadd.s32 $0xFFFFF800  }
0x134: {  	_ =	swait.ge [sflag:s1], $0x800  }
0x135: {  	[sflag:s1] =	ssyncset.done $0x0  }
0x136: {  	[sflag:s1] =	ssyncadd.s32 $0xFFFFF800  }
0x137: {  	_ =	swait.ge [sflag:s1], $0x800  }
0x138: {  	[sflag:s1] =	ssyncset.done $0x0  }
0x139: {  	[sflag:s1] =	ssyncadd.s32 $0xFFFFF800  }
0x13a: {  	_ =	swait.ge [sflag:s1], $0x800  }
0x13b: {  	[sflag:s1] =	ssyncset.done $0x0  }
0x13c: {  	[sflag:s1] =	ssyncadd.s32 $0xFFFFF800  }
0x13d: {  	_ =	swait.ge [sflag:s1], $0x800  }
0x13e: {  	[sflag:s1] =	ssyncset.done $0x0  }
0x13f: {  	[sflag:s1] =	ssyncadd.s32 $0xFFFFF800  }
0x140: {  	_ =	swait.ge [sflag:s1], $0x800  }
0x141: {  	[sflag:s1] =	ssyncset.done $0x0  }
0x142: {  	[sflag:s1] =	ssyncadd.s32 $0xFFFFF800  }
0x143: {  	_ =	swait.ge [sflag:s1], $0x800  }
0x144: {  	[sflag:s1] =	ssyncset.done $0x0  }
0x145: {  	[sflag:s1] =	ssyncadd.s32 $0xFFFFF800  }
0x146: {  	_ =	swait.ge [sflag:s1], $0x800  }
0x147: {  	[sflag:s1] =	ssyncset.done $0x0  }
0x148: {  	[sflag:s1] =	ssyncadd.s32 $0xFFFFF800  }
0x149: {  	_ =	swait.ge [sflag:s1], $0x800  }
0x14a: {  	[sflag:s1] =	ssyncset.done $0x0  }
0x14b: {  	[sflag:s1] =	ssyncadd.s32 $0xFFFFF800  }
0x14c: {  	_ =	swait.ge [sflag:s1], $0x800  }
0x14d: {  	[sflag:s1] =	ssyncset.done $0x0  }
0x14e: {  	[sflag:s1] =	ssyncadd.s32 $0xFFFFF800  }
0x14f: {  	_ =	swait.ge [sflag:s1], $0x800  }
0x150: {  	[sflag:s1] =	ssyncset.done $0x0  }
0x151: {  	[sflag:s1] =	ssyncadd.s32 $0xFFFFF800  }
0x152: {  	_ =	swait.ge [sflag:s1], $0x800  }
0x153: {  	[sflag:s1] =	ssyncset.done $0x0  }
0x154: {  	[sflag:s1] =	ssyncadd.s32 $0xFFFFF800  }
0x155: {  	_ =	swait.ge [sflag:s1], $0x800  }
0x156: {  	[sflag:s1] =	ssyncset.done $0x0  }
0x157: {  	[sflag:s1] =	ssyncadd.s32 $0xFFFFF800  }
0x158: {  	_ =	swait.ge [sflag:s1], $0x800  }
0x159: {  	[sflag:s1] =	ssyncset.done $0x0  }
0x15a: {  	[sflag:s1] =	ssyncadd.s32 $0xFFFFF800  }
0x15b: {  	_ =	swait.ge [sflag:s1], $0x800  }
0x15c: {  	[sflag:s1] =	ssyncset.done $0x0  }
0x15d: {  	[sflag:s1] =	ssyncadd.s32 $0xFFFFF800  }
0x15e: {  	_ =	swait.ge [sflag:s1], $0x800  }
0x15f: {  	[sflag:s1] =	ssyncset.done $0x0  }
0x160: {  	[sflag:s1] =	ssyncadd.s32 $0xFFFFF800  }
0x161: {  	_ =	swait.ge [sflag:s1], $0x800  }
0x162: {  	[sflag:s1] =	ssyncset.done $0x0  }
0x163: {  	[sflag:s1] =	ssyncadd.s32 $0xFFFFF800  }
0x164: {  	_ =	swait.ge [sflag:s1], $0x800  }
0x165: {  	[sflag:s1] =	ssyncset.done $0x0  }
0x166: {  	[sflag:s1] =	ssyncadd.s32 $0xFFFFF800  }
0x167: {  	_ =	swait.ge [sflag:s1], $0x800  }
0x168: {  	[sflag:s1] =	ssyncset.done $0x0  }
0x169: {  	[sflag:s1] =	ssyncadd.s32 $0xFFFFF800  }
0x16a: {  	_ =	swait.ge [sflag:s1], $0x800  }
0x16b: {  	[sflag:s1] =	ssyncset.done $0x0  }
0x16c: {  	[sflag:s1] =	ssyncadd.s32 $0xFFFFF800  }
0x16d: {  	_ =	swait.ge [sflag:s1], $0x800  }
0x16e: {  	[sflag:s1] =	ssyncset.done $0x0  }
0x16f: {  	[sflag:s1] =	ssyncadd.s32 $0xFFFFF800  }
0x170: {  	_ =	swait.ge [sflag:s1], $0x800  }
0x171: {  	[sflag:s1] =	ssyncset.done $0x0  }
0x172: {  	[sflag:s1] =	ssyncadd.s32 $0xFFFFF800  }
0x173: {  	_ =	swait.ge [sflag:s1], $0x800  }
0x174: {  	[sflag:s1] =	ssyncset.done $0x0  }
0x175: {  	[sflag:s1] =	ssyncadd.s32 $0xFFFFF800  }
0x176: {  	_ =	swait.ge [sflag:s1], $0x800  }
0x177: {  	[sflag:s1] =	ssyncset.done $0x0  }
0x178: {  	[sflag:s1] =	ssyncadd.s32 $0xFFFFF800  }
0x179: {  	_ =	swait.ge [sflag:s1], $0x800  }
0x17a: {  	[sflag:s1] =	ssyncset.done $0x0  }
0x17b: {  	[sflag:s1] =	ssyncadd.s32 $0xFFFFF800  }
0x17c: {  	_ =	swait.ge [sflag:s1], $0x800  }
0x17d: {  	[sflag:s1] =	ssyncset.done $0x0  }
0x17e: {  	[sflag:s1] =	ssyncadd.s32 $0xFFFFF800  }
0x17f: {  	_ =	swait.ge [sflag:s1], $0x800  }
0x180: {  	[sflag:s1] =	ssyncset.done $0x0  }
0x181: {  	[sflag:s1] =	ssyncadd.s32 $0xFFFFF800  }
0x182: {  	_ =	swait.ge [sflag:s1], $0x800  }
0x183: {  	[sflag:s1] =	ssyncset.done $0x0  }
0x184: {  	[sflag:s1] =	ssyncadd.s32 $0xFFFFF800  }
0x185: {  	_ =	swait.ge [sflag:s1], $0x800  }
0x186: {  	[sflag:s1] =	ssyncset.done $0x0  }
0x187: {  	[sflag:s1] =	ssyncadd.s32 $0xFFFFF800  }
0x188: {  	_ =	swait.ge [sflag:s1], $0x800  }
0x189: {  	[sflag:s1] =	ssyncset.done $0x0  }
0x18a: {  	[sflag:s1] =	ssyncadd.s32 $0xFFFFF800  }
0x18b: {  	_ =	swait.ge [sflag:s1], $0x800  }
0x18c: {  	[sflag:s1] =	ssyncset.done $0x0  }
0x18d: {  	[sflag:s1] =	ssyncadd.s32 $0xFFFFF800  }
0x18e: {  	_ =	swait.ge [sflag:s1], $0x800  }
0x18f: {  	[sflag:s1] =	ssyncset.done $0x0  }
0x190: {  	[sflag:s1] =	ssyncadd.s32 $0xFFFFF800  }
0x191: {  	_ =	swait.ge [sflag:s1], $0x800  }
0x192: {  	[sflag:s1] =	ssyncset.done $0x0  }
0x193: {  	[sflag:s1] =	ssyncadd.s32 $0xFFFFF800  }
0x194: {  	_ =	swait.ge [sflag:s1], $0x800  }
0x195: {  	[sflag:s1] =	ssyncset.done $0x0  }
0x196: {  	[sflag:s1] =	ssyncadd.s32 $0xFFFFF800  }
0x197: {  	_ =	swait.ge [sflag:s1], $0x800  }
0x198: {  	[sflag:s1] =	ssyncset.done $0x0  }
0x199: {  	[sflag:s1] =	ssyncadd.s32 $0xFFFFF800  }
0x19a: {  	_ =	swait.ge [sflag:s1], $0x800  }
0x19b: {  	[sflag:s1] =	ssyncset.done $0x0  }
0x19c: {  	[sflag:s1] =	ssyncadd.s32 $0xFFFFF800  }
0x19d: {  	_ =	swait.ge [sflag:s1], $0x800  }
0x19e: {  	[sflag:s1] =	ssyncset.done $0x0  }
0x19f: {  	[sflag:s1] =	ssyncadd.s32 $0xFFFFF800  }
0x1a0: {  	_ =	swait.ge [sflag:s1], $0x800  }
0x1a1: {  	[sflag:s1] =	ssyncset.done $0x0  }
0x1a2: {  	[sflag:s1] =	ssyncadd.s32 $0xFFFFF800  }
0x1a3: {  	_ =	swait.ge [sflag:s1], $0x800  }
0x1a4: {  	[sflag:s1] =	ssyncset.done $0x0  }
0x1a5: {  	[sflag:s1] =	ssyncadd.s32 $0xFFFFF800  }
0x1a6: {  	_ =	swait.ge [sflag:s1], $0x800  }
0x1a7: {  	[sflag:s1] =	ssyncset.done $0x0  }
0x1a8: {  	[sflag:s1] =	ssyncadd.s32 $0xFFFFF800  }
0x1a9: {  	[tilespmem:$0x7000] =	vst v0  }
0x1aa: {  	[tilespmem:$0x7010] =	vst v1  }
0x1ab: {  	[tilespmem:$0x7020] =	vst v2  }
0x1ac: {  	[tilespmem:$0x7030] =	vst v3  }
0x1ad: {  	[tilespmem:$0x7040] =	vst v4  }
0x1ae: {  	[tilespmem:$0x7050] =	vst v5  }
0x1af: {  	[tilespmem:$0x7060] =	vst v6  }
0x1b0: {  	[tilespmem:$0x7070] =	vst v7  }
0x1b1: {  	[spmem:s7] =	stream.linear.scatter [tilespmem:s11], [sflag:$0x2], $0x400, $0x38;
	[tilespmem:$0x7080] =	vst v63  }
0x1b2: {  	_ =	swait.ge [sflag:s10], $0x400  }
0x1b3: {  	[sflag:s10] =	ssyncset.done $0x0  }
0x1b4: {  	[sflag:s10] =	ssyncadd.s32 $0xFFFFFC00  }
0x1b5: {  	s19 =	rddreg [dreg:$0x2]  }
0x1b6: {  	[spmem:s19] =	stream.indirect.scatter.add.f32 [tilespmem:s14], [sflag:$0x2], $0x8, s13, s2, $0xb8;
	[tilespmem:$0x7080] =	vst v63  }
0x1b7: {  	s15 =	sadd.s32 $0x1, s15;
	s20 =	sshll.u32 s0, $0x6;
	_ =	swait.ge [sflag:s10], $0x400  }
0x1b8: {  	p0 =	sne.s32 s15, s9;
	s16 =	sor.u32 $0x1C02, s20;
	[sflag:s10] =	ssyncset.done $0x0  }
.Ltmp1:
0x1b9: {  	s17 =	sshrl.u32 s7, $0x3;
	[sflag:s10] =	ssyncadd.s32 $0xFFFFFC00;
	(pc) =	sbr.rel @p0 .LBB2_1-.Ltmp1, $4  }
0x1ba: {  	[hbm:s8], [sflag:s16] =	dma.local [spmem:s17], $0x80  }
0x1bb: {  	_ =	swait.ge [sflag:s10], $0x80  }
0x1bc: {  	[sflag:s10] =	ssyncset.done $0x0  }
0x1bd: {  	[sflag:s10] =	ssyncadd.s32 $0xFFFFFF80  }
0x1be: {  	_ =	sfence.sel $0x180000  }
0x1bf: {  	[bflag:$0x0] =	sbarrier.arrive $0xFFFF  }
0x1c0: {  	_ =	strace $0x9000004A  }
0x1c1: {  	[bflag:$0x2] =	sbarrier.arrive $0xFFFF  }
0x1c2: {  	p0 =	sne.s32 s0, $0x0;
	s0 =	rddreg [dreg:$0x3]  }
0x1c3: {  	s0 =	sadd.s32 @!p0 $0x100000, s0  }
0x1c4: {  	[sflag:s0] =	ssyncadd.tile.s32 @!p0 $0x1;
	_ =	shalt  }
.Lfunc_end2:
_tile_overlayer_lowered:
.L_overlay_start_2:
0x1c5: {  	(tag) =	ssettag $0x2  }
0x1c6: {  	s0 =	rddreg [dreg:$0x0];
	s2 =	stileid.u32  }
0x1c7: {  	s1 =	rddreg [dreg:$0x1];
	p0 =	sne.s32 s2, $0x0  }
0x1c8: {  	s3 =	rddreg [dreg:$0x2];
	[bflag:$0x3] =	sbarrier.arrive $0xFFFF;
	s2 =	simm.s32 @!p0 $0x1C02  }
0x1c9: {  	[timem:s3], [sflag:s2] =	dma.local @!p0 [hbm:s0], s1  }
0x1ca: {  	s0 =	simm.s32 @!p0 $0x2  }
0x1cb: {  	_ =	swait.ge @!p0 [sflag:s0], s1  }
0x1cc: {  	s1 =	ssub.s32 @!p0 $0x0, s1;
	[sflag:s0] =	ssyncset.done @!p0 $0x0  }
0x1cd: {  	[sflag:s0] =	ssyncadd.s32 @!p0 s1  }
0x1ce: {  	[bflag:$0x3] =	sbarrier.arrive $0xFFFF  }
0x1cf: {  	_ =	shalt  }

</sc_bundles>
